<compile_context>
chip_gen: v7x
topology: tpu7x:2x2x1
jax: 0.10.2.dev20260603
libtpu: 0.0.44.dev20260713+nightly
codegen_flags: <defaults>
</compile_context>

<pallas_src>
import functools

import jax
import jax.numpy as jnp
from jax.experimental import pallas as pl
from jax.experimental.pallas import tpu as pltpu
from jax.experimental.pallas import tpu_sc as plsc

V_SIZE = 100000
N_POS = 50
EMB = 128
HID = 256

_GATHER_WINDOW = 128


def _sc_gather(table, idx_rows):
    num_windows = idx_rows.shape[0]
    num_indices = num_windows * _GATHER_WINDOW
    mesh = plsc.VectorSubcoreMesh(core_axis_name="c", subcore_axis_name="s")

    @functools.partial(
        pl.kernel,
        out_type=jax.ShapeDtypeStruct((num_indices, EMB), table.dtype),
        mesh=mesh,
    )
    def gather_kernel(table_hbm, idx_hbm, out_hbm):
        def body(idx_vmem, out_vmem):
            pltpu.sync_copy(table_hbm.at[idx_vmem.at[0]], out_vmem)

        pltpu.emit_pipeline(
            body,
            grid=(num_windows,),
            in_specs=[
                pl.BlockSpec((1, _GATHER_WINDOW), index_map=lambda i: (i, 0))
            ],
            out_specs=[
                pl.BlockSpec((_GATHER_WINDOW, EMB), index_map=lambda i: (i, 0))
            ],
            core_axis_name=("c", "s"),
            dimension_semantics=(pltpu.PARALLEL,),
        )(idx_hbm, out_hbm)

    return gather_kernel(table, idx_rows)


def _mlp_body_first(x_ref, p_ref, w1_ref, b1_ref, w2_ref, b2_ref, o_ref):
    h = x_ref[...] + p_ref[...]
    a = jnp.dot(h, w1_ref[...], preferred_element_type=jnp.float32)
    a = jnp.maximum(a + b1_ref[...], 0.0)
    o = jnp.dot(a, w2_ref[...], preferred_element_type=jnp.float32)
    o = o + b2_ref[...]
    o_ref[...] = o.reshape(o_ref.shape)


def _mlp_body_alias(buf_ref, x_ref, p_ref, w1_ref, b1_ref, w2_ref, b2_ref,
                    o_ref):
    del buf_ref
    _mlp_body_first(x_ref, p_ref, w1_ref, b1_ref, w2_ref, b2_ref, o_ref)


def _mlp_chunk(buf, block0, gathered, pos_tiled, W1, b1, W2, b2,
               block_rows, batch):
    n_rows = gathered.shape[0]
    bb = block_rows // N_POS
    blocks_per_chunk = n_rows // block_rows

    data_specs = [
        pl.BlockSpec((block_rows, EMB), lambda i: (i, 0)),
        pl.BlockSpec((block_rows, EMB), lambda i: (0, 0)),
        pl.BlockSpec((EMB, HID), lambda i: (0, 0)),
        pl.BlockSpec((1, HID), lambda i: (0, 0)),
        pl.BlockSpec((HID, EMB), lambda i: (0, 0)),
        pl.BlockSpec((1, EMB), lambda i: (0, 0)),
    ]
    out_spec = pl.BlockSpec(
        (bb, N_POS, EMB), lambda i: (block0 + i, 0, 0)
    )
    out_type = jax.ShapeDtypeStruct((batch, N_POS, EMB), jnp.float32)
    cp = pltpu.CompilerParams(dimension_semantics=("parallel",))
    args = (gathered, pos_tiled, W1, b1, W2, b2)
    if buf is None:
        return pl.pallas_call(
            _mlp_body_first,
            grid=(blocks_per_chunk,),
            in_specs=data_specs,
            out_specs=out_spec,
            out_shape=out_type,
            compiler_params=cp,
        )(*args)
    return pl.pallas_call(
        _mlp_body_alias,
        grid=(blocks_per_chunk,),
        in_specs=[pl.BlockSpec(memory_space=pl.ANY)] + data_specs,
        out_specs=out_spec,
        out_shape=out_type,
        input_output_aliases={0: 0},
        compiler_params=cp,
    )(buf, *args)


_CHUNK_BATCHES = (2048, 1536, 512)


def kernel(x, mask, emb_table, pos_table, W1, b1, W2, b2):
    B, N = x.shape
    xi = jnp.where(mask, V_SIZE - 1, x).astype(jnp.int32)
    idx_rows = xi.reshape(-1, _GATHER_WINDOW)
    block_rows = 6400
    bb = block_rows // N
    pos_tiled = jnp.tile(pos_table, (block_rows // N, 1))
    b1r = b1.reshape(1, HID)
    b2r = b2.reshape(1, EMB)

    buf = None
    batch0 = 0
    for chunk_batch in _CHUNK_BATCHES:
        idx_k = jax.lax.slice_in_dim(
            idx_rows, batch0 * N // _GATHER_WINDOW,
            (batch0 + chunk_batch) * N // _GATHER_WINDOW,
        )
        gathered = _sc_gather(emb_table, idx_k)
        buf = _mlp_chunk(
            buf, batch0 // bb, gathered, pos_tiled, W1, b1r, W2, b2r,
            block_rows, B,
        )
        batch0 += chunk_batch
    return buf

# --- scband reference (transcript-rebuilt; emitter-appended) ---
"""Pipeline reference for scband-encoder-63462436766076 (READ-ONLY COPY).

The authoritative reference and input builder live on the scoring server;
editing this copy changes nothing except your own understanding.
"""

import jax, jax.numpy as jnp
import numpy as np

V_SIZE = 100000
N_POS = 50
EMB = 128
HID = 256
BATCH = 4096


def setup_inputs(seed: int = 0) -> dict:
    key = jax.random.key(seed)
    k1, k2, k3, k4, k5, k6, k7 = jax.random.split(key, 7)
    x = jax.random.randint(k1, (BATCH, N_POS), 0, V_SIZE, dtype=jnp.int64) if jax.config.jax_enable_x64 else jax.random.randint(k1, (BATCH, N_POS), 0, V_SIZE, dtype=jnp.int32)
    mask = jnp.zeros((BATCH, N_POS), dtype=jnp.bool_)
    emb_table = jax.random.normal(k2, (V_SIZE, EMB), dtype=jnp.float32)
    pos_table = jax.random.normal(k3, (N_POS, EMB), dtype=jnp.float32)
    W1 = jax.random.normal(k4, (EMB, HID), dtype=jnp.float32) * (1.0 / np.sqrt(EMB))
    b1 = jax.random.normal(k5, (HID,), dtype=jnp.float32) * 0.01
    W2 = jax.random.normal(k6, (HID, EMB), dtype=jnp.float32) * (1.0 / np.sqrt(HID))
    b2 = jax.random.normal(k7, (EMB,), dtype=jnp.float32) * 0.01
    return {"x": x, "mask": mask, "emb_table": emb_table, "pos_table": pos_table, "W1": W1, "b1": b1, "W2": W2, "b2": b2}


def reference(x, mask, emb_table, pos_table, W1, b1, W2, b2):
    # x.masked_fill(mask, v_size - 1)
    xi = jnp.where(mask, V_SIZE - 1, x)
    # embedding lookup (SparseCore gather)
    h = jnp.take(emb_table, xi, axis=0)  # [B, N, E]
    # position embedding added with broadcast over batch
    po = jnp.take(pos_table, jnp.arange(xi.shape[1]), axis=0)[None, :, :]
    h = h + po
    # MLP: Linear(E, HID) -> ReLU -> Linear(HID, E)
    h = jnp.maximum(h @ W1 + b1, 0.0)
    h = h @ W2 + b2
    return h

if __name__ == "__main__":
    import jax
    _d = setup_inputs()
    print(jax.jit(kernel)(*tuple(_d.values())))

</pallas_src>

<mosaic_0001>
#map = affine_map<(d0, d1) -> (0, 0)>
module attributes {stable_mosaic.version = 14 : i64} {
  func.func @gather_kernel(%arg0: i32, %arg1: i32, %arg2: memref<100000x128xf32, #tpu.memory_space<hbm>>, %arg3: memref<600x128xi32, #tpu.memory_space<hbm>>, %arg4: memref<76800x128xf32, #tpu.memory_space<hbm>>) attributes {dimension_semantics = [#tpu.dimension_semantics<core_parallel>, #tpu.dimension_semantics<subcore_parallel>], iteration_bounds = array<i64: 2, 16>, scalar_prefetch = 0 : i64, scratch_operands = 0 : i64, tpu.core_type = #tpu.core_type<sc_vector_subcore>, window_params = [{transform_indices = #map}, {transform_indices = #map}, {transform_indices = #map}]} {
    %mul3A = arith.constant 1 : i32
    %mul3A_0 = arith.muli %arg1, %mul3A : i32
    %add3A = arith.constant 0 : i32
    %add3A_1 = arith.addi %add3A, %mul3A_0 : i32
    %mul3A_2 = arith.constant 16 : i32
    %mul3A_3 = arith.muli %arg0, %mul3A_2 : i32
    %add3A_4 = arith.addi %add3A_1, %mul3A_3 : i32
    %lt3A = arith.constant 24 : i32
    %lt3A_5 = arith.cmpi slt, %add3A_4, %lt3A : i32
    %jit3A = arith.constant 19 : i32
    %jit3A_6 = arith.constant 18 : i32
    %select_n3A = arith.select %lt3A_5, %jit3A, %jit3A_6 : i32
    %lt3A_7 = arith.constant 24 : i32
    %lt3A_8 = arith.cmpi slt, %add3A_4, %lt3A_7 : i32
    %mul3A_9 = arith.muli %add3A_4, %select_n3A : i32
    %mul3A_10 = arith.constant 18 : i32
    %mul3A_11 = arith.muli %add3A_4, %mul3A_10 : i32
    %add3A_12 = arith.constant 24 : i32
    %add3A_13 = arith.addi %mul3A_11, %add3A_12 : i32
    %select_n3A_14 = arith.select %lt3A_8, %mul3A_9, %add3A_13 : i32
    %mul3A_15 = arith.constant 1 : i32
    %mul3A_16 = arith.muli %mul3A_15, %select_n3A : i32
    "tpu.region"() ({
      %run_scoped3A = memref.alloca() : memref<2x1x128xi32, #tpu.memory_space<vmem>>
      %run_scoped3A_17 = tpu.sem_alloc : memref<2x!tpu.dma_semaphore, #tpu.memory_space<semaphore_mem>>
      %run_scoped3A_18 = memref.alloca() : memref<2x128x128xf32, #tpu.memory_space<vmem>>
      %run_scoped3A_19 = tpu.sem_alloc : memref<2x!tpu.dma_semaphore, #tpu.memory_space<semaphore_mem>>
      %gt3A = arith.constant 0 : i32
      %gt3A_20 = arith.cmpi sgt, %mul3A_16, %gt3A : i32
      %convert_element_type3A = arith.extui %gt3A_20 : i1 to i32
      %cond3A = arith.constant 0 : i32
      %cond3A_21 = arith.cmpi ne, %convert_element_type3A, %cond3A : i32
      scf.if %cond3A_21 {
        %mul3A_22 = arith.constant 1 : i32
        %mul3A_23 = arith.muli %mul3A_22, %select_n3A : i32
        %sub3A = arith.constant 1 : i32
        %sub3A_24 = arith.subi %mul3A_23, %sub3A : i32
        %eq3A = arith.constant 0 : i32
        %eq3A_25 = arith.cmpi eq, %sub3A_24, %eq3A : i32
        %add3A_26 = arith.constant 0 : i32
        %add3A_27 = arith.addi %add3A_26, %select_n3A_14 : i32
        %select_n3A_28 = arith.constant true
        %select_n3A_29 = arith.constant 0 : i32
        %select_n3A_30 = arith.constant -1 : i32
        %select_n3A_31 = arith.select %select_n3A_28, %select_n3A_30, %select_n3A_29 : i32
        %eq3A_32 = arith.constant -1 : i32
        %eq3A_33 = arith.cmpi eq, %select_n3A_31, %eq3A_32 : i32
        %sub3A_34 = arith.constant 1 : i32
        %sub3A_35 = arith.subi %select_n3A, %sub3A_34 : i32
        %select_n3A_36 = arith.select %eq3A_33, %sub3A_35, %select_n3A_31 : i32
        %add3A_37 = arith.addi %select_n3A_36, %select_n3A_14 : i32
        %select_n3A_38 = arith.constant true
        %select_n3A_39 = arith.constant 0 : i32
        %select_n3A_40 = arith.constant 1 : i32
        %select_n3A_41 = arith.select %select_n3A_38, %select_n3A_40, %select_n3A_39 : i32
        %eq3A_42 = arith.cmpi eq, %select_n3A_41, %select_n3A : i32
        %select_n3A_43 = arith.constant 0 : i32
        %select_n3A_44 = arith.select %eq3A_42, %select_n3A_43, %select_n3A_41 : i32
        %add3A_45 = arith.addi %select_n3A_44, %select_n3A_14 : i32
        %add3A_46 = arith.constant 1 : i32
        %add3A_47 = arith.addi %select_n3A_44, %add3A_46 : i32
        %select_n3A_48 = arith.constant true
        %select_n3A_49 = arith.select %select_n3A_48, %add3A_47, %select_n3A_44 : i32
        %eq3A_50 = arith.cmpi eq, %select_n3A_49, %select_n3A : i32
        %select_n3A_51 = arith.constant 0 : i32
        %select_n3A_52 = arith.select %eq3A_50, %select_n3A_51, %select_n3A_49 : i32
        %add3A_53 = arith.addi %select_n3A_52, %select_n3A_14 : i32
        "tpu.trace_start"() <{level = 10 : i32, message = "ep_initialize_0"}> : () -> ()
        %rem3A = arith.constant 0 : i32
        %rem3A_54 = arith.constant 2 : i32
        %rem3A_55 = arith.remui %rem3A, %rem3A_54 : i32
        %mul3A_56 = arith.constant 1 : i32
        %mul3A_57 = arith.muli %mul3A_56, %add3A_27 : i32
        %dma_start3A = arith.constant 0 : i32
        %dma_start3A_58 = arith.constant 0 : i32
        %dma_start3A_59 = tpu.memref_slice %run_scoped3A[%rem3A_55, %dma_start3A, %dma_start3A_58] : memref<2x1x128xi32, #tpu.memory_space<vmem>> -> memref<1x1x128xi32, #tpu.memory_space<vmem>>
        %dma_start3A_60 = tpu.memref_squeeze %dma_start3A_59 : memref<1x1x128xi32, #tpu.memory_space<vmem>> -> memref<1x128xi32, #tpu.memory_space<vmem>>
        %dma_start3A_61 = arith.constant 0 : i32
        %dma_start3A_62 = tpu.memref_slice %arg3[%mul3A_57, %dma_start3A_61] : memref<600x128xi32, #tpu.memory_space<hbm>> -> memref<1x128xi32, #tpu.memory_space<hbm>>
        %dma_start3A_63 = tpu.memref_slice %run_scoped3A_17[%rem3A_55] : memref<2x!tpu.dma_semaphore, #tpu.memory_space<semaphore_mem>> -> memref<1x!tpu.dma_semaphore, #tpu.memory_space<semaphore_mem>>
        %dma_start3A_64 = tpu.memref_squeeze %dma_start3A_63 : memref<1x!tpu.dma_semaphore, #tpu.memory_space<semaphore_mem>> -> memref<!tpu.dma_semaphore, #tpu.memory_space<semaphore_mem>>
        %dma_start3A_65 = arith.constant 0 : i32
        %dma_start3A_66 = arith.constant 0 : i32
        %dma_start3A_67 = tpu.memref_slice %run_scoped3A[%rem3A_55, %dma_start3A_65, %dma_start3A_66] : memref<2x1x128xi32, #tpu.memory_space<vmem>> -> memref<1x1x128xi32, #tpu.memory_space<vmem>>
        %dma_start3A_68 = tpu.memref_squeeze %dma_start3A_67 : memref<1x1x128xi32, #tpu.memory_space<vmem>> -> memref<1x128xi32, #tpu.memory_space<vmem>>
        %dma_start3A_69 = arith.constant 0 : i32
        %dma_start3A_70 = tpu.memref_slice %arg3[%mul3A_57, %dma_start3A_69] : memref<600x128xi32, #tpu.memory_space<hbm>> -> memref<1x128xi32, #tpu.memory_space<hbm>>
        tpu.enqueue_dma source(%dma_start3A_70 : memref<1x128xi32, #tpu.memory_space<hbm>>) target(%dma_start3A_68 : memref<1x128xi32, #tpu.memory_space<vmem>>) target_semaphore(%dma_start3A_64 : memref<!tpu.dma_semaphore, #tpu.memory_space<semaphore_mem>>)
        %add3A_71 = arith.constant 0 : i32
        %add3A_72 = arith.constant 1 : i32
        %add3A_73 = arith.addi %add3A_71, %add3A_72 : i32
        %select_n3A_74 = arith.constant true
        %select_n3A_75 = arith.constant 0 : i32
        %select_n3A_76 = arith.select %select_n3A_74, %add3A_73, %select_n3A_75 : i32
        %while3A = arith.constant 0 : i32
        %while3A_77 = arith.constant 0 : i32
        %while3A_78 = arith.constant 0 : i32
        %while3A_79 = arith.constant 0 : i32
        %while3A_80 = arith.constant 0 : i32
        "tpu.trace_stop"() : () -> ()
        %while3A_81 = arith.subi %mul3A_16, %while3A : i32
        %while3A_82 = arith.addi %while3A, %while3A_81 : i32
        %while3A_83 = arith.constant 1 : i32
        %while3A_84 = arith.divsi %while3A_81, %while3A_83 : i32
        %while3A_85 = arith.muli %while3A_84, %while3A_83 : i32
        %while3A_86 = arith.addi %while3A, %while3A_85 : i32
        %while3A_87 = arith.constant 1 : i32
        %while3A_88:5 = scf.for %while3A_142 = %while3A to %while3A_86 step %while3A_87 iter_args(%while3A_143 = %select_n3A_76, %while3A_144 = %while3A_77, %while3A_145 = %while3A_78, %while3A_146 = %while3A_79, %while3A_147 = %while3A_80) -> (i32, i32, i32, i32, i32)  : i32 {
          %mul3A_148 = arith.constant 1 : i32
          %mul3A_149 = arith.muli %mul3A_148, %select_n3A : i32
          %eq3A_150 = arith.constant 0 : i32
          %eq3A_151 = arith.cmpi eq, %while3A_142, %eq3A_150 : i32
          %sub3A_152 = arith.constant 1 : i32
          %sub3A_153 = arith.subi %mul3A_149, %sub3A_152 : i32
          %eq3A_154 = arith.cmpi eq, %while3A_142, %sub3A_153 : i32
          %add3A_155 = arith.addi %while3A_147, %select_n3A_14 : i32
          %sub3A_156 = arith.constant 1 : i32
          %sub3A_157 = arith.subi %while3A_147, %sub3A_156 : i32
          %select_n3A_158 = arith.constant true
          %select_n3A_159 = arith.select %select_n3A_158, %sub3A_157, %while3A_147 : i32
          %eq3A_160 = arith.constant -1 : i32
          %eq3A_161 = arith.cmpi eq, %select_n3A_159, %eq3A_160 : i32
          %sub3A_162 = arith.constant 1 : i32
          %sub3A_163 = arith.subi %select_n3A, %sub3A_162 : i32
          %select_n3A_164 = arith.select %eq3A_161, %sub3A_163, %select_n3A_159 : i32
          %add3A_165 = arith.addi %select_n3A_164, %select_n3A_14 : i32
          %add3A_166 = arith.constant 1 : i32
          %add3A_167 = arith.addi %while3A_147, %add3A_166 : i32
          %select_n3A_168 = arith.constant true
          %select_n3A_169 = arith.select %select_n3A_168, %add3A_167, %while3A_147 : i32
          %eq3A_170 = arith.cmpi eq, %select_n3A_169, %select_n3A : i32
          %select_n3A_171 = arith.constant 0 : i32
          %select_n3A_172 = arith.select %eq3A_170, %select_n3A_171, %select_n3A_169 : i32
          %add3A_173 = arith.addi %select_n3A_172, %select_n3A_14 : i32
          %add3A_174 = arith.constant 1 : i32
          %add3A_175 = arith.addi %select_n3A_172, %add3A_174 : i32
          %select_n3A_176 = arith.constant true
          %select_n3A_177 = arith.select %select_n3A_176, %add3A_175, %select_n3A_172 : i32
          %eq3A_178 = arith.cmpi eq, %select_n3A_177, %select_n3A : i32
          %select_n3A_179 = arith.constant 0 : i32
          %select_n3A_180 = arith.select %eq3A_178, %select_n3A_179, %select_n3A_177 : i32
          %add3A_181 = arith.addi %select_n3A_180, %select_n3A_14 : i32
          %ne3A = arith.cmpi ne, %add3A_155, %add3A_173 : i32
          %or3A = arith.constant false
          %or3A_182 = arith.ori %or3A, %ne3A : i1
          %or3A_183 = arith.constant false
          %or3A_184 = arith.ori %or3A_182, %or3A_183 : i1
          %sub3A_185 = arith.constant 2 : i32
          %sub3A_186 = arith.subi %mul3A_149, %sub3A_185 : i32
          %add3A_187 = arith.constant 1 : i32
          %add3A_188 = arith.addi %sub3A_186, %add3A_187 : i32
          %ge3A = arith.cmpi sge, %while3A_142, %add3A_188 : i32
          %not3A = arith.constant true
          %not3A_189 = arith.xori %ge3A, %not3A : i1
          %and3A = arith.andi %or3A_184, %not3A_189 : i1
          %convert_element_type3A_190 = arith.extui %and3A : i1 to i32
          %cond3A_191 = arith.constant 0 : i32
          %cond3A_192 = arith.cmpi ne, %convert_element_type3A_190, %cond3A_191 : i32
          scf.if %cond3A_192 {
            "tpu.trace_start"() <{level = 10 : i32, message = "ep_copy_in"}> : () -> ()
            %rem3A_304 = arith.constant 2 : i32
            %rem3A_305 = arith.remui %while3A_143, %rem3A_304 : i32
            %mul3A_306 = arith.constant 1 : i32
            %mul3A_307 = arith.muli %mul3A_306, %add3A_173 : i32
            %dma_start3A_308 = arith.constant 0 : i32
            %dma_start3A_309 = arith.constant 0 : i32
            %dma_start3A_310 = tpu.memref_slice %run_scoped3A[%rem3A_305, %dma_start3A_308, %dma_start3A_309] : memref<2x1x128xi32, #tpu.memory_space<vmem>> -> memref<1x1x128xi32, #tpu.memory_space<vmem>>
            %dma_start3A_311 = tpu.memref_squeeze %dma_start3A_310 : memref<1x1x128xi32, #tpu.memory_space<vmem>> -> memref<1x128xi32, #tpu.memory_space<vmem>>
            %dma_start3A_312 = arith.constant 0 : i32
            %dma_start3A_313 = tpu.memref_slice %arg3[%mul3A_307, %dma_start3A_312] : memref<600x128xi32, #tpu.memory_space<hbm>> -> memref<1x128xi32, #tpu.memory_space<hbm>>
            %dma_start3A_314 = tpu.memref_slice %run_scoped3A_17[%rem3A_305] : memref<2x!tpu.dma_semaphore, #tpu.memory_space<semaphore_mem>> -> memref<1x!tpu.dma_semaphore, #tpu.memory_space<semaphore_mem>>
            %dma_start3A_315 = tpu.memref_squeeze %dma_start3A_314 : memref<1x!tpu.dma_semaphore, #tpu.memory_space<semaphore_mem>> -> memref<!tpu.dma_semaphore, #tpu.memory_space<semaphore_mem>>
            %dma_start3A_316 = arith.constant 0 : i32
            %dma_start3A_317 = arith.constant 0 : i32
            %dma_start3A_318 = tpu.memref_slice %run_scoped3A[%rem3A_305, %dma_start3A_316, %dma_start3A_317] : memref<2x1x128xi32, #tpu.memory_space<vmem>> -> memref<1x1x128xi32, #tpu.memory_space<vmem>>
            %dma_start3A_319 = tpu.memref_squeeze %dma_start3A_318 : memref<1x1x128xi32, #tpu.memory_space<vmem>> -> memref<1x128xi32, #tpu.memory_space<vmem>>
            %dma_start3A_320 = arith.constant 0 : i32
            %dma_start3A_321 = tpu.memref_slice %arg3[%mul3A_307, %dma_start3A_320] : memref<600x128xi32, #tpu.memory_space<hbm>> -> memref<1x128xi32, #tpu.memory_space<hbm>>
            tpu.enqueue_dma source(%dma_start3A_321 : memref<1x128xi32, #tpu.memory_space<hbm>>) target(%dma_start3A_319 : memref<1x128xi32, #tpu.memory_space<vmem>>) target_semaphore(%dma_start3A_315 : memref<!tpu.dma_semaphore, #tpu.memory_space<semaphore_mem>>)
            "tpu.trace_stop"() : () -> ()
          } else {
          }
          %and3A_193 = arith.constant true
          %and3A_194 = arith.andi %and3A, %and3A_193 : i1
          %add3A_195 = arith.constant 1 : i32
          %add3A_196 = arith.addi %while3A_143, %add3A_195 : i32
          %select_n3A_197 = arith.select %and3A_194, %add3A_196, %while3A_143 : i32
          %ne3A_198 = arith.cmpi ne, %add3A_155, %add3A_173 : i32
          %or3A_199 = arith.constant false
          %or3A_200 = arith.ori %or3A_199, %ne3A_198 : i1
          %or3A_201 = arith.constant false
          %or3A_202 = arith.ori %or3A_200, %or3A_201 : i1
          %sub3A_203 = arith.constant 2 : i32
          %sub3A_204 = arith.subi %mul3A_149, %sub3A_203 : i32
          %add3A_205 = arith.constant 1 : i32
          %add3A_206 = arith.addi %sub3A_204, %add3A_205 : i32
          %ge3A_207 = arith.cmpi sge, %while3A_142, %add3A_206 : i32
          %not3A_208 = arith.constant true
          %not3A_209 = arith.xori %ge3A_207, %not3A_208 : i1
          %and3A_210 = arith.andi %or3A_202, %not3A_209 : i1
          %ne3A_211 = arith.cmpi ne, %add3A_155, %add3A_165 : i32
          %or3A_212 = arith.constant false
          %or3A_213 = arith.ori %or3A_212, %ne3A_211 : i1
          %or3A_214 = arith.constant false
          %or3A_215 = arith.ori %or3A_213, %or3A_214 : i1
          %or3A_216 = arith.ori %or3A_215, %eq3A_151 : i1
          %convert_element_type3A_217 = arith.extui %or3A_216 : i1 to i32
          %cond3A_218 = arith.constant 0 : i32
          %cond3A_219 = arith.cmpi ne, %convert_element_type3A_217, %cond3A_218 : i32
          scf.if %cond3A_219 {
            "tpu.trace_start"() <{level = 10 : i32, message = "ep_wait_in"}> : () -> ()
            %mul3A_304 = arith.constant 1 : i32
            %mul3A_305 = arith.muli %mul3A_304, %add3A_155 : i32
            %rem3A_306 = arith.constant 2 : i32
            %rem3A_307 = arith.remui %while3A_144, %rem3A_306 : i32
            %dma_wait3A = arith.constant 0 : i32
            %dma_wait3A_308 = arith.constant 0 : i32
            %dma_wait3A_309 = tpu.memref_slice %run_scoped3A[%rem3A_307, %dma_wait3A, %dma_wait3A_308] : memref<2x1x128xi32, #tpu.memory_space<vmem>> -> memref<1x1x128xi32, #tpu.memory_space<vmem>>
            %dma_wait3A_310 = tpu.memref_squeeze %dma_wait3A_309 : memref<1x1x128xi32, #tpu.memory_space<vmem>> -> memref<1x128xi32, #tpu.memory_space<vmem>>
            %dma_wait3A_311 = arith.constant 0 : i32
            %dma_wait3A_312 = tpu.memref_slice %arg3[%mul3A_305, %dma_wait3A_311] : memref<600x128xi32, #tpu.memory_space<hbm>> -> memref<1x128xi32, #tpu.memory_space<hbm>>
            %dma_wait3A_313 = tpu.memref_slice %run_scoped3A_17[%rem3A_307] : memref<2x!tpu.dma_semaphore, #tpu.memory_space<semaphore_mem>> -> memref<1x!tpu.dma_semaphore, #tpu.memory_space<semaphore_mem>>
            %dma_wait3A_314 = tpu.memref_squeeze %dma_wait3A_313 : memref<1x!tpu.dma_semaphore, #tpu.memory_space<semaphore_mem>> -> memref<!tpu.dma_semaphore, #tpu.memory_space<semaphore_mem>>
            %dma_wait3A_315 = arith.constant 0 : i32
            %dma_wait3A_316 = arith.constant 0 : i32
            %dma_wait3A_317 = tpu.memref_slice %run_scoped3A[%rem3A_307, %dma_wait3A_315, %dma_wait3A_316] : memref<2x1x128xi32, #tpu.memory_space<vmem>> -> memref<1x1x128xi32, #tpu.memory_space<vmem>>
            %dma_wait3A_318 = tpu.memref_squeeze %dma_wait3A_317 : memref<1x1x128xi32, #tpu.memory_space<vmem>> -> memref<1x128xi32, #tpu.memory_space<vmem>>
            %dma_wait3A_319 = arith.constant 0 : i32
            %dma_wait3A_320 = tpu.memref_slice %arg3[%mul3A_305, %dma_wait3A_319] : memref<600x128xi32, #tpu.memory_space<hbm>> -> memref<1x128xi32, #tpu.memory_space<hbm>>
            tpu.wait_dma2 semaphore(%dma_wait3A_314 : memref<!tpu.dma_semaphore, #tpu.memory_space<semaphore_mem>>) src(%dma_wait3A_320 : memref<1x128xi32, #tpu.memory_space<hbm>>) dst(%dma_wait3A_318 : memref<1x128xi32, #tpu.memory_space<vmem>>)
            "tpu.trace_stop"() : () -> ()
          } else {
          }
          %ne3A_220 = arith.cmpi ne, %add3A_155, %add3A_165 : i32
          %or3A_221 = arith.constant false
          %or3A_222 = arith.ori %or3A_221, %ne3A_220 : i1
          %or3A_223 = arith.constant false
          %or3A_224 = arith.ori %or3A_222, %or3A_223 : i1
          %or3A_225 = arith.ori %or3A_224, %eq3A_151 : i1
          %convert_element_type3A_226 = arith.extui %or3A_225 : i1 to i32
          %cond3A_227 = arith.constant 0 : i32
          %cond3A_228 = arith.cmpi ne, %convert_element_type3A_226, %cond3A_227 : i32
          scf.if %cond3A_228 {
          } else {
          }
          %rem3A_229 = arith.constant 2 : i32
          %rem3A_230 = arith.remui %while3A_144, %rem3A_229 : i32
          %rem3A_231 = arith.constant 2 : i32
          %rem3A_232 = arith.remui %while3A_145, %rem3A_231 : i32
          %run_scoped3A_233 = arith.constant 0 : i32
          "tpu.trace_start"() <{level = 10 : i32, message = "ep_run_kernel"}> : () -> ()
          "tpu.region"() ({
            %run_scoped3A_304 = tpu.sem_alloc : memref<!tpu.dma_semaphore, #tpu.memory_space<semaphore_mem>>
            %dma_start3A_305 = arith.constant 0 : i32
            %dma_start3A_306 = arith.constant 0 : i32
            %dma_start3A_307 = tpu.memref_slice %run_scoped3A_18[%rem3A_232, %dma_start3A_305, %dma_start3A_306] : memref<2x128x128xf32, #tpu.memory_space<vmem>> -> memref<1x128x128xf32, #tpu.memory_space<vmem>>
            %dma_start3A_308 = tpu.memref_squeeze %dma_start3A_307 : memref<1x128x128xf32, #tpu.memory_space<vmem>> -> memref<128x128xf32, #tpu.memory_space<vmem>>
            %dma_start3A_309 = arith.constant 0 : i32
            %dma_start3A_310 = arith.constant 0 : i32
            %dma_start3A_311 = tpu.memref_slice %run_scoped3A[%rem3A_230, %dma_start3A_309, %dma_start3A_310] : memref<2x1x128xi32, #tpu.memory_space<vmem>> -> memref<1x1x128xi32, #tpu.memory_space<vmem>>
            %dma_start3A_312 = tpu.memref_squeeze %dma_start3A_311 : memref<1x1x128xi32, #tpu.memory_space<vmem>> -> memref<1x128xi32, #tpu.memory_space<vmem>>
            %dma_start3A_313 = arith.constant 0 : i32
            %dma_start3A_314 = tpu.memref_slice %dma_start3A_312[%run_scoped3A_233, %dma_start3A_313] : memref<1x128xi32, #tpu.memory_space<vmem>> -> memref<1x128xi32, #tpu.memory_space<vmem>>
            %dma_start3A_315 = tpu.memref_squeeze %dma_start3A_314 : memref<1x128xi32, #tpu.memory_space<vmem>> -> memref<128xi32, #tpu.memory_space<vmem>>
            %dma_start3A_316 = arith.constant 0 : i32
            %dma_start3A_317 = arith.constant 0 : i32
            %dma_start3A_318 = tpu.memref_slice %arg2[%dma_start3A_316, %dma_start3A_317] : memref<100000x128xf32, #tpu.memory_space<hbm>> -> memref<100000x128xf32, #tpu.memory_space<hbm>>
            tpu.enqueue_indirect_dma source(%dma_start3A_318 : memref<100000x128xf32, #tpu.memory_space<hbm>>) target(%dma_start3A_308 : memref<128x128xf32, #tpu.memory_space<vmem>>) offsets(%dma_start3A_315 : memref<128xi32, #tpu.memory_space<vmem>>) semaphore(%run_scoped3A_304 : memref<!tpu.dma_semaphore, #tpu.memory_space<semaphore_mem>>)
            %dma_wait3A = arith.constant 0 : i32
            %dma_wait3A_319 = arith.constant 0 : i32
            %dma_wait3A_320 = tpu.memref_slice %run_scoped3A_18[%rem3A_232, %dma_wait3A, %dma_wait3A_319] : memref<2x128x128xf32, #tpu.memory_space<vmem>> -> memref<1x128x128xf32, #tpu.memory_space<vmem>>
            %dma_wait3A_321 = tpu.memref_squeeze %dma_wait3A_320 : memref<1x128x128xf32, #tpu.memory_space<vmem>> -> memref<128x128xf32, #tpu.memory_space<vmem>>
            %dma_wait3A_322 = arith.constant 0 : i32
            %dma_wait3A_323 = arith.constant 0 : i32
            %dma_wait3A_324 = tpu.memref_slice %run_scoped3A[%rem3A_230, %dma_wait3A_322, %dma_wait3A_323] : memref<2x1x128xi32, #tpu.memory_space<vmem>> -> memref<1x1x128xi32, #tpu.memory_space<vmem>>
            %dma_wait3A_325 = tpu.memref_squeeze %dma_wait3A_324 : memref<1x1x128xi32, #tpu.memory_space<vmem>> -> memref<1x128xi32, #tpu.memory_space<vmem>>
            %dma_wait3A_326 = arith.constant 0 : i32
            %dma_wait3A_327 = tpu.memref_slice %dma_wait3A_325[%run_scoped3A_233, %dma_wait3A_326] : memref<1x128xi32, #tpu.memory_space<vmem>> -> memref<1x128xi32, #tpu.memory_space<vmem>>
            %dma_wait3A_328 = tpu.memref_squeeze %dma_wait3A_327 : memref<1x128xi32, #tpu.memory_space<vmem>> -> memref<128xi32, #tpu.memory_space<vmem>>
            %dma_wait3A_329 = arith.constant 0 : i32
            %dma_wait3A_330 = arith.constant 0 : i32
            %dma_wait3A_331 = tpu.memref_slice %arg2[%dma_wait3A_329, %dma_wait3A_330] : memref<100000x128xf32, #tpu.memory_space<hbm>> -> memref<100000x128xf32, #tpu.memory_space<hbm>>
            tpu.wait_indirect_dma semaphore(%run_scoped3A_304 : memref<!tpu.dma_semaphore, #tpu.memory_space<semaphore_mem>>) src(%dma_wait3A_331 : memref<100000x128xf32, #tpu.memory_space<hbm>>) dst(%dma_wait3A_321 : memref<128x128xf32, #tpu.memory_space<vmem>>)
            tpu.yield
          }) : () -> ()
          "tpu.trace_stop"() : () -> ()
          %ne3A_234 = arith.cmpi ne, %add3A_155, %add3A_173 : i32
          %or3A_235 = arith.constant false
          %or3A_236 = arith.ori %or3A_235, %ne3A_234 : i1
          %or3A_237 = arith.constant false
          %or3A_238 = arith.ori %or3A_236, %or3A_237 : i1
          %or3A_239 = arith.ori %or3A_238, %eq3A_154 : i1
          %convert_element_type3A_240 = arith.extui %or3A_239 : i1 to i32
          %cond3A_241 = arith.constant 0 : i32
          %cond3A_242 = arith.cmpi ne, %convert_element_type3A_240, %cond3A_241 : i32
          scf.if %cond3A_242 {
          } else {
          }
          %and3A_243 = arith.constant false
          %and3A_244 = arith.andi %or3A_239, %and3A_243 : i1
          %ne3A_245 = arith.cmpi ne, %add3A_155, %add3A_173 : i32
          %or3A_246 = arith.constant false
          %or3A_247 = arith.ori %or3A_246, %ne3A_245 : i1
          %or3A_248 = arith.constant false
          %or3A_249 = arith.ori %or3A_247, %or3A_248 : i1
          %or3A_250 = arith.ori %or3A_249, %eq3A_154 : i1
          %convert_element_type3A_251 = arith.extui %or3A_250 : i1 to i32
          %cond3A_252 = arith.constant 0 : i32
          %cond3A_253 = arith.cmpi ne, %convert_element_type3A_251, %cond3A_252 : i32
          scf.if %cond3A_253 {
            "tpu.trace_start"() <{level = 10 : i32, message = "ep_copy_out"}> : () -> ()
            %rem3A_304 = arith.constant 2 : i32
            %rem3A_305 = arith.remui %while3A_145, %rem3A_304 : i32
            %mul3A_306 = arith.constant 128 : i32
            %mul3A_307 = arith.muli %mul3A_306, %add3A_155 : i32
            %dma_start3A_308 = arith.constant 0 : i32
            %dma_start3A_309 = arith.constant 0 : i32
            %dma_start3A_310 = tpu.memref_slice %run_scoped3A_18[%rem3A_305, %dma_start3A_308, %dma_start3A_309] : memref<2x128x128xf32, #tpu.memory_space<vmem>> -> memref<1x128x128xf32, #tpu.memory_space<vmem>>
            %dma_start3A_311 = tpu.memref_squeeze %dma_start3A_310 : memref<1x128x128xf32, #tpu.memory_space<vmem>> -> memref<128x128xf32, #tpu.memory_space<vmem>>
            %dma_start3A_312 = arith.constant 0 : i32
            %dma_start3A_313 = tpu.memref_slice %arg4[%mul3A_307, %dma_start3A_312] : memref<76800x128xf32, #tpu.memory_space<hbm>> -> memref<128x128xf32, #tpu.memory_space<hbm>>
            %dma_start3A_314 = tpu.memref_slice %run_scoped3A_19[%rem3A_305] : memref<2x!tpu.dma_semaphore, #tpu.memory_space<semaphore_mem>> -> memref<1x!tpu.dma_semaphore, #tpu.memory_space<semaphore_mem>>
            %dma_start3A_315 = tpu.memref_squeeze %dma_start3A_314 : memref<1x!tpu.dma_semaphore, #tpu.memory_space<semaphore_mem>> -> memref<!tpu.dma_semaphore, #tpu.memory_space<semaphore_mem>>
            %dma_start3A_316 = arith.constant 0 : i32
            %dma_start3A_317 = tpu.memref_slice %arg4[%mul3A_307, %dma_start3A_316] : memref<76800x128xf32, #tpu.memory_space<hbm>> -> memref<128x128xf32, #tpu.memory_space<hbm>>
            %dma_start3A_318 = arith.constant 0 : i32
            %dma_start3A_319 = arith.constant 0 : i32
            %dma_start3A_320 = tpu.memref_slice %run_scoped3A_18[%rem3A_305, %dma_start3A_318, %dma_start3A_319] : memref<2x128x128xf32, #tpu.memory_space<vmem>> -> memref<1x128x128xf32, #tpu.memory_space<vmem>>
            %dma_start3A_321 = tpu.memref_squeeze %dma_start3A_320 : memref<1x128x128xf32, #tpu.memory_space<vmem>> -> memref<128x128xf32, #tpu.memory_space<vmem>>
            tpu.enqueue_dma source(%dma_start3A_321 : memref<128x128xf32, #tpu.memory_space<vmem>>) target(%dma_start3A_317 : memref<128x128xf32, #tpu.memory_space<hbm>>) target_semaphore(%dma_start3A_315 : memref<!tpu.dma_semaphore, #tpu.memory_space<semaphore_mem>>)
            "tpu.trace_stop"() : () -> ()
          } else {
          }
          %and3A_254 = arith.constant true
          %and3A_255 = arith.andi %or3A_250, %and3A_254 : i1
          %add3A_256 = arith.constant 1 : i32
          %add3A_257 = arith.addi %while3A_145, %add3A_256 : i32
          %select_n3A_258 = arith.select %and3A_255, %add3A_257, %while3A_145 : i32
          %ne3A_259 = arith.cmpi ne, %add3A_155, %add3A_165 : i32
          %or3A_260 = arith.constant false
          %or3A_261 = arith.ori %or3A_260, %ne3A_259 : i1
          %or3A_262 = arith.constant false
          %or3A_263 = arith.ori %or3A_261, %or3A_262 : i1
          %not3A_264 = arith.constant true
          %not3A_265 = arith.xori %eq3A_151, %not3A_264 : i1
          %and3A_266 = arith.andi %or3A_263, %not3A_265 : i1
          %convert_element_type3A_267 = arith.extui %and3A_266 : i1 to i32
          %cond3A_268 = arith.constant 0 : i32
          %cond3A_269 = arith.cmpi ne, %convert_element_type3A_267, %cond3A_268 : i32
          scf.if %cond3A_269 {
          } else {
          }
          %and3A_270 = arith.constant false
          %and3A_271 = arith.andi %and3A_266, %and3A_270 : i1
          %ne3A_272 = arith.cmpi ne, %add3A_155, %add3A_165 : i32
          %or3A_273 = arith.constant false
          %or3A_274 = arith.ori %or3A_273, %ne3A_272 : i1
          %or3A_275 = arith.constant false
          %or3A_276 = arith.ori %or3A_274, %or3A_275 : i1
          %not3A_277 = arith.constant true
          %not3A_278 = arith.xori %eq3A_151, %not3A_277 : i1
          %and3A_279 = arith.andi %or3A_276, %not3A_278 : i1
          %convert_element_type3A_280 = arith.extui %and3A_279 : i1 to i32
          %cond3A_281 = arith.constant 0 : i32
          %cond3A_282 = arith.cmpi ne, %convert_element_type3A_280, %cond3A_281 : i32
          scf.if %cond3A_282 {
            "tpu.trace_start"() <{level = 10 : i32, message = "ep_wait_out"}> : () -> ()
            %rem3A_304 = arith.constant 2 : i32
            %rem3A_305 = arith.remui %while3A_146, %rem3A_304 : i32
            %mul3A_306 = arith.constant 128 : i32
            %mul3A_307 = arith.muli %mul3A_306, %add3A_165 : i32
            %dma_wait3A = arith.constant 0 : i32
            %dma_wait3A_308 = arith.constant 0 : i32
            %dma_wait3A_309 = tpu.memref_slice %run_scoped3A_18[%rem3A_305, %dma_wait3A, %dma_wait3A_308] : memref<2x128x128xf32, #tpu.memory_space<vmem>> -> memref<1x128x128xf32, #tpu.memory_space<vmem>>
            %dma_wait3A_310 = tpu.memref_squeeze %dma_wait3A_309 : memref<1x128x128xf32, #tpu.memory_space<vmem>> -> memref<128x128xf32, #tpu.memory_space<vmem>>
            %dma_wait3A_311 = arith.constant 0 : i32
            %dma_wait3A_312 = tpu.memref_slice %arg4[%mul3A_307, %dma_wait3A_311] : memref<76800x128xf32, #tpu.memory_space<hbm>> -> memref<128x128xf32, #tpu.memory_space<hbm>>
            %dma_wait3A_313 = tpu.memref_slice %run_scoped3A_19[%rem3A_305] : memref<2x!tpu.dma_semaphore, #tpu.memory_space<semaphore_mem>> -> memref<1x!tpu.dma_semaphore, #tpu.memory_space<semaphore_mem>>
            %dma_wait3A_314 = tpu.memref_squeeze %dma_wait3A_313 : memref<1x!tpu.dma_semaphore, #tpu.memory_space<semaphore_mem>> -> memref<!tpu.dma_semaphore, #tpu.memory_space<semaphore_mem>>
            %dma_wait3A_315 = arith.constant 0 : i32
            %dma_wait3A_316 = tpu.memref_slice %arg4[%mul3A_307, %dma_wait3A_315] : memref<76800x128xf32, #tpu.memory_space<hbm>> -> memref<128x128xf32, #tpu.memory_space<hbm>>
            %dma_wait3A_317 = arith.constant 0 : i32
            %dma_wait3A_318 = arith.constant 0 : i32
            %dma_wait3A_319 = tpu.memref_slice %run_scoped3A_18[%rem3A_305, %dma_wait3A_317, %dma_wait3A_318] : memref<2x128x128xf32, #tpu.memory_space<vmem>> -> memref<1x128x128xf32, #tpu.memory_space<vmem>>
            %dma_wait3A_320 = tpu.memref_squeeze %dma_wait3A_319 : memref<1x128x128xf32, #tpu.memory_space<vmem>> -> memref<128x128xf32, #tpu.memory_space<vmem>>
            tpu.wait_dma2 semaphore(%dma_wait3A_314 : memref<!tpu.dma_semaphore, #tpu.memory_space<semaphore_mem>>) src(%dma_wait3A_320 : memref<128x128xf32, #tpu.memory_space<vmem>>) dst(%dma_wait3A_316 : memref<128x128xf32, #tpu.memory_space<hbm>>)
            "tpu.trace_stop"() : () -> ()
          } else {
          }
          %and3A_283 = arith.constant true
          %and3A_284 = arith.andi %and3A_279, %and3A_283 : i1
          %add3A_285 = arith.constant 1 : i32
          %add3A_286 = arith.addi %while3A_146, %add3A_285 : i32
          %select_n3A_287 = arith.select %and3A_284, %add3A_286, %while3A_146 : i32
          %ne3A_288 = arith.cmpi ne, %add3A_155, %add3A_173 : i32
          %or3A_289 = arith.constant false
          %or3A_290 = arith.ori %or3A_289, %ne3A_288 : i1
          %or3A_291 = arith.constant false
          %or3A_292 = arith.ori %or3A_290, %or3A_291 : i1
          %or3A_293 = arith.ori %or3A_292, %eq3A_154 : i1
          %add3A_294 = arith.constant 1 : i32
          %add3A_295 = arith.addi %while3A_144, %add3A_294 : i32
          %select_n3A_296 = arith.select %or3A_293, %add3A_295, %while3A_144 : i32
          %add3A_297 = arith.constant 1 : i32
          %add3A_298 = arith.addi %while3A_147, %add3A_297 : i32
          %select_n3A_299 = arith.constant true
          %select_n3A_300 = arith.select %select_n3A_299, %add3A_298, %while3A_147 : i32
          %eq3A_301 = arith.cmpi eq, %select_n3A_300, %select_n3A : i32
          %select_n3A_302 = arith.constant 0 : i32
          %select_n3A_303 = arith.select %eq3A_301, %select_n3A_302, %select_n3A_300 : i32
          scf.yield %select_n3A_197, %select_n3A_296, %select_n3A_258, %select_n3A_287, %select_n3A_303 : i32, i32, i32, i32, i32
        }
        %while3A_89 = arith.constant 1 : i32
        %while3A_90:5 = scf.for %while3A_142 = %while3A_86 to %while3A_82 step %while3A_89 iter_args(%while3A_143 = %while3A_88#0, %while3A_144 = %while3A_88#1, %while3A_145 = %while3A_88#2, %while3A_146 = %while3A_88#3, %while3A_147 = %while3A_88#4) -> (i32, i32, i32, i32, i32)  : i32 {
          %mul3A_148 = arith.constant 1 : i32
          %mul3A_149 = arith.muli %mul3A_148, %select_n3A : i32
          %eq3A_150 = arith.constant 0 : i32
          %eq3A_151 = arith.cmpi eq, %while3A_142, %eq3A_150 : i32
          %sub3A_152 = arith.constant 1 : i32
          %sub3A_153 = arith.subi %mul3A_149, %sub3A_152 : i32
          %eq3A_154 = arith.cmpi eq, %while3A_142, %sub3A_153 : i32
          %add3A_155 = arith.addi %while3A_147, %select_n3A_14 : i32
          %sub3A_156 = arith.constant 1 : i32
          %sub3A_157 = arith.subi %while3A_147, %sub3A_156 : i32
          %select_n3A_158 = arith.constant true
          %select_n3A_159 = arith.select %select_n3A_158, %sub3A_157, %while3A_147 : i32
          %eq3A_160 = arith.constant -1 : i32
          %eq3A_161 = arith.cmpi eq, %select_n3A_159, %eq3A_160 : i32
          %sub3A_162 = arith.constant 1 : i32
          %sub3A_163 = arith.subi %select_n3A, %sub3A_162 : i32
          %select_n3A_164 = arith.select %eq3A_161, %sub3A_163, %select_n3A_159 : i32
          %add3A_165 = arith.addi %select_n3A_164, %select_n3A_14 : i32
          %add3A_166 = arith.constant 1 : i32
          %add3A_167 = arith.addi %while3A_147, %add3A_166 : i32
          %select_n3A_168 = arith.constant true
          %select_n3A_169 = arith.select %select_n3A_168, %add3A_167, %while3A_147 : i32
          %eq3A_170 = arith.cmpi eq, %select_n3A_169, %select_n3A : i32
          %select_n3A_171 = arith.constant 0 : i32
          %select_n3A_172 = arith.select %eq3A_170, %select_n3A_171, %select_n3A_169 : i32
          %add3A_173 = arith.addi %select_n3A_172, %select_n3A_14 : i32
          %add3A_174 = arith.constant 1 : i32
          %add3A_175 = arith.addi %select_n3A_172, %add3A_174 : i32
          %select_n3A_176 = arith.constant true
          %select_n3A_177 = arith.select %select_n3A_176, %add3A_175, %select_n3A_172 : i32
          %eq3A_178 = arith.cmpi eq, %select_n3A_177, %select_n3A : i32
          %select_n3A_179 = arith.constant 0 : i32
          %select_n3A_180 = arith.select %eq3A_178, %select_n3A_179, %select_n3A_177 : i32
          %add3A_181 = arith.addi %select_n3A_180, %select_n3A_14 : i32
          %ne3A = arith.cmpi ne, %add3A_155, %add3A_173 : i32
          %or3A = arith.constant false
          %or3A_182 = arith.ori %or3A, %ne3A : i1
          %or3A_183 = arith.constant false
          %or3A_184 = arith.ori %or3A_182, %or3A_183 : i1
          %sub3A_185 = arith.constant 2 : i32
          %sub3A_186 = arith.subi %mul3A_149, %sub3A_185 : i32
          %add3A_187 = arith.constant 1 : i32
          %add3A_188 = arith.addi %sub3A_186, %add3A_187 : i32
          %ge3A = arith.cmpi sge, %while3A_142, %add3A_188 : i32
          %not3A = arith.constant true
          %not3A_189 = arith.xori %ge3A, %not3A : i1
          %and3A = arith.andi %or3A_184, %not3A_189 : i1
          %convert_element_type3A_190 = arith.extui %and3A : i1 to i32
          %cond3A_191 = arith.constant 0 : i32
          %cond3A_192 = arith.cmpi ne, %convert_element_type3A_190, %cond3A_191 : i32
          scf.if %cond3A_192 {
            "tpu.trace_start"() <{level = 10 : i32, message = "ep_copy_in"}> : () -> ()
            %rem3A_304 = arith.constant 2 : i32
            %rem3A_305 = arith.remui %while3A_143, %rem3A_304 : i32
            %mul3A_306 = arith.constant 1 : i32
            %mul3A_307 = arith.muli %mul3A_306, %add3A_173 : i32
            %dma_start3A_308 = arith.constant 0 : i32
            %dma_start3A_309 = arith.constant 0 : i32
            %dma_start3A_310 = tpu.memref_slice %run_scoped3A[%rem3A_305, %dma_start3A_308, %dma_start3A_309] : memref<2x1x128xi32, #tpu.memory_space<vmem>> -> memref<1x1x128xi32, #tpu.memory_space<vmem>>
            %dma_start3A_311 = tpu.memref_squeeze %dma_start3A_310 : memref<1x1x128xi32, #tpu.memory_space<vmem>> -> memref<1x128xi32, #tpu.memory_space<vmem>>
            %dma_start3A_312 = arith.constant 0 : i32
            %dma_start3A_313 = tpu.memref_slice %arg3[%mul3A_307, %dma_start3A_312] : memref<600x128xi32, #tpu.memory_space<hbm>> -> memref<1x128xi32, #tpu.memory_space<hbm>>
            %dma_start3A_314 = tpu.memref_slice %run_scoped3A_17[%rem3A_305] : memref<2x!tpu.dma_semaphore, #tpu.memory_space<semaphore_mem>> -> memref<1x!tpu.dma_semaphore, #tpu.memory_space<semaphore_mem>>
            %dma_start3A_315 = tpu.memref_squeeze %dma_start3A_314 : memref<1x!tpu.dma_semaphore, #tpu.memory_space<semaphore_mem>> -> memref<!tpu.dma_semaphore, #tpu.memory_space<semaphore_mem>>
            %dma_start3A_316 = arith.constant 0 : i32
            %dma_start3A_317 = arith.constant 0 : i32
            %dma_start3A_318 = tpu.memref_slice %run_scoped3A[%rem3A_305, %dma_start3A_316, %dma_start3A_317] : memref<2x1x128xi32, #tpu.memory_space<vmem>> -> memref<1x1x128xi32, #tpu.memory_space<vmem>>
            %dma_start3A_319 = tpu.memref_squeeze %dma_start3A_318 : memref<1x1x128xi32, #tpu.memory_space<vmem>> -> memref<1x128xi32, #tpu.memory_space<vmem>>
            %dma_start3A_320 = arith.constant 0 : i32
            %dma_start3A_321 = tpu.memref_slice %arg3[%mul3A_307, %dma_start3A_320] : memref<600x128xi32, #tpu.memory_space<hbm>> -> memref<1x128xi32, #tpu.memory_space<hbm>>
            tpu.enqueue_dma source(%dma_start3A_321 : memref<1x128xi32, #tpu.memory_space<hbm>>) target(%dma_start3A_319 : memref<1x128xi32, #tpu.memory_space<vmem>>) target_semaphore(%dma_start3A_315 : memref<!tpu.dma_semaphore, #tpu.memory_space<semaphore_mem>>)
            "tpu.trace_stop"() : () -> ()
          } else {
          }
          %and3A_193 = arith.constant true
          %and3A_194 = arith.andi %and3A, %and3A_193 : i1
          %add3A_195 = arith.constant 1 : i32
          %add3A_196 = arith.addi %while3A_143, %add3A_195 : i32
          %select_n3A_197 = arith.select %and3A_194, %add3A_196, %while3A_143 : i32
          %ne3A_198 = arith.cmpi ne, %add3A_155, %add3A_173 : i32
          %or3A_199 = arith.constant false
          %or3A_200 = arith.ori %or3A_199, %ne3A_198 : i1
          %or3A_201 = arith.constant false
          %or3A_202 = arith.ori %or3A_200, %or3A_201 : i1
          %sub3A_203 = arith.constant 2 : i32
          %sub3A_204 = arith.subi %mul3A_149, %sub3A_203 : i32
          %add3A_205 = arith.constant 1 : i32
          %add3A_206 = arith.addi %sub3A_204, %add3A_205 : i32
          %ge3A_207 = arith.cmpi sge, %while3A_142, %add3A_206 : i32
          %not3A_208 = arith.constant true
          %not3A_209 = arith.xori %ge3A_207, %not3A_208 : i1
          %and3A_210 = arith.andi %or3A_202, %not3A_209 : i1
          %ne3A_211 = arith.cmpi ne, %add3A_155, %add3A_165 : i32
          %or3A_212 = arith.constant false
          %or3A_213 = arith.ori %or3A_212, %ne3A_211 : i1
          %or3A_214 = arith.constant false
          %or3A_215 = arith.ori %or3A_213, %or3A_214 : i1
          %or3A_216 = arith.ori %or3A_215, %eq3A_151 : i1
          %convert_element_type3A_217 = arith.extui %or3A_216 : i1 to i32
          %cond3A_218 = arith.constant 0 : i32
          %cond3A_219 = arith.cmpi ne, %convert_element_type3A_217, %cond3A_218 : i32
          scf.if %cond3A_219 {
            "tpu.trace_start"() <{level = 10 : i32, message = "ep_wait_in"}> : () -> ()
            %mul3A_304 = arith.constant 1 : i32
            %mul3A_305 = arith.muli %mul3A_304, %add3A_155 : i32
            %rem3A_306 = arith.constant 2 : i32
            %rem3A_307 = arith.remui %while3A_144, %rem3A_306 : i32
            %dma_wait3A = arith.constant 0 : i32
            %dma_wait3A_308 = arith.constant 0 : i32
            %dma_wait3A_309 = tpu.memref_slice %run_scoped3A[%rem3A_307, %dma_wait3A, %dma_wait3A_308] : memref<2x1x128xi32, #tpu.memory_space<vmem>> -> memref<1x1x128xi32, #tpu.memory_space<vmem>>
            %dma_wait3A_310 = tpu.memref_squeeze %dma_wait3A_309 : memref<1x1x128xi32, #tpu.memory_space<vmem>> -> memref<1x128xi32, #tpu.memory_space<vmem>>
            %dma_wait3A_311 = arith.constant 0 : i32
            %dma_wait3A_312 = tpu.memref_slice %arg3[%mul3A_305, %dma_wait3A_311] : memref<600x128xi32, #tpu.memory_space<hbm>> -> memref<1x128xi32, #tpu.memory_space<hbm>>
            %dma_wait3A_313 = tpu.memref_slice %run_scoped3A_17[%rem3A_307] : memref<2x!tpu.dma_semaphore, #tpu.memory_space<semaphore_mem>> -> memref<1x!tpu.dma_semaphore, #tpu.memory_space<semaphore_mem>>
            %dma_wait3A_314 = tpu.memref_squeeze %dma_wait3A_313 : memref<1x!tpu.dma_semaphore, #tpu.memory_space<semaphore_mem>> -> memref<!tpu.dma_semaphore, #tpu.memory_space<semaphore_mem>>
            %dma_wait3A_315 = arith.constant 0 : i32
            %dma_wait3A_316 = arith.constant 0 : i32
            %dma_wait3A_317 = tpu.memref_slice %run_scoped3A[%rem3A_307, %dma_wait3A_315, %dma_wait3A_316] : memref<2x1x128xi32, #tpu.memory_space<vmem>> -> memref<1x1x128xi32, #tpu.memory_space<vmem>>
            %dma_wait3A_318 = tpu.memref_squeeze %dma_wait3A_317 : memref<1x1x128xi32, #tpu.memory_space<vmem>> -> memref<1x128xi32, #tpu.memory_space<vmem>>
            %dma_wait3A_319 = arith.constant 0 : i32
            %dma_wait3A_320 = tpu.memref_slice %arg3[%mul3A_305, %dma_wait3A_319] : memref<600x128xi32, #tpu.memory_space<hbm>> -> memref<1x128xi32, #tpu.memory_space<hbm>>
            tpu.wait_dma2 semaphore(%dma_wait3A_314 : memref<!tpu.dma_semaphore, #tpu.memory_space<semaphore_mem>>) src(%dma_wait3A_320 : memref<1x128xi32, #tpu.memory_space<hbm>>) dst(%dma_wait3A_318 : memref<1x128xi32, #tpu.memory_space<vmem>>)
            "tpu.trace_stop"() : () -> ()
          } else {
          }
          %ne3A_220 = arith.cmpi ne, %add3A_155, %add3A_165 : i32
          %or3A_221 = arith.constant false
          %or3A_222 = arith.ori %or3A_221, %ne3A_220 : i1
          %or3A_223 = arith.constant false
          %or3A_224 = arith.ori %or3A_222, %or3A_223 : i1
          %or3A_225 = arith.ori %or3A_224, %eq3A_151 : i1
          %convert_element_type3A_226 = arith.extui %or3A_225 : i1 to i32
          %cond3A_227 = arith.constant 0 : i32
          %cond3A_228 = arith.cmpi ne, %convert_element_type3A_226, %cond3A_227 : i32
          scf.if %cond3A_228 {
          } else {
          }
          %rem3A_229 = arith.constant 2 : i32
          %rem3A_230 = arith.remui %while3A_144, %rem3A_229 : i32
          %rem3A_231 = arith.constant 2 : i32
          %rem3A_232 = arith.remui %while3A_145, %rem3A_231 : i32
          %run_scoped3A_233 = arith.constant 0 : i32
          "tpu.trace_start"() <{level = 10 : i32, message = "ep_run_kernel"}> : () -> ()
          "tpu.region"() ({
            %run_scoped3A_304 = tpu.sem_alloc : memref<!tpu.dma_semaphore, #tpu.memory_space<semaphore_mem>>
            %dma_start3A_305 = arith.constant 0 : i32
            %dma_start3A_306 = arith.constant 0 : i32
            %dma_start3A_307 = tpu.memref_slice %run_scoped3A_18[%rem3A_232, %dma_start3A_305, %dma_start3A_306] : memref<2x128x128xf32, #tpu.memory_space<vmem>> -> memref<1x128x128xf32, #tpu.memory_space<vmem>>
            %dma_start3A_308 = tpu.memref_squeeze %dma_start3A_307 : memref<1x128x128xf32, #tpu.memory_space<vmem>> -> memref<128x128xf32, #tpu.memory_space<vmem>>
            %dma_start3A_309 = arith.constant 0 : i32
            %dma_start3A_310 = arith.constant 0 : i32
            %dma_start3A_311 = tpu.memref_slice %run_scoped3A[%rem3A_230, %dma_start3A_309, %dma_start3A_310] : memref<2x1x128xi32, #tpu.memory_space<vmem>> -> memref<1x1x128xi32, #tpu.memory_space<vmem>>
            %dma_start3A_312 = tpu.memref_squeeze %dma_start3A_311 : memref<1x1x128xi32, #tpu.memory_space<vmem>> -> memref<1x128xi32, #tpu.memory_space<vmem>>
            %dma_start3A_313 = arith.constant 0 : i32
            %dma_start3A_314 = tpu.memref_slice %dma_start3A_312[%run_scoped3A_233, %dma_start3A_313] : memref<1x128xi32, #tpu.memory_space<vmem>> -> memref<1x128xi32, #tpu.memory_space<vmem>>
            %dma_start3A_315 = tpu.memref_squeeze %dma_start3A_314 : memref<1x128xi32, #tpu.memory_space<vmem>> -> memref<128xi32, #tpu.memory_space<vmem>>
            %dma_start3A_316 = arith.constant 0 : i32
            %dma_start3A_317 = arith.constant 0 : i32
            %dma_start3A_318 = tpu.memref_slice %arg2[%dma_start3A_316, %dma_start3A_317] : memref<100000x128xf32, #tpu.memory_space<hbm>> -> memref<100000x128xf32, #tpu.memory_space<hbm>>
            tpu.enqueue_indirect_dma source(%dma_start3A_318 : memref<100000x128xf32, #tpu.memory_space<hbm>>) target(%dma_start3A_308 : memref<128x128xf32, #tpu.memory_space<vmem>>) offsets(%dma_start3A_315 : memref<128xi32, #tpu.memory_space<vmem>>) semaphore(%run_scoped3A_304 : memref<!tpu.dma_semaphore, #tpu.memory_space<semaphore_mem>>)
            %dma_wait3A = arith.constant 0 : i32
            %dma_wait3A_319 = arith.constant 0 : i32
            %dma_wait3A_320 = tpu.memref_slice %run_scoped3A_18[%rem3A_232, %dma_wait3A, %dma_wait3A_319] : memref<2x128x128xf32, #tpu.memory_space<vmem>> -> memref<1x128x128xf32, #tpu.memory_space<vmem>>
            %dma_wait3A_321 = tpu.memref_squeeze %dma_wait3A_320 : memref<1x128x128xf32, #tpu.memory_space<vmem>> -> memref<128x128xf32, #tpu.memory_space<vmem>>
            %dma_wait3A_322 = arith.constant 0 : i32
            %dma_wait3A_323 = arith.constant 0 : i32
            %dma_wait3A_324 = tpu.memref_slice %run_scoped3A[%rem3A_230, %dma_wait3A_322, %dma_wait3A_323] : memref<2x1x128xi32, #tpu.memory_space<vmem>> -> memref<1x1x128xi32, #tpu.memory_space<vmem>>
            %dma_wait3A_325 = tpu.memref_squeeze %dma_wait3A_324 : memref<1x1x128xi32, #tpu.memory_space<vmem>> -> memref<1x128xi32, #tpu.memory_space<vmem>>
            %dma_wait3A_326 = arith.constant 0 : i32
            %dma_wait3A_327 = tpu.memref_slice %dma_wait3A_325[%run_scoped3A_233, %dma_wait3A_326] : memref<1x128xi32, #tpu.memory_space<vmem>> -> memref<1x128xi32, #tpu.memory_space<vmem>>
            %dma_wait3A_328 = tpu.memref_squeeze %dma_wait3A_327 : memref<1x128xi32, #tpu.memory_space<vmem>> -> memref<128xi32, #tpu.memory_space<vmem>>
            %dma_wait3A_329 = arith.constant 0 : i32
            %dma_wait3A_330 = arith.constant 0 : i32
            %dma_wait3A_331 = tpu.memref_slice %arg2[%dma_wait3A_329, %dma_wait3A_330] : memref<100000x128xf32, #tpu.memory_space<hbm>> -> memref<100000x128xf32, #tpu.memory_space<hbm>>
            tpu.wait_indirect_dma semaphore(%run_scoped3A_304 : memref<!tpu.dma_semaphore, #tpu.memory_space<semaphore_mem>>) src(%dma_wait3A_331 : memref<100000x128xf32, #tpu.memory_space<hbm>>) dst(%dma_wait3A_321 : memref<128x128xf32, #tpu.memory_space<vmem>>)
            tpu.yield
          }) : () -> ()
          "tpu.trace_stop"() : () -> ()
          %ne3A_234 = arith.cmpi ne, %add3A_155, %add3A_173 : i32
          %or3A_235 = arith.constant false
          %or3A_236 = arith.ori %or3A_235, %ne3A_234 : i1
          %or3A_237 = arith.constant false
          %or3A_238 = arith.ori %or3A_236, %or3A_237 : i1
          %or3A_239 = arith.ori %or3A_238, %eq3A_154 : i1
          %convert_element_type3A_240 = arith.extui %or3A_239 : i1 to i32
          %cond3A_241 = arith.constant 0 : i32
          %cond3A_242 = arith.cmpi ne, %convert_element_type3A_240, %cond3A_241 : i32
          scf.if %cond3A_242 {
          } else {
          }
          %and3A_243 = arith.constant false
          %and3A_244 = arith.andi %or3A_239, %and3A_243 : i1
          %ne3A_245 = arith.cmpi ne, %add3A_155, %add3A_173 : i32
          %or3A_246 = arith.constant false
          %or3A_247 = arith.ori %or3A_246, %ne3A_245 : i1
          %or3A_248 = arith.constant false
          %or3A_249 = arith.ori %or3A_247, %or3A_248 : i1
          %or3A_250 = arith.ori %or3A_249, %eq3A_154 : i1
          %convert_element_type3A_251 = arith.extui %or3A_250 : i1 to i32
          %cond3A_252 = arith.constant 0 : i32
          %cond3A_253 = arith.cmpi ne, %convert_element_type3A_251, %cond3A_252 : i32
          scf.if %cond3A_253 {
            "tpu.trace_start"() <{level = 10 : i32, message = "ep_copy_out"}> : () -> ()
            %rem3A_304 = arith.constant 2 : i32
            %rem3A_305 = arith.remui %while3A_145, %rem3A_304 : i32
            %mul3A_306 = arith.constant 128 : i32
            %mul3A_307 = arith.muli %mul3A_306, %add3A_155 : i32
            %dma_start3A_308 = arith.constant 0 : i32
            %dma_start3A_309 = arith.constant 0 : i32
            %dma_start3A_310 = tpu.memref_slice %run_scoped3A_18[%rem3A_305, %dma_start3A_308, %dma_start3A_309] : memref<2x128x128xf32, #tpu.memory_space<vmem>> -> memref<1x128x128xf32, #tpu.memory_space<vmem>>
            %dma_start3A_311 = tpu.memref_squeeze %dma_start3A_310 : memref<1x128x128xf32, #tpu.memory_space<vmem>> -> memref<128x128xf32, #tpu.memory_space<vmem>>
            %dma_start3A_312 = arith.constant 0 : i32
            %dma_start3A_313 = tpu.memref_slice %arg4[%mul3A_307, %dma_start3A_312] : memref<76800x128xf32, #tpu.memory_space<hbm>> -> memref<128x128xf32, #tpu.memory_space<hbm>>
            %dma_start3A_314 = tpu.memref_slice %run_scoped3A_19[%rem3A_305] : memref<2x!tpu.dma_semaphore, #tpu.memory_space<semaphore_mem>> -> memref<1x!tpu.dma_semaphore, #tpu.memory_space<semaphore_mem>>
            %dma_start3A_315 = tpu.memref_squeeze %dma_start3A_314 : memref<1x!tpu.dma_semaphore, #tpu.memory_space<semaphore_mem>> -> memref<!tpu.dma_semaphore, #tpu.memory_space<semaphore_mem>>
            %dma_start3A_316 = arith.constant 0 : i32
            %dma_start3A_317 = tpu.memref_slice %arg4[%mul3A_307, %dma_start3A_316] : memref<76800x128xf32, #tpu.memory_space<hbm>> -> memref<128x128xf32, #tpu.memory_space<hbm>>
            %dma_start3A_318 = arith.constant 0 : i32
            %dma_start3A_319 = arith.constant 0 : i32
            %dma_start3A_320 = tpu.memref_slice %run_scoped3A_18[%rem3A_305, %dma_start3A_318, %dma_start3A_319] : memref<2x128x128xf32, #tpu.memory_space<vmem>> -> memref<1x128x128xf32, #tpu.memory_space<vmem>>
            %dma_start3A_321 = tpu.memref_squeeze %dma_start3A_320 : memref<1x128x128xf32, #tpu.memory_space<vmem>> -> memref<128x128xf32, #tpu.memory_space<vmem>>
            tpu.enqueue_dma source(%dma_start3A_321 : memref<128x128xf32, #tpu.memory_space<vmem>>) target(%dma_start3A_317 : memref<128x128xf32, #tpu.memory_space<hbm>>) target_semaphore(%dma_start3A_315 : memref<!tpu.dma_semaphore, #tpu.memory_space<semaphore_mem>>)
            "tpu.trace_stop"() : () -> ()
          } else {
          }
          %and3A_254 = arith.constant true
          %and3A_255 = arith.andi %or3A_250, %and3A_254 : i1
          %add3A_256 = arith.constant 1 : i32
          %add3A_257 = arith.addi %while3A_145, %add3A_256 : i32
          %select_n3A_258 = arith.select %and3A_255, %add3A_257, %while3A_145 : i32
          %ne3A_259 = arith.cmpi ne, %add3A_155, %add3A_165 : i32
          %or3A_260 = arith.constant false
          %or3A_261 = arith.ori %or3A_260, %ne3A_259 : i1
          %or3A_262 = arith.constant false
          %or3A_263 = arith.ori %or3A_261, %or3A_262 : i1
          %not3A_264 = arith.constant true
          %not3A_265 = arith.xori %eq3A_151, %not3A_264 : i1
          %and3A_266 = arith.andi %or3A_263, %not3A_265 : i1
          %convert_element_type3A_267 = arith.extui %and3A_266 : i1 to i32
          %cond3A_268 = arith.constant 0 : i32
          %cond3A_269 = arith.cmpi ne, %convert_element_type3A_267, %cond3A_268 : i32
          scf.if %cond3A_269 {
          } else {
          }
          %and3A_270 = arith.constant false
          %and3A_271 = arith.andi %and3A_266, %and3A_270 : i1
          %ne3A_272 = arith.cmpi ne, %add3A_155, %add3A_165 : i32
          %or3A_273 = arith.constant false
          %or3A_274 = arith.ori %or3A_273, %ne3A_272 : i1
          %or3A_275 = arith.constant false
          %or3A_276 = arith.ori %or3A_274, %or3A_275 : i1
          %not3A_277 = arith.constant true
          %not3A_278 = arith.xori %eq3A_151, %not3A_277 : i1
          %and3A_279 = arith.andi %or3A_276, %not3A_278 : i1
          %convert_element_type3A_280 = arith.extui %and3A_279 : i1 to i32
          %cond3A_281 = arith.constant 0 : i32
          %cond3A_282 = arith.cmpi ne, %convert_element_type3A_280, %cond3A_281 : i32
          scf.if %cond3A_282 {
            "tpu.trace_start"() <{level = 10 : i32, message = "ep_wait_out"}> : () -> ()
            %rem3A_304 = arith.constant 2 : i32
            %rem3A_305 = arith.remui %while3A_146, %rem3A_304 : i32
            %mul3A_306 = arith.constant 128 : i32
            %mul3A_307 = arith.muli %mul3A_306, %add3A_165 : i32
            %dma_wait3A = arith.constant 0 : i32
            %dma_wait3A_308 = arith.constant 0 : i32
            %dma_wait3A_309 = tpu.memref_slice %run_scoped3A_18[%rem3A_305, %dma_wait3A, %dma_wait3A_308] : memref<2x128x128xf32, #tpu.memory_space<vmem>> -> memref<1x128x128xf32, #tpu.memory_space<vmem>>
            %dma_wait3A_310 = tpu.memref_squeeze %dma_wait3A_309 : memref<1x128x128xf32, #tpu.memory_space<vmem>> -> memref<128x128xf32, #tpu.memory_space<vmem>>
            %dma_wait3A_311 = arith.constant 0 : i32
            %dma_wait3A_312 = tpu.memref_slice %arg4[%mul3A_307, %dma_wait3A_311] : memref<76800x128xf32, #tpu.memory_space<hbm>> -> memref<128x128xf32, #tpu.memory_space<hbm>>
            %dma_wait3A_313 = tpu.memref_slice %run_scoped3A_19[%rem3A_305] : memref<2x!tpu.dma_semaphore, #tpu.memory_space<semaphore_mem>> -> memref<1x!tpu.dma_semaphore, #tpu.memory_space<semaphore_mem>>
            %dma_wait3A_314 = tpu.memref_squeeze %dma_wait3A_313 : memref<1x!tpu.dma_semaphore, #tpu.memory_space<semaphore_mem>> -> memref<!tpu.dma_semaphore, #tpu.memory_space<semaphore_mem>>
            %dma_wait3A_315 = arith.constant 0 : i32
            %dma_wait3A_316 = tpu.memref_slice %arg4[%mul3A_307, %dma_wait3A_315] : memref<76800x128xf32, #tpu.memory_space<hbm>> -> memref<128x128xf32, #tpu.memory_space<hbm>>
            %dma_wait3A_317 = arith.constant 0 : i32
            %dma_wait3A_318 = arith.constant 0 : i32
            %dma_wait3A_319 = tpu.memref_slice %run_scoped3A_18[%rem3A_305, %dma_wait3A_317, %dma_wait3A_318] : memref<2x128x128xf32, #tpu.memory_space<vmem>> -> memref<1x128x128xf32, #tpu.memory_space<vmem>>
            %dma_wait3A_320 = tpu.memref_squeeze %dma_wait3A_319 : memref<1x128x128xf32, #tpu.memory_space<vmem>> -> memref<128x128xf32, #tpu.memory_space<vmem>>
            tpu.wait_dma2 semaphore(%dma_wait3A_314 : memref<!tpu.dma_semaphore, #tpu.memory_space<semaphore_mem>>) src(%dma_wait3A_320 : memref<128x128xf32, #tpu.memory_space<vmem>>) dst(%dma_wait3A_316 : memref<128x128xf32, #tpu.memory_space<hbm>>)
            "tpu.trace_stop"() : () -> ()
          } else {
          }
          %and3A_283 = arith.constant true
          %and3A_284 = arith.andi %and3A_279, %and3A_283 : i1
          %add3A_285 = arith.constant 1 : i32
          %add3A_286 = arith.addi %while3A_146, %add3A_285 : i32
          %select_n3A_287 = arith.select %and3A_284, %add3A_286, %while3A_146 : i32
          %ne3A_288 = arith.cmpi ne, %add3A_155, %add3A_173 : i32
          %or3A_289 = arith.constant false
          %or3A_290 = arith.ori %or3A_289, %ne3A_288 : i1
          %or3A_291 = arith.constant false
          %or3A_292 = arith.ori %or3A_290, %or3A_291 : i1
          %or3A_293 = arith.ori %or3A_292, %eq3A_154 : i1
          %add3A_294 = arith.constant 1 : i32
          %add3A_295 = arith.addi %while3A_144, %add3A_294 : i32
          %select_n3A_296 = arith.select %or3A_293, %add3A_295, %while3A_144 : i32
          %add3A_297 = arith.constant 1 : i32
          %add3A_298 = arith.addi %while3A_147, %add3A_297 : i32
          %select_n3A_299 = arith.constant true
          %select_n3A_300 = arith.select %select_n3A_299, %add3A_298, %while3A_147 : i32
          %eq3A_301 = arith.cmpi eq, %select_n3A_300, %select_n3A : i32
          %select_n3A_302 = arith.constant 0 : i32
          %select_n3A_303 = arith.select %eq3A_301, %select_n3A_302, %select_n3A_300 : i32
          scf.yield %select_n3A_197, %select_n3A_296, %select_n3A_258, %select_n3A_287, %select_n3A_303 : i32, i32, i32, i32, i32
        }
        %sub3A_91 = arith.constant 1 : i32
        %sub3A_92 = arith.subi %while3A_90#4, %sub3A_91 : i32
        %select_n3A_93 = arith.constant true
        %select_n3A_94 = arith.select %select_n3A_93, %sub3A_92, %while3A_90#4 : i32
        %eq3A_95 = arith.constant -1 : i32
        %eq3A_96 = arith.cmpi eq, %select_n3A_94, %eq3A_95 : i32
        %sub3A_97 = arith.constant 1 : i32
        %sub3A_98 = arith.subi %select_n3A, %sub3A_97 : i32
        %select_n3A_99 = arith.select %eq3A_96, %sub3A_98, %select_n3A_94 : i32
        %sub3A_100 = arith.constant 1 : i32
        %sub3A_101 = arith.subi %mul3A_16, %sub3A_100 : i32
        %mul3A_102 = arith.constant 1 : i32
        %mul3A_103 = arith.muli %mul3A_102, %select_n3A : i32
        %eq3A_104 = arith.constant 0 : i32
        %eq3A_105 = arith.cmpi eq, %sub3A_101, %eq3A_104 : i32
        %sub3A_106 = arith.constant 1 : i32
        %sub3A_107 = arith.subi %mul3A_103, %sub3A_106 : i32
        %eq3A_108 = arith.cmpi eq, %sub3A_101, %sub3A_107 : i32
        %add3A_109 = arith.addi %select_n3A_99, %select_n3A_14 : i32
        %sub3A_110 = arith.constant 1 : i32
        %sub3A_111 = arith.subi %select_n3A_99, %sub3A_110 : i32
        %select_n3A_112 = arith.constant true
        %select_n3A_113 = arith.select %select_n3A_112, %sub3A_111, %select_n3A_99 : i32
        %eq3A_114 = arith.constant -1 : i32
        %eq3A_115 = arith.cmpi eq, %select_n3A_113, %eq3A_114 : i32
        %sub3A_116 = arith.constant 1 : i32
        %sub3A_117 = arith.subi %select_n3A, %sub3A_116 : i32
        %select_n3A_118 = arith.select %eq3A_115, %sub3A_117, %select_n3A_113 : i32
        %add3A_119 = arith.addi %select_n3A_118, %select_n3A_14 : i32
        %add3A_120 = arith.constant 1 : i32
        %add3A_121 = arith.addi %select_n3A_99, %add3A_120 : i32
        %select_n3A_122 = arith.constant true
        %select_n3A_123 = arith.select %select_n3A_122, %add3A_121, %select_n3A_99 : i32
        %eq3A_124 = arith.cmpi eq, %select_n3A_123, %select_n3A : i32
        %select_n3A_125 = arith.constant 0 : i32
        %select_n3A_126 = arith.select %eq3A_124, %select_n3A_125, %select_n3A_123 : i32
        %add3A_127 = arith.addi %select_n3A_126, %select_n3A_14 : i32
        %add3A_128 = arith.constant 1 : i32
        %add3A_129 = arith.addi %select_n3A_126, %add3A_128 : i32
        %select_n3A_130 = arith.constant true
        %select_n3A_131 = arith.select %select_n3A_130, %add3A_129, %select_n3A_126 : i32
        %eq3A_132 = arith.cmpi eq, %select_n3A_131, %select_n3A : i32
        %select_n3A_133 = arith.constant 0 : i32
        %select_n3A_134 = arith.select %eq3A_132, %select_n3A_133, %select_n3A_131 : i32
        %add3A_135 = arith.addi %select_n3A_134, %select_n3A_14 : i32
        %convert_element_type3A_136 = arith.extui %eq3A_108 : i1 to i32
        %cond3A_137 = arith.constant 0 : i32
        %cond3A_138 = arith.cmpi ne, %convert_element_type3A_136, %cond3A_137 : i32
        scf.if %cond3A_138 {
        } else {
        }
        %convert_element_type3A_139 = arith.extui %eq3A_108 : i1 to i32
        %cond3A_140 = arith.constant 0 : i32
        %cond3A_141 = arith.cmpi ne, %convert_element_type3A_139, %cond3A_140 : i32
        scf.if %cond3A_141 {
          "tpu.trace_start"() <{level = 10 : i32, message = "ep_finalize"}> : () -> ()
          %rem3A_142 = arith.constant 2 : i32
          %rem3A_143 = arith.remui %while3A_90#3, %rem3A_142 : i32
          %mul3A_144 = arith.constant 128 : i32
          %mul3A_145 = arith.muli %mul3A_144, %add3A_109 : i32
          %dma_wait3A = arith.constant 0 : i32
          %dma_wait3A_146 = arith.constant 0 : i32
          %dma_wait3A_147 = tpu.memref_slice %run_scoped3A_18[%rem3A_143, %dma_wait3A, %dma_wait3A_146] : memref<2x128x128xf32, #tpu.memory_space<vmem>> -> memref<1x128x128xf32, #tpu.memory_space<vmem>>
          %dma_wait3A_148 = tpu.memref_squeeze %dma_wait3A_147 : memref<1x128x128xf32, #tpu.memory_space<vmem>> -> memref<128x128xf32, #tpu.memory_space<vmem>>
          %dma_wait3A_149 = arith.constant 0 : i32
          %dma_wait3A_150 = tpu.memref_slice %arg4[%mul3A_145, %dma_wait3A_149] : memref<76800x128xf32, #tpu.memory_space<hbm>> -> memref<128x128xf32, #tpu.memory_space<hbm>>
          %dma_wait3A_151 = tpu.memref_slice %run_scoped3A_19[%rem3A_143] : memref<2x!tpu.dma_semaphore, #tpu.memory_space<semaphore_mem>> -> memref<1x!tpu.dma_semaphore, #tpu.memory_space<semaphore_mem>>
          %dma_wait3A_152 = tpu.memref_squeeze %dma_wait3A_151 : memref<1x!tpu.dma_semaphore, #tpu.memory_space<semaphore_mem>> -> memref<!tpu.dma_semaphore, #tpu.memory_space<semaphore_mem>>
          %dma_wait3A_153 = arith.constant 0 : i32
          %dma_wait3A_154 = tpu.memref_slice %arg4[%mul3A_145, %dma_wait3A_153] : memref<76800x128xf32, #tpu.memory_space<hbm>> -> memref<128x128xf32, #tpu.memory_space<hbm>>
          %dma_wait3A_155 = arith.constant 0 : i32
          %dma_wait3A_156 = arith.constant 0 : i32
          %dma_wait3A_157 = tpu.memref_slice %run_scoped3A_18[%rem3A_143, %dma_wait3A_155, %dma_wait3A_156] : memref<2x128x128xf32, #tpu.memory_space<vmem>> -> memref<1x128x128xf32, #tpu.memory_space<vmem>>
          %dma_wait3A_158 = tpu.memref_squeeze %dma_wait3A_157 : memref<1x128x128xf32, #tpu.memory_space<vmem>> -> memref<128x128xf32, #tpu.memory_space<vmem>>
          tpu.wait_dma2 semaphore(%dma_wait3A_152 : memref<!tpu.dma_semaphore, #tpu.memory_space<semaphore_mem>>) src(%dma_wait3A_158 : memref<128x128xf32, #tpu.memory_space<vmem>>) dst(%dma_wait3A_154 : memref<128x128xf32, #tpu.memory_space<hbm>>)
          "tpu.trace_stop"() : () -> ()
        } else {
        }
      } else {
      }
      tpu.yield
    }) : () -> ()
    return
  }
}

#map = affine_map<(d0, d1) -> (0, 0)>
module attributes {stable_mosaic.version = 14 : i64} {
  func.func @gather_kernel(%arg0: i32, %arg1: i32, %arg2: memref<100000x128xf32, #tpu.memory_space<hbm>>, %arg3: memref<800x128xi32, #tpu.memory_space<hbm>>, %arg4: memref<102400x128xf32, #tpu.memory_space<hbm>>) attributes {dimension_semantics = [#tpu.dimension_semantics<core_parallel>, #tpu.dimension_semantics<subcore_parallel>], iteration_bounds = array<i64: 2, 16>, scalar_prefetch = 0 : i64, scratch_operands = 0 : i64, tpu.core_type = #tpu.core_type<sc_vector_subcore>, window_params = [{transform_indices = #map}, {transform_indices = #map}, {transform_indices = #map}]} {
    %mul3A = arith.constant 1 : i32
    %mul3A_0 = arith.muli %arg1, %mul3A : i32
    %add3A = arith.constant 0 : i32
    %add3A_1 = arith.addi %add3A, %mul3A_0 : i32
    %mul3A_2 = arith.constant 16 : i32
    %mul3A_3 = arith.muli %arg0, %mul3A_2 : i32
    %add3A_4 = arith.addi %add3A_1, %mul3A_3 : i32
    %mul3A_5 = arith.constant 25 : i32
    %mul3A_6 = arith.muli %add3A_4, %mul3A_5 : i32
    "tpu.region"() ({
      %run_scoped3A = memref.alloca() : memref<2x1x128xi32, #tpu.memory_space<vmem>>
      %run_scoped3A_7 = tpu.sem_alloc : memref<2x!tpu.dma_semaphore, #tpu.memory_space<semaphore_mem>>
      %run_scoped3A_8 = memref.alloca() : memref<2x128x128xf32, #tpu.memory_space<vmem>>
      %run_scoped3A_9 = tpu.sem_alloc : memref<2x!tpu.dma_semaphore, #tpu.memory_space<semaphore_mem>>
      %add3A_10 = arith.constant 0 : i32
      %add3A_11 = arith.addi %add3A_10, %mul3A_6 : i32
      %select_n3A = arith.constant true
      %select_n3A_12 = arith.constant 0 : i32
      %select_n3A_13 = arith.constant -1 : i32
      %select_n3A_14 = arith.select %select_n3A, %select_n3A_13, %select_n3A_12 : i32
      %eq3A = arith.constant -1 : i32
      %eq3A_15 = arith.cmpi eq, %select_n3A_14, %eq3A : i32
      %select_n3A_16 = arith.constant 24 : i32
      %select_n3A_17 = arith.select %eq3A_15, %select_n3A_16, %select_n3A_14 : i32
      %add3A_18 = arith.addi %select_n3A_17, %mul3A_6 : i32
      %select_n3A_19 = arith.constant true
      %select_n3A_20 = arith.constant 0 : i32
      %select_n3A_21 = arith.constant 1 : i32
      %select_n3A_22 = arith.select %select_n3A_19, %select_n3A_21, %select_n3A_20 : i32
      %eq3A_23 = arith.constant 25 : i32
      %eq3A_24 = arith.cmpi eq, %select_n3A_22, %eq3A_23 : i32
      %select_n3A_25 = arith.constant 0 : i32
      %select_n3A_26 = arith.select %eq3A_24, %select_n3A_25, %select_n3A_22 : i32
      %add3A_27 = arith.addi %select_n3A_26, %mul3A_6 : i32
      %add3A_28 = arith.constant 1 : i32
      %add3A_29 = arith.addi %select_n3A_26, %add3A_28 : i32
      %select_n3A_30 = arith.constant true
      %select_n3A_31 = arith.select %select_n3A_30, %add3A_29, %select_n3A_26 : i32
      %eq3A_32 = arith.constant 25 : i32
      %eq3A_33 = arith.cmpi eq, %select_n3A_31, %eq3A_32 : i32
      %select_n3A_34 = arith.constant 0 : i32
      %select_n3A_35 = arith.select %eq3A_33, %select_n3A_34, %select_n3A_31 : i32
      %add3A_36 = arith.addi %select_n3A_35, %mul3A_6 : i32
      "tpu.trace_start"() <{level = 10 : i32, message = "ep_initialize_0"}> : () -> ()
      %rem3A = arith.constant 0 : i32
      %rem3A_37 = arith.constant 2 : i32
      %rem3A_38 = arith.remui %rem3A, %rem3A_37 : i32
      %mul3A_39 = arith.constant 1 : i32
      %mul3A_40 = arith.muli %mul3A_39, %add3A_11 : i32
      %dma_start3A = arith.constant 0 : i32
      %dma_start3A_41 = arith.constant 0 : i32
      %dma_start3A_42 = tpu.memref_slice %run_scoped3A[%rem3A_38, %dma_start3A, %dma_start3A_41] : memref<2x1x128xi32, #tpu.memory_space<vmem>> -> memref<1x1x128xi32, #tpu.memory_space<vmem>>
      %dma_start3A_43 = tpu.memref_squeeze %dma_start3A_42 : memref<1x1x128xi32, #tpu.memory_space<vmem>> -> memref<1x128xi32, #tpu.memory_space<vmem>>
      %dma_start3A_44 = arith.constant 0 : i32
      %dma_start3A_45 = tpu.memref_slice %arg3[%mul3A_40, %dma_start3A_44] : memref<800x128xi32, #tpu.memory_space<hbm>> -> memref<1x128xi32, #tpu.memory_space<hbm>>
      %dma_start3A_46 = tpu.memref_slice %run_scoped3A_7[%rem3A_38] : memref<2x!tpu.dma_semaphore, #tpu.memory_space<semaphore_mem>> -> memref<1x!tpu.dma_semaphore, #tpu.memory_space<semaphore_mem>>
      %dma_start3A_47 = tpu.memref_squeeze %dma_start3A_46 : memref<1x!tpu.dma_semaphore, #tpu.memory_space<semaphore_mem>> -> memref<!tpu.dma_semaphore, #tpu.memory_space<semaphore_mem>>
      %dma_start3A_48 = arith.constant 0 : i32
      %dma_start3A_49 = arith.constant 0 : i32
      %dma_start3A_50 = tpu.memref_slice %run_scoped3A[%rem3A_38, %dma_start3A_48, %dma_start3A_49] : memref<2x1x128xi32, #tpu.memory_space<vmem>> -> memref<1x1x128xi32, #tpu.memory_space<vmem>>
      %dma_start3A_51 = tpu.memref_squeeze %dma_start3A_50 : memref<1x1x128xi32, #tpu.memory_space<vmem>> -> memref<1x128xi32, #tpu.memory_space<vmem>>
      %dma_start3A_52 = arith.constant 0 : i32
      %dma_start3A_53 = tpu.memref_slice %arg3[%mul3A_40, %dma_start3A_52] : memref<800x128xi32, #tpu.memory_space<hbm>> -> memref<1x128xi32, #tpu.memory_space<hbm>>
      tpu.enqueue_dma source(%dma_start3A_53 : memref<1x128xi32, #tpu.memory_space<hbm>>) target(%dma_start3A_51 : memref<1x128xi32, #tpu.memory_space<vmem>>) target_semaphore(%dma_start3A_47 : memref<!tpu.dma_semaphore, #tpu.memory_space<semaphore_mem>>)
      %add3A_54 = arith.constant 0 : i32
      %add3A_55 = arith.constant 1 : i32
      %add3A_56 = arith.addi %add3A_54, %add3A_55 : i32
      %select_n3A_57 = arith.constant true
      %select_n3A_58 = arith.constant 0 : i32
      %select_n3A_59 = arith.select %select_n3A_57, %add3A_56, %select_n3A_58 : i32
      "tpu.trace_stop"() : () -> ()
      %scan3A = arith.constant 0 : i32
      %scan3A_60 = arith.constant 0 : i32
      %scan3A_61 = arith.constant 0 : i32
      %scan3A_62 = arith.constant 0 : i32
      %scan3A_63 = arith.constant 0 : i32
      %scan3A_64 = arith.constant 25 : i32
      %scan3A_65 = arith.addi %scan3A_63, %scan3A_64 : i32
      %scan3A_66 = arith.constant 1 : i32
      %scan3A_67:5 = scf.for %scan3A_121 = %scan3A_63 to %scan3A_65 step %scan3A_66 iter_args(%scan3A_122 = %select_n3A_59, %scan3A_123 = %scan3A, %scan3A_124 = %scan3A_60, %scan3A_125 = %scan3A_61, %scan3A_126 = %scan3A_62) -> (i32, i32, i32, i32, i32)  : i32 {
        %eq3A_127 = arith.constant 0 : i32
        %eq3A_128 = arith.cmpi eq, %scan3A_121, %eq3A_127 : i32
        %eq3A_129 = arith.constant 24 : i32
        %eq3A_130 = arith.cmpi eq, %scan3A_121, %eq3A_129 : i32
        %add3A_131 = arith.addi %scan3A_126, %mul3A_6 : i32
        %sub3A_132 = arith.constant 1 : i32
        %sub3A_133 = arith.subi %scan3A_126, %sub3A_132 : i32
        %select_n3A_134 = arith.constant true
        %select_n3A_135 = arith.select %select_n3A_134, %sub3A_133, %scan3A_126 : i32
        %eq3A_136 = arith.constant -1 : i32
        %eq3A_137 = arith.cmpi eq, %select_n3A_135, %eq3A_136 : i32
        %select_n3A_138 = arith.constant 24 : i32
        %select_n3A_139 = arith.select %eq3A_137, %select_n3A_138, %select_n3A_135 : i32
        %add3A_140 = arith.addi %select_n3A_139, %mul3A_6 : i32
        %add3A_141 = arith.constant 1 : i32
        %add3A_142 = arith.addi %scan3A_126, %add3A_141 : i32
        %select_n3A_143 = arith.constant true
        %select_n3A_144 = arith.select %select_n3A_143, %add3A_142, %scan3A_126 : i32
        %eq3A_145 = arith.constant 25 : i32
        %eq3A_146 = arith.cmpi eq, %select_n3A_144, %eq3A_145 : i32
        %select_n3A_147 = arith.constant 0 : i32
        %select_n3A_148 = arith.select %eq3A_146, %select_n3A_147, %select_n3A_144 : i32
        %add3A_149 = arith.addi %select_n3A_148, %mul3A_6 : i32
        %add3A_150 = arith.constant 1 : i32
        %add3A_151 = arith.addi %select_n3A_148, %add3A_150 : i32
        %select_n3A_152 = arith.constant true
        %select_n3A_153 = arith.select %select_n3A_152, %add3A_151, %select_n3A_148 : i32
        %eq3A_154 = arith.constant 25 : i32
        %eq3A_155 = arith.cmpi eq, %select_n3A_153, %eq3A_154 : i32
        %select_n3A_156 = arith.constant 0 : i32
        %select_n3A_157 = arith.select %eq3A_155, %select_n3A_156, %select_n3A_153 : i32
        %add3A_158 = arith.addi %select_n3A_157, %mul3A_6 : i32
        %ne3A = arith.cmpi ne, %add3A_131, %add3A_149 : i32
        %or3A = arith.constant false
        %or3A_159 = arith.ori %or3A, %ne3A : i1
        %or3A_160 = arith.constant false
        %or3A_161 = arith.ori %or3A_159, %or3A_160 : i1
        %ge3A = arith.constant 24 : i32
        %ge3A_162 = arith.cmpi sge, %scan3A_121, %ge3A : i32
        %not3A = arith.constant true
        %not3A_163 = arith.xori %ge3A_162, %not3A : i1
        %and3A = arith.andi %or3A_161, %not3A_163 : i1
        %convert_element_type3A = arith.extui %and3A : i1 to i32
        %cond3A = arith.constant 0 : i32
        %cond3A_164 = arith.cmpi ne, %convert_element_type3A, %cond3A : i32
        scf.if %cond3A_164 {
          "tpu.trace_start"() <{level = 10 : i32, message = "ep_copy_in"}> : () -> ()
          %rem3A_274 = arith.constant 2 : i32
          %rem3A_275 = arith.remui %scan3A_122, %rem3A_274 : i32
          %mul3A_276 = arith.constant 1 : i32
          %mul3A_277 = arith.muli %mul3A_276, %add3A_149 : i32
          %dma_start3A_278 = arith.constant 0 : i32
          %dma_start3A_279 = arith.constant 0 : i32
          %dma_start3A_280 = tpu.memref_slice %run_scoped3A[%rem3A_275, %dma_start3A_278, %dma_start3A_279] : memref<2x1x128xi32, #tpu.memory_space<vmem>> -> memref<1x1x128xi32, #tpu.memory_space<vmem>>
          %dma_start3A_281 = tpu.memref_squeeze %dma_start3A_280 : memref<1x1x128xi32, #tpu.memory_space<vmem>> -> memref<1x128xi32, #tpu.memory_space<vmem>>
          %dma_start3A_282 = arith.constant 0 : i32
          %dma_start3A_283 = tpu.memref_slice %arg3[%mul3A_277, %dma_start3A_282] : memref<800x128xi32, #tpu.memory_space<hbm>> -> memref<1x128xi32, #tpu.memory_space<hbm>>
          %dma_start3A_284 = tpu.memref_slice %run_scoped3A_7[%rem3A_275] : memref<2x!tpu.dma_semaphore, #tpu.memory_space<semaphore_mem>> -> memref<1x!tpu.dma_semaphore, #tpu.memory_space<semaphore_mem>>
          %dma_start3A_285 = tpu.memref_squeeze %dma_start3A_284 : memref<1x!tpu.dma_semaphore, #tpu.memory_space<semaphore_mem>> -> memref<!tpu.dma_semaphore, #tpu.memory_space<semaphore_mem>>
          %dma_start3A_286 = arith.constant 0 : i32
          %dma_start3A_287 = arith.constant 0 : i32
          %dma_start3A_288 = tpu.memref_slice %run_scoped3A[%rem3A_275, %dma_start3A_286, %dma_start3A_287] : memref<2x1x128xi32, #tpu.memory_space<vmem>> -> memref<1x1x128xi32, #tpu.memory_space<vmem>>
          %dma_start3A_289 = tpu.memref_squeeze %dma_start3A_288 : memref<1x1x128xi32, #tpu.memory_space<vmem>> -> memref<1x128xi32, #tpu.memory_space<vmem>>
          %dma_start3A_290 = arith.constant 0 : i32
          %dma_start3A_291 = tpu.memref_slice %arg3[%mul3A_277, %dma_start3A_290] : memref<800x128xi32, #tpu.memory_space<hbm>> -> memref<1x128xi32, #tpu.memory_space<hbm>>
          tpu.enqueue_dma source(%dma_start3A_291 : memref<1x128xi32, #tpu.memory_space<hbm>>) target(%dma_start3A_289 : memref<1x128xi32, #tpu.memory_space<vmem>>) target_semaphore(%dma_start3A_285 : memref<!tpu.dma_semaphore, #tpu.memory_space<semaphore_mem>>)
          "tpu.trace_stop"() : () -> ()
        } else {
        }
        %and3A_165 = arith.constant true
        %and3A_166 = arith.andi %and3A, %and3A_165 : i1
        %add3A_167 = arith.constant 1 : i32
        %add3A_168 = arith.addi %scan3A_122, %add3A_167 : i32
        %select_n3A_169 = arith.select %and3A_166, %add3A_168, %scan3A_122 : i32
        %ne3A_170 = arith.cmpi ne, %add3A_131, %add3A_149 : i32
        %or3A_171 = arith.constant false
        %or3A_172 = arith.ori %or3A_171, %ne3A_170 : i1
        %or3A_173 = arith.constant false
        %or3A_174 = arith.ori %or3A_172, %or3A_173 : i1
        %ge3A_175 = arith.constant 24 : i32
        %ge3A_176 = arith.cmpi sge, %scan3A_121, %ge3A_175 : i32
        %not3A_177 = arith.constant true
        %not3A_178 = arith.xori %ge3A_176, %not3A_177 : i1
        %and3A_179 = arith.andi %or3A_174, %not3A_178 : i1
        %ne3A_180 = arith.cmpi ne, %add3A_131, %add3A_140 : i32
        %or3A_181 = arith.constant false
        %or3A_182 = arith.ori %or3A_181, %ne3A_180 : i1
        %or3A_183 = arith.constant false
        %or3A_184 = arith.ori %or3A_182, %or3A_183 : i1
        %or3A_185 = arith.ori %or3A_184, %eq3A_128 : i1
        %convert_element_type3A_186 = arith.extui %or3A_185 : i1 to i32
        %cond3A_187 = arith.constant 0 : i32
        %cond3A_188 = arith.cmpi ne, %convert_element_type3A_186, %cond3A_187 : i32
        scf.if %cond3A_188 {
          "tpu.trace_start"() <{level = 10 : i32, message = "ep_wait_in"}> : () -> ()
          %mul3A_274 = arith.constant 1 : i32
          %mul3A_275 = arith.muli %mul3A_274, %add3A_131 : i32
          %rem3A_276 = arith.constant 2 : i32
          %rem3A_277 = arith.remui %scan3A_123, %rem3A_276 : i32
          %dma_wait3A_278 = arith.constant 0 : i32
          %dma_wait3A_279 = arith.constant 0 : i32
          %dma_wait3A_280 = tpu.memref_slice %run_scoped3A[%rem3A_277, %dma_wait3A_278, %dma_wait3A_279] : memref<2x1x128xi32, #tpu.memory_space<vmem>> -> memref<1x1x128xi32, #tpu.memory_space<vmem>>
          %dma_wait3A_281 = tpu.memref_squeeze %dma_wait3A_280 : memref<1x1x128xi32, #tpu.memory_space<vmem>> -> memref<1x128xi32, #tpu.memory_space<vmem>>
          %dma_wait3A_282 = arith.constant 0 : i32
          %dma_wait3A_283 = tpu.memref_slice %arg3[%mul3A_275, %dma_wait3A_282] : memref<800x128xi32, #tpu.memory_space<hbm>> -> memref<1x128xi32, #tpu.memory_space<hbm>>
          %dma_wait3A_284 = tpu.memref_slice %run_scoped3A_7[%rem3A_277] : memref<2x!tpu.dma_semaphore, #tpu.memory_space<semaphore_mem>> -> memref<1x!tpu.dma_semaphore, #tpu.memory_space<semaphore_mem>>
          %dma_wait3A_285 = tpu.memref_squeeze %dma_wait3A_284 : memref<1x!tpu.dma_semaphore, #tpu.memory_space<semaphore_mem>> -> memref<!tpu.dma_semaphore, #tpu.memory_space<semaphore_mem>>
          %dma_wait3A_286 = arith.constant 0 : i32
          %dma_wait3A_287 = arith.constant 0 : i32
          %dma_wait3A_288 = tpu.memref_slice %run_scoped3A[%rem3A_277, %dma_wait3A_286, %dma_wait3A_287] : memref<2x1x128xi32, #tpu.memory_space<vmem>> -> memref<1x1x128xi32, #tpu.memory_space<vmem>>
          %dma_wait3A_289 = tpu.memref_squeeze %dma_wait3A_288 : memref<1x1x128xi32, #tpu.memory_space<vmem>> -> memref<1x128xi32, #tpu.memory_space<vmem>>
          %dma_wait3A_290 = arith.constant 0 : i32
          %dma_wait3A_291 = tpu.memref_slice %arg3[%mul3A_275, %dma_wait3A_290] : memref<800x128xi32, #tpu.memory_space<hbm>> -> memref<1x128xi32, #tpu.memory_space<hbm>>
          tpu.wait_dma2 semaphore(%dma_wait3A_285 : memref<!tpu.dma_semaphore, #tpu.memory_space<semaphore_mem>>) src(%dma_wait3A_291 : memref<1x128xi32, #tpu.memory_space<hbm>>) dst(%dma_wait3A_289 : memref<1x128xi32, #tpu.memory_space<vmem>>)
          "tpu.trace_stop"() : () -> ()
        } else {
        }
        %ne3A_189 = arith.cmpi ne, %add3A_131, %add3A_140 : i32
        %or3A_190 = arith.constant false
        %or3A_191 = arith.ori %or3A_190, %ne3A_189 : i1
        %or3A_192 = arith.constant false
        %or3A_193 = arith.ori %or3A_191, %or3A_192 : i1
        %or3A_194 = arith.ori %or3A_193, %eq3A_128 : i1
        %convert_element_type3A_195 = arith.extui %or3A_194 : i1 to i32
        %cond3A_196 = arith.constant 0 : i32
        %cond3A_197 = arith.cmpi ne, %convert_element_type3A_195, %cond3A_196 : i32
        scf.if %cond3A_197 {
        } else {
        }
        %rem3A_198 = arith.constant 2 : i32
        %rem3A_199 = arith.remui %scan3A_123, %rem3A_198 : i32
        %rem3A_200 = arith.constant 2 : i32
        %rem3A_201 = arith.remui %scan3A_124, %rem3A_200 : i32
        %run_scoped3A_202 = arith.constant 0 : i32
        "tpu.trace_start"() <{level = 10 : i32, message = "ep_run_kernel"}> : () -> ()
        "tpu.region"() ({
          %run_scoped3A_274 = tpu.sem_alloc : memref<!tpu.dma_semaphore, #tpu.memory_space<semaphore_mem>>
          %dma_start3A_275 = arith.constant 0 : i32
          %dma_start3A_276 = arith.constant 0 : i32
          %dma_start3A_277 = tpu.memref_slice %run_scoped3A_8[%rem3A_201, %dma_start3A_275, %dma_start3A_276] : memref<2x128x128xf32, #tpu.memory_space<vmem>> -> memref<1x128x128xf32, #tpu.memory_space<vmem>>
          %dma_start3A_278 = tpu.memref_squeeze %dma_start3A_277 : memref<1x128x128xf32, #tpu.memory_space<vmem>> -> memref<128x128xf32, #tpu.memory_space<vmem>>
          %dma_start3A_279 = arith.constant 0 : i32
          %dma_start3A_280 = arith.constant 0 : i32
          %dma_start3A_281 = tpu.memref_slice %run_scoped3A[%rem3A_199, %dma_start3A_279, %dma_start3A_280] : memref<2x1x128xi32, #tpu.memory_space<vmem>> -> memref<1x1x128xi32, #tpu.memory_space<vmem>>
          %dma_start3A_282 = tpu.memref_squeeze %dma_start3A_281 : memref<1x1x128xi32, #tpu.memory_space<vmem>> -> memref<1x128xi32, #tpu.memory_space<vmem>>
          %dma_start3A_283 = arith.constant 0 : i32
          %dma_start3A_284 = tpu.memref_slice %dma_start3A_282[%run_scoped3A_202, %dma_start3A_283] : memref<1x128xi32, #tpu.memory_space<vmem>> -> memref<1x128xi32, #tpu.memory_space<vmem>>
          %dma_start3A_285 = tpu.memref_squeeze %dma_start3A_284 : memref<1x128xi32, #tpu.memory_space<vmem>> -> memref<128xi32, #tpu.memory_space<vmem>>
          %dma_start3A_286 = arith.constant 0 : i32
          %dma_start3A_287 = arith.constant 0 : i32
          %dma_start3A_288 = tpu.memref_slice %arg2[%dma_start3A_286, %dma_start3A_287] : memref<100000x128xf32, #tpu.memory_space<hbm>> -> memref<100000x128xf32, #tpu.memory_space<hbm>>
          tpu.enqueue_indirect_dma source(%dma_start3A_288 : memref<100000x128xf32, #tpu.memory_space<hbm>>) target(%dma_start3A_278 : memref<128x128xf32, #tpu.memory_space<vmem>>) offsets(%dma_start3A_285 : memref<128xi32, #tpu.memory_space<vmem>>) semaphore(%run_scoped3A_274 : memref<!tpu.dma_semaphore, #tpu.memory_space<semaphore_mem>>)
          %dma_wait3A_289 = arith.constant 0 : i32
          %dma_wait3A_290 = arith.constant 0 : i32
          %dma_wait3A_291 = tpu.memref_slice %run_scoped3A_8[%rem3A_201, %dma_wait3A_289, %dma_wait3A_290] : memref<2x128x128xf32, #tpu.memory_space<vmem>> -> memref<1x128x128xf32, #tpu.memory_space<vmem>>
          %dma_wait3A_292 = tpu.memref_squeeze %dma_wait3A_291 : memref<1x128x128xf32, #tpu.memory_space<vmem>> -> memref<128x128xf32, #tpu.memory_space<vmem>>
          %dma_wait3A_293 = arith.constant 0 : i32
          %dma_wait3A_294 = arith.constant 0 : i32
          %dma_wait3A_295 = tpu.memref_slice %run_scoped3A[%rem3A_199, %dma_wait3A_293, %dma_wait3A_294] : memref<2x1x128xi32, #tpu.memory_space<vmem>> -> memref<1x1x128xi32, #tpu.memory_space<vmem>>
          %dma_wait3A_296 = tpu.memref_squeeze %dma_wait3A_295 : memref<1x1x128xi32, #tpu.memory_space<vmem>> -> memref<1x128xi32, #tpu.memory_space<vmem>>
          %dma_wait3A_297 = arith.constant 0 : i32
          %dma_wait3A_298 = tpu.memref_slice %dma_wait3A_296[%run_scoped3A_202, %dma_wait3A_297] : memref<1x128xi32, #tpu.memory_space<vmem>> -> memref<1x128xi32, #tpu.memory_space<vmem>>
          %dma_wait3A_299 = tpu.memref_squeeze %dma_wait3A_298 : memref<1x128xi32, #tpu.memory_space<vmem>> -> memref<128xi32, #tpu.memory_space<vmem>>
          %dma_wait3A_300 = arith.constant 0 : i32
          %dma_wait3A_301 = arith.constant 0 : i32
          %dma_wait3A_302 = tpu.memref_slice %arg2[%dma_wait3A_300, %dma_wait3A_301] : memref<100000x128xf32, #tpu.memory_space<hbm>> -> memref<100000x128xf32, #tpu.memory_space<hbm>>
          tpu.wait_indirect_dma semaphore(%run_scoped3A_274 : memref<!tpu.dma_semaphore, #tpu.memory_space<semaphore_mem>>) src(%dma_wait3A_302 : memref<100000x128xf32, #tpu.memory_space<hbm>>) dst(%dma_wait3A_292 : memref<128x128xf32, #tpu.memory_space<vmem>>)
          tpu.yield
        }) : () -> ()
        "tpu.trace_stop"() : () -> ()
        %ne3A_203 = arith.cmpi ne, %add3A_131, %add3A_149 : i32
        %or3A_204 = arith.constant false
        %or3A_205 = arith.ori %or3A_204, %ne3A_203 : i1
        %or3A_206 = arith.constant false
        %or3A_207 = arith.ori %or3A_205, %or3A_206 : i1
        %or3A_208 = arith.ori %or3A_207, %eq3A_130 : i1
        %convert_element_type3A_209 = arith.extui %or3A_208 : i1 to i32
        %cond3A_210 = arith.constant 0 : i32
        %cond3A_211 = arith.cmpi ne, %convert_element_type3A_209, %cond3A_210 : i32
        scf.if %cond3A_211 {
        } else {
        }
        %and3A_212 = arith.constant false
        %and3A_213 = arith.andi %or3A_208, %and3A_212 : i1
        %ne3A_214 = arith.cmpi ne, %add3A_131, %add3A_149 : i32
        %or3A_215 = arith.constant false
        %or3A_216 = arith.ori %or3A_215, %ne3A_214 : i1
        %or3A_217 = arith.constant false
        %or3A_218 = arith.ori %or3A_216, %or3A_217 : i1
        %or3A_219 = arith.ori %or3A_218, %eq3A_130 : i1
        %convert_element_type3A_220 = arith.extui %or3A_219 : i1 to i32
        %cond3A_221 = arith.constant 0 : i32
        %cond3A_222 = arith.cmpi ne, %convert_element_type3A_220, %cond3A_221 : i32
        scf.if %cond3A_222 {
          "tpu.trace_start"() <{level = 10 : i32, message = "ep_copy_out"}> : () -> ()
          %rem3A_274 = arith.constant 2 : i32
          %rem3A_275 = arith.remui %scan3A_124, %rem3A_274 : i32
          %mul3A_276 = arith.constant 128 : i32
          %mul3A_277 = arith.muli %mul3A_276, %add3A_131 : i32
          %dma_start3A_278 = arith.constant 0 : i32
          %dma_start3A_279 = arith.constant 0 : i32
          %dma_start3A_280 = tpu.memref_slice %run_scoped3A_8[%rem3A_275, %dma_start3A_278, %dma_start3A_279] : memref<2x128x128xf32, #tpu.memory_space<vmem>> -> memref<1x128x128xf32, #tpu.memory_space<vmem>>
          %dma_start3A_281 = tpu.memref_squeeze %dma_start3A_280 : memref<1x128x128xf32, #tpu.memory_space<vmem>> -> memref<128x128xf32, #tpu.memory_space<vmem>>
          %dma_start3A_282 = arith.constant 0 : i32
          %dma_start3A_283 = tpu.memref_slice %arg4[%mul3A_277, %dma_start3A_282] : memref<102400x128xf32, #tpu.memory_space<hbm>> -> memref<128x128xf32, #tpu.memory_space<hbm>>
          %dma_start3A_284 = tpu.memref_slice %run_scoped3A_9[%rem3A_275] : memref<2x!tpu.dma_semaphore, #tpu.memory_space<semaphore_mem>> -> memref<1x!tpu.dma_semaphore, #tpu.memory_space<semaphore_mem>>
          %dma_start3A_285 = tpu.memref_squeeze %dma_start3A_284 : memref<1x!tpu.dma_semaphore, #tpu.memory_space<semaphore_mem>> -> memref<!tpu.dma_semaphore, #tpu.memory_space<semaphore_mem>>
          %dma_start3A_286 = arith.constant 0 : i32
          %dma_start3A_287 = tpu.memref_slice %arg4[%mul3A_277, %dma_start3A_286] : memref<102400x128xf32, #tpu.memory_space<hbm>> -> memref<128x128xf32, #tpu.memory_space<hbm>>
          %dma_start3A_288 = arith.constant 0 : i32
          %dma_start3A_289 = arith.constant 0 : i32
          %dma_start3A_290 = tpu.memref_slice %run_scoped3A_8[%rem3A_275, %dma_start3A_288, %dma_start3A_289] : memref<2x128x128xf32, #tpu.memory_space<vmem>> -> memref<1x128x128xf32, #tpu.memory_space<vmem>>
          %dma_start3A_291 = tpu.memref_squeeze %dma_start3A_290 : memref<1x128x128xf32, #tpu.memory_space<vmem>> -> memref<128x128xf32, #tpu.memory_space<vmem>>
          tpu.enqueue_dma source(%dma_start3A_291 : memref<128x128xf32, #tpu.memory_space<vmem>>) target(%dma_start3A_287 : memref<128x128xf32, #tpu.memory_space<hbm>>) target_semaphore(%dma_start3A_285 : memref<!tpu.dma_semaphore, #tpu.memory_space<semaphore_mem>>)
          "tpu.trace_stop"() : () -> ()
        } else {
        }
        %and3A_223 = arith.constant true
        %and3A_224 = arith.andi %or3A_219, %and3A_223 : i1
        %add3A_225 = arith.constant 1 : i32
        %add3A_226 = arith.addi %scan3A_124, %add3A_225 : i32
        %select_n3A_227 = arith.select %and3A_224, %add3A_226, %scan3A_124 : i32
        %ne3A_228 = arith.cmpi ne, %add3A_131, %add3A_140 : i32
        %or3A_229 = arith.constant false
        %or3A_230 = arith.ori %or3A_229, %ne3A_228 : i1
        %or3A_231 = arith.constant false
        %or3A_232 = arith.ori %or3A_230, %or3A_231 : i1
        %not3A_233 = arith.constant true
        %not3A_234 = arith.xori %eq3A_128, %not3A_233 : i1
        %and3A_235 = arith.andi %or3A_232, %not3A_234 : i1
        %convert_element_type3A_236 = arith.extui %and3A_235 : i1 to i32
        %cond3A_237 = arith.constant 0 : i32
        %cond3A_238 = arith.cmpi ne, %convert_element_type3A_236, %cond3A_237 : i32
        scf.if %cond3A_238 {
        } else {
        }
        %and3A_239 = arith.constant false
        %and3A_240 = arith.andi %and3A_235, %and3A_239 : i1
        %ne3A_241 = arith.cmpi ne, %add3A_131, %add3A_140 : i32
        %or3A_242 = arith.constant false
        %or3A_243 = arith.ori %or3A_242, %ne3A_241 : i1
        %or3A_244 = arith.constant false
        %or3A_245 = arith.ori %or3A_243, %or3A_244 : i1
        %not3A_246 = arith.constant true
        %not3A_247 = arith.xori %eq3A_128, %not3A_246 : i1
        %and3A_248 = arith.andi %or3A_245, %not3A_247 : i1
        %convert_element_type3A_249 = arith.extui %and3A_248 : i1 to i32
        %cond3A_250 = arith.constant 0 : i32
        %cond3A_251 = arith.cmpi ne, %convert_element_type3A_249, %cond3A_250 : i32
        scf.if %cond3A_251 {
          "tpu.trace_start"() <{level = 10 : i32, message = "ep_wait_out"}> : () -> ()
          %rem3A_274 = arith.constant 2 : i32
          %rem3A_275 = arith.remui %scan3A_125, %rem3A_274 : i32
          %mul3A_276 = arith.constant 128 : i32
          %mul3A_277 = arith.muli %mul3A_276, %add3A_140 : i32
          %dma_wait3A_278 = arith.constant 0 : i32
          %dma_wait3A_279 = arith.constant 0 : i32
          %dma_wait3A_280 = tpu.memref_slice %run_scoped3A_8[%rem3A_275, %dma_wait3A_278, %dma_wait3A_279] : memref<2x128x128xf32, #tpu.memory_space<vmem>> -> memref<1x128x128xf32, #tpu.memory_space<vmem>>
          %dma_wait3A_281 = tpu.memref_squeeze %dma_wait3A_280 : memref<1x128x128xf32, #tpu.memory_space<vmem>> -> memref<128x128xf32, #tpu.memory_space<vmem>>
          %dma_wait3A_282 = arith.constant 0 : i32
          %dma_wait3A_283 = tpu.memref_slice %arg4[%mul3A_277, %dma_wait3A_282] : memref<102400x128xf32, #tpu.memory_space<hbm>> -> memref<128x128xf32, #tpu.memory_space<hbm>>
          %dma_wait3A_284 = tpu.memref_slice %run_scoped3A_9[%rem3A_275] : memref<2x!tpu.dma_semaphore, #tpu.memory_space<semaphore_mem>> -> memref<1x!tpu.dma_semaphore, #tpu.memory_space<semaphore_mem>>
          %dma_wait3A_285 = tpu.memref_squeeze %dma_wait3A_284 : memref<1x!tpu.dma_semaphore, #tpu.memory_space<semaphore_mem>> -> memref<!tpu.dma_semaphore, #tpu.memory_space<semaphore_mem>>
          %dma_wait3A_286 = arith.constant 0 : i32
          %dma_wait3A_287 = tpu.memref_slice %arg4[%mul3A_277, %dma_wait3A_286] : memref<102400x128xf32, #tpu.memory_space<hbm>> -> memref<128x128xf32, #tpu.memory_space<hbm>>
          %dma_wait3A_288 = arith.constant 0 : i32
          %dma_wait3A_289 = arith.constant 0 : i32
          %dma_wait3A_290 = tpu.memref_slice %run_scoped3A_8[%rem3A_275, %dma_wait3A_288, %dma_wait3A_289] : memref<2x128x128xf32, #tpu.memory_space<vmem>> -> memref<1x128x128xf32, #tpu.memory_space<vmem>>
          %dma_wait3A_291 = tpu.memref_squeeze %dma_wait3A_290 : memref<1x128x128xf32, #tpu.memory_space<vmem>> -> memref<128x128xf32, #tpu.memory_space<vmem>>
          tpu.wait_dma2 semaphore(%dma_wait3A_285 : memref<!tpu.dma_semaphore, #tpu.memory_space<semaphore_mem>>) src(%dma_wait3A_291 : memref<128x128xf32, #tpu.memory_space<vmem>>) dst(%dma_wait3A_287 : memref<128x128xf32, #tpu.memory_space<hbm>>)
          "tpu.trace_stop"() : () -> ()
        } else {
        }
        %and3A_252 = arith.constant true
        %and3A_253 = arith.andi %and3A_248, %and3A_252 : i1
        %add3A_254 = arith.constant 1 : i32
        %add3A_255 = arith.addi %scan3A_125, %add3A_254 : i32
        %select_n3A_256 = arith.select %and3A_253, %add3A_255, %scan3A_125 : i32
        %ne3A_257 = arith.cmpi ne, %add3A_131, %add3A_149 : i32
        %or3A_258 = arith.constant false
        %or3A_259 = arith.ori %or3A_258, %ne3A_257 : i1
        %or3A_260 = arith.constant false
        %or3A_261 = arith.ori %or3A_259, %or3A_260 : i1
        %or3A_262 = arith.ori %or3A_261, %eq3A_130 : i1
        %add3A_263 = arith.constant 1 : i32
        %add3A_264 = arith.addi %scan3A_123, %add3A_263 : i32
        %select_n3A_265 = arith.select %or3A_262, %add3A_264, %scan3A_123 : i32
        %add3A_266 = arith.constant 1 : i32
        %add3A_267 = arith.addi %scan3A_126, %add3A_266 : i32
        %select_n3A_268 = arith.constant true
        %select_n3A_269 = arith.select %select_n3A_268, %add3A_267, %scan3A_126 : i32
        %eq3A_270 = arith.constant 25 : i32
        %eq3A_271 = arith.cmpi eq, %select_n3A_269, %eq3A_270 : i32
        %select_n3A_272 = arith.constant 0 : i32
        %select_n3A_273 = arith.select %eq3A_271, %select_n3A_272, %select_n3A_269 : i32
        scf.yield %select_n3A_169, %select_n3A_265, %select_n3A_227, %select_n3A_256, %select_n3A_273 : i32, i32, i32, i32, i32
      }
      %scan3A_68 = arith.constant 25 : i32
      %sub3A = arith.constant 1 : i32
      %sub3A_69 = arith.subi %scan3A_67#4, %sub3A : i32
      %select_n3A_70 = arith.constant true
      %select_n3A_71 = arith.select %select_n3A_70, %sub3A_69, %scan3A_67#4 : i32
      %eq3A_72 = arith.constant -1 : i32
      %eq3A_73 = arith.cmpi eq, %select_n3A_71, %eq3A_72 : i32
      %select_n3A_74 = arith.constant 24 : i32
      %select_n3A_75 = arith.select %eq3A_73, %select_n3A_74, %select_n3A_71 : i32
      %add3A_76 = arith.addi %select_n3A_75, %mul3A_6 : i32
      %sub3A_77 = arith.constant 1 : i32
      %sub3A_78 = arith.subi %select_n3A_75, %sub3A_77 : i32
      %select_n3A_79 = arith.constant true
      %select_n3A_80 = arith.select %select_n3A_79, %sub3A_78, %select_n3A_75 : i32
      %eq3A_81 = arith.constant -1 : i32
      %eq3A_82 = arith.cmpi eq, %select_n3A_80, %eq3A_81 : i32
      %select_n3A_83 = arith.constant 24 : i32
      %select_n3A_84 = arith.select %eq3A_82, %select_n3A_83, %select_n3A_80 : i32
      %add3A_85 = arith.addi %select_n3A_84, %mul3A_6 : i32
      %add3A_86 = arith.constant 1 : i32
      %add3A_87 = arith.addi %select_n3A_75, %add3A_86 : i32
      %select_n3A_88 = arith.constant true
      %select_n3A_89 = arith.select %select_n3A_88, %add3A_87, %select_n3A_75 : i32
      %eq3A_90 = arith.constant 25 : i32
      %eq3A_91 = arith.cmpi eq, %select_n3A_89, %eq3A_90 : i32
      %select_n3A_92 = arith.constant 0 : i32
      %select_n3A_93 = arith.select %eq3A_91, %select_n3A_92, %select_n3A_89 : i32
      %add3A_94 = arith.addi %select_n3A_93, %mul3A_6 : i32
      %add3A_95 = arith.constant 1 : i32
      %add3A_96 = arith.addi %select_n3A_93, %add3A_95 : i32
      %select_n3A_97 = arith.constant true
      %select_n3A_98 = arith.select %select_n3A_97, %add3A_96, %select_n3A_93 : i32
      %eq3A_99 = arith.constant 25 : i32
      %eq3A_100 = arith.cmpi eq, %select_n3A_98, %eq3A_99 : i32
      %select_n3A_101 = arith.constant 0 : i32
      %select_n3A_102 = arith.select %eq3A_100, %select_n3A_101, %select_n3A_98 : i32
      %add3A_103 = arith.addi %select_n3A_102, %mul3A_6 : i32
      "tpu.trace_start"() <{level = 10 : i32, message = "ep_finalize"}> : () -> ()
      %rem3A_104 = arith.constant 2 : i32
      %rem3A_105 = arith.remui %scan3A_67#3, %rem3A_104 : i32
      %mul3A_106 = arith.constant 128 : i32
      %mul3A_107 = arith.muli %mul3A_106, %add3A_76 : i32
      %dma_wait3A = arith.constant 0 : i32
      %dma_wait3A_108 = arith.constant 0 : i32
      %dma_wait3A_109 = tpu.memref_slice %run_scoped3A_8[%rem3A_105, %dma_wait3A, %dma_wait3A_108] : memref<2x128x128xf32, #tpu.memory_space<vmem>> -> memref<1x128x128xf32, #tpu.memory_space<vmem>>
      %dma_wait3A_110 = tpu.memref_squeeze %dma_wait3A_109 : memref<1x128x128xf32, #tpu.memory_space<vmem>> -> memref<128x128xf32, #tpu.memory_space<vmem>>
      %dma_wait3A_111 = arith.constant 0 : i32
      %dma_wait3A_112 = tpu.memref_slice %arg4[%mul3A_107, %dma_wait3A_111] : memref<102400x128xf32, #tpu.memory_space<hbm>> -> memref<128x128xf32, #tpu.memory_space<hbm>>
      %dma_wait3A_113 = tpu.memref_slice %run_scoped3A_9[%rem3A_105] : memref<2x!tpu.dma_semaphore, #tpu.memory_space<semaphore_mem>> -> memref<1x!tpu.dma_semaphore, #tpu.memory_space<semaphore_mem>>
      %dma_wait3A_114 = tpu.memref_squeeze %dma_wait3A_113 : memref<1x!tpu.dma_semaphore, #tpu.memory_space<semaphore_mem>> -> memref<!tpu.dma_semaphore, #tpu.memory_space<semaphore_mem>>
      %dma_wait3A_115 = arith.constant 0 : i32
      %dma_wait3A_116 = tpu.memref_slice %arg4[%mul3A_107, %dma_wait3A_115] : memref<102400x128xf32, #tpu.memory_space<hbm>> -> memref<128x128xf32, #tpu.memory_space<hbm>>
      %dma_wait3A_117 = arith.constant 0 : i32
      %dma_wait3A_118 = arith.constant 0 : i32
      %dma_wait3A_119 = tpu.memref_slice %run_scoped3A_8[%rem3A_105, %dma_wait3A_117, %dma_wait3A_118] : memref<2x128x128xf32, #tpu.memory_space<vmem>> -> memref<1x128x128xf32, #tpu.memory_space<vmem>>
      %dma_wait3A_120 = tpu.memref_squeeze %dma_wait3A_119 : memref<1x128x128xf32, #tpu.memory_space<vmem>> -> memref<128x128xf32, #tpu.memory_space<vmem>>
      tpu.wait_dma2 semaphore(%dma_wait3A_114 : memref<!tpu.dma_semaphore, #tpu.memory_space<semaphore_mem>>) src(%dma_wait3A_120 : memref<128x128xf32, #tpu.memory_space<vmem>>) dst(%dma_wait3A_116 : memref<128x128xf32, #tpu.memory_space<hbm>>)
      "tpu.trace_stop"() : () -> ()
      tpu.yield
    }) : () -> ()
    return
  }
}

#map = affine_map<(d0, d1) -> (0, 0)>
module attributes {stable_mosaic.version = 14 : i64} {
  func.func @gather_kernel(%arg0: i32, %arg1: i32, %arg2: memref<100000x128xf32, #tpu.memory_space<hbm>>, %arg3: memref<200x128xi32, #tpu.memory_space<hbm>>, %arg4: memref<25600x128xf32, #tpu.memory_space<hbm>>) attributes {dimension_semantics = [#tpu.dimension_semantics<core_parallel>, #tpu.dimension_semantics<subcore_parallel>], iteration_bounds = array<i64: 2, 16>, scalar_prefetch = 0 : i64, scratch_operands = 0 : i64, tpu.core_type = #tpu.core_type<sc_vector_subcore>, window_params = [{transform_indices = #map}, {transform_indices = #map}, {transform_indices = #map}]} {
    %mul3A = arith.constant 1 : i32
    %mul3A_0 = arith.muli %arg1, %mul3A : i32
    %add3A = arith.constant 0 : i32
    %add3A_1 = arith.addi %add3A, %mul3A_0 : i32
    %mul3A_2 = arith.constant 16 : i32
    %mul3A_3 = arith.muli %arg0, %mul3A_2 : i32
    %add3A_4 = arith.addi %add3A_1, %mul3A_3 : i32
    %lt3A = arith.constant 8 : i32
    %lt3A_5 = arith.cmpi slt, %add3A_4, %lt3A : i32
    %jit3A = arith.constant 7 : i32
    %jit3A_6 = arith.constant 6 : i32
    %select_n3A = arith.select %lt3A_5, %jit3A, %jit3A_6 : i32
    %lt3A_7 = arith.constant 8 : i32
    %lt3A_8 = arith.cmpi slt, %add3A_4, %lt3A_7 : i32
    %mul3A_9 = arith.muli %add3A_4, %select_n3A : i32
    %mul3A_10 = arith.constant 6 : i32
    %mul3A_11 = arith.muli %add3A_4, %mul3A_10 : i32
    %add3A_12 = arith.constant 8 : i32
    %add3A_13 = arith.addi %mul3A_11, %add3A_12 : i32
    %select_n3A_14 = arith.select %lt3A_8, %mul3A_9, %add3A_13 : i32
    %mul3A_15 = arith.constant 1 : i32
    %mul3A_16 = arith.muli %mul3A_15, %select_n3A : i32
    "tpu.region"() ({
      %run_scoped3A = memref.alloca() : memref<2x1x128xi32, #tpu.memory_space<vmem>>
      %run_scoped3A_17 = tpu.sem_alloc : memref<2x!tpu.dma_semaphore, #tpu.memory_space<semaphore_mem>>
      %run_scoped3A_18 = memref.alloca() : memref<2x128x128xf32, #tpu.memory_space<vmem>>
      %run_scoped3A_19 = tpu.sem_alloc : memref<2x!tpu.dma_semaphore, #tpu.memory_space<semaphore_mem>>
      %gt3A = arith.constant 0 : i32
      %gt3A_20 = arith.cmpi sgt, %mul3A_16, %gt3A : i32
      %convert_element_type3A = arith.extui %gt3A_20 : i1 to i32
      %cond3A = arith.constant 0 : i32
      %cond3A_21 = arith.cmpi ne, %convert_element_type3A, %cond3A : i32
      scf.if %cond3A_21 {
        %mul3A_22 = arith.constant 1 : i32
        %mul3A_23 = arith.muli %mul3A_22, %select_n3A : i32
        %sub3A = arith.constant 1 : i32
        %sub3A_24 = arith.subi %mul3A_23, %sub3A : i32
        %eq3A = arith.constant 0 : i32
        %eq3A_25 = arith.cmpi eq, %sub3A_24, %eq3A : i32
        %add3A_26 = arith.constant 0 : i32
        %add3A_27 = arith.addi %add3A_26, %select_n3A_14 : i32
        %select_n3A_28 = arith.constant true
        %select_n3A_29 = arith.constant 0 : i32
        %select_n3A_30 = arith.constant -1 : i32
        %select_n3A_31 = arith.select %select_n3A_28, %select_n3A_30, %select_n3A_29 : i32
        %eq3A_32 = arith.constant -1 : i32
        %eq3A_33 = arith.cmpi eq, %select_n3A_31, %eq3A_32 : i32
        %sub3A_34 = arith.constant 1 : i32
        %sub3A_35 = arith.subi %select_n3A, %sub3A_34 : i32
        %select_n3A_36 = arith.select %eq3A_33, %sub3A_35, %select_n3A_31 : i32
        %add3A_37 = arith.addi %select_n3A_36, %select_n3A_14 : i32
        %select_n3A_38 = arith.constant true
        %select_n3A_39 = arith.constant 0 : i32
        %select_n3A_40 = arith.constant 1 : i32
        %select_n3A_41 = arith.select %select_n3A_38, %select_n3A_40, %select_n3A_39 : i32
        %eq3A_42 = arith.cmpi eq, %select_n3A_41, %select_n3A : i32
        %select_n3A_43 = arith.constant 0 : i32
        %select_n3A_44 = arith.select %eq3A_42, %select_n3A_43, %select_n3A_41 : i32
        %add3A_45 = arith.addi %select_n3A_44, %select_n3A_14 : i32
        %add3A_46 = arith.constant 1 : i32
        %add3A_47 = arith.addi %select_n3A_44, %add3A_46 : i32
        %select_n3A_48 = arith.constant true
        %select_n3A_49 = arith.select %select_n3A_48, %add3A_47, %select_n3A_44 : i32
        %eq3A_50 = arith.cmpi eq, %select_n3A_49, %select_n3A : i32
        %select_n3A_51 = arith.constant 0 : i32
        %select_n3A_52 = arith.select %eq3A_50, %select_n3A_51, %select_n3A_49 : i32
        %add3A_53 = arith.addi %select_n3A_52, %select_n3A_14 : i32
        "tpu.trace_start"() <{level = 10 : i32, message = "ep_initialize_0"}> : () -> ()
        %rem3A = arith.constant 0 : i32
        %rem3A_54 = arith.constant 2 : i32
        %rem3A_55 = arith.remui %rem3A, %rem3A_54 : i32
        %mul3A_56 = arith.constant 1 : i32
        %mul3A_57 = arith.muli %mul3A_56, %add3A_27 : i32
        %dma_start3A = arith.constant 0 : i32
        %dma_start3A_58 = arith.constant 0 : i32
        %dma_start3A_59 = tpu.memref_slice %run_scoped3A[%rem3A_55, %dma_start3A, %dma_start3A_58] : memref<2x1x128xi32, #tpu.memory_space<vmem>> -> memref<1x1x128xi32, #tpu.memory_space<vmem>>
        %dma_start3A_60 = tpu.memref_squeeze %dma_start3A_59 : memref<1x1x128xi32, #tpu.memory_space<vmem>> -> memref<1x128xi32, #tpu.memory_space<vmem>>
        %dma_start3A_61 = arith.constant 0 : i32
        %dma_start3A_62 = tpu.memref_slice %arg3[%mul3A_57, %dma_start3A_61] : memref<200x128xi32, #tpu.memory_space<hbm>> -> memref<1x128xi32, #tpu.memory_space<hbm>>
        %dma_start3A_63 = tpu.memref_slice %run_scoped3A_17[%rem3A_55] : memref<2x!tpu.dma_semaphore, #tpu.memory_space<semaphore_mem>> -> memref<1x!tpu.dma_semaphore, #tpu.memory_space<semaphore_mem>>
        %dma_start3A_64 = tpu.memref_squeeze %dma_start3A_63 : memref<1x!tpu.dma_semaphore, #tpu.memory_space<semaphore_mem>> -> memref<!tpu.dma_semaphore, #tpu.memory_space<semaphore_mem>>
        %dma_start3A_65 = arith.constant 0 : i32
        %dma_start3A_66 = arith.constant 0 : i32
        %dma_start3A_67 = tpu.memref_slice %run_scoped3A[%rem3A_55, %dma_start3A_65, %dma_start3A_66] : memref<2x1x128xi32, #tpu.memory_space<vmem>> -> memref<1x1x128xi32, #tpu.memory_space<vmem>>
        %dma_start3A_68 = tpu.memref_squeeze %dma_start3A_67 : memref<1x1x128xi32, #tpu.memory_space<vmem>> -> memref<1x128xi32, #tpu.memory_space<vmem>>
        %dma_start3A_69 = arith.constant 0 : i32
        %dma_start3A_70 = tpu.memref_slice %arg3[%mul3A_57, %dma_start3A_69] : memref<200x128xi32, #tpu.memory_space<hbm>> -> memref<1x128xi32, #tpu.memory_space<hbm>>
        tpu.enqueue_dma source(%dma_start3A_70 : memref<1x128xi32, #tpu.memory_space<hbm>>) target(%dma_start3A_68 : memref<1x128xi32, #tpu.memory_space<vmem>>) target_semaphore(%dma_start3A_64 : memref<!tpu.dma_semaphore, #tpu.memory_space<semaphore_mem>>)
        %add3A_71 = arith.constant 0 : i32
        %add3A_72 = arith.constant 1 : i32
        %add3A_73 = arith.addi %add3A_71, %add3A_72 : i32
        %select_n3A_74 = arith.constant true
        %select_n3A_75 = arith.constant 0 : i32
        %select_n3A_76 = arith.select %select_n3A_74, %add3A_73, %select_n3A_75 : i32
        %while3A = arith.constant 0 : i32
        %while3A_77 = arith.constant 0 : i32
        %while3A_78 = arith.constant 0 : i32
        %while3A_79 = arith.constant 0 : i32
        %while3A_80 = arith.constant 0 : i32
        "tpu.trace_stop"() : () -> ()
        %while3A_81 = arith.subi %mul3A_16, %while3A : i32
        %while3A_82 = arith.addi %while3A, %while3A_81 : i32
        %while3A_83 = arith.constant 1 : i32
        %while3A_84 = arith.divsi %while3A_81, %while3A_83 : i32
        %while3A_85 = arith.muli %while3A_84, %while3A_83 : i32
        %while3A_86 = arith.addi %while3A, %while3A_85 : i32
        %while3A_87 = arith.constant 1 : i32
        %while3A_88:5 = scf.for %while3A_142 = %while3A to %while3A_86 step %while3A_87 iter_args(%while3A_143 = %select_n3A_76, %while3A_144 = %while3A_77, %while3A_145 = %while3A_78, %while3A_146 = %while3A_79, %while3A_147 = %while3A_80) -> (i32, i32, i32, i32, i32)  : i32 {
          %mul3A_148 = arith.constant 1 : i32
          %mul3A_149 = arith.muli %mul3A_148, %select_n3A : i32
          %eq3A_150 = arith.constant 0 : i32
          %eq3A_151 = arith.cmpi eq, %while3A_142, %eq3A_150 : i32
          %sub3A_152 = arith.constant 1 : i32
          %sub3A_153 = arith.subi %mul3A_149, %sub3A_152 : i32
          %eq3A_154 = arith.cmpi eq, %while3A_142, %sub3A_153 : i32
          %add3A_155 = arith.addi %while3A_147, %select_n3A_14 : i32
          %sub3A_156 = arith.constant 1 : i32
          %sub3A_157 = arith.subi %while3A_147, %sub3A_156 : i32
          %select_n3A_158 = arith.constant true
          %select_n3A_159 = arith.select %select_n3A_158, %sub3A_157, %while3A_147 : i32
          %eq3A_160 = arith.constant -1 : i32
          %eq3A_161 = arith.cmpi eq, %select_n3A_159, %eq3A_160 : i32
          %sub3A_162 = arith.constant 1 : i32
          %sub3A_163 = arith.subi %select_n3A, %sub3A_162 : i32
          %select_n3A_164 = arith.select %eq3A_161, %sub3A_163, %select_n3A_159 : i32
          %add3A_165 = arith.addi %select_n3A_164, %select_n3A_14 : i32
          %add3A_166 = arith.constant 1 : i32
          %add3A_167 = arith.addi %while3A_147, %add3A_166 : i32
          %select_n3A_168 = arith.constant true
          %select_n3A_169 = arith.select %select_n3A_168, %add3A_167, %while3A_147 : i32
          %eq3A_170 = arith.cmpi eq, %select_n3A_169, %select_n3A : i32
          %select_n3A_171 = arith.constant 0 : i32
          %select_n3A_172 = arith.select %eq3A_170, %select_n3A_171, %select_n3A_169 : i32
          %add3A_173 = arith.addi %select_n3A_172, %select_n3A_14 : i32
          %add3A_174 = arith.constant 1 : i32
          %add3A_175 = arith.addi %select_n3A_172, %add3A_174 : i32
          %select_n3A_176 = arith.constant true
          %select_n3A_177 = arith.select %select_n3A_176, %add3A_175, %select_n3A_172 : i32
          %eq3A_178 = arith.cmpi eq, %select_n3A_177, %select_n3A : i32
          %select_n3A_179 = arith.constant 0 : i32
          %select_n3A_180 = arith.select %eq3A_178, %select_n3A_179, %select_n3A_177 : i32
          %add3A_181 = arith.addi %select_n3A_180, %select_n3A_14 : i32
          %ne3A = arith.cmpi ne, %add3A_155, %add3A_173 : i32
          %or3A = arith.constant false
          %or3A_182 = arith.ori %or3A, %ne3A : i1
          %or3A_183 = arith.constant false
          %or3A_184 = arith.ori %or3A_182, %or3A_183 : i1
          %sub3A_185 = arith.constant 2 : i32
          %sub3A_186 = arith.subi %mul3A_149, %sub3A_185 : i32
          %add3A_187 = arith.constant 1 : i32
          %add3A_188 = arith.addi %sub3A_186, %add3A_187 : i32
          %ge3A = arith.cmpi sge, %while3A_142, %add3A_188 : i32
          %not3A = arith.constant true
          %not3A_189 = arith.xori %ge3A, %not3A : i1
          %and3A = arith.andi %or3A_184, %not3A_189 : i1
          %convert_element_type3A_190 = arith.extui %and3A : i1 to i32
          %cond3A_191 = arith.constant 0 : i32
          %cond3A_192 = arith.cmpi ne, %convert_element_type3A_190, %cond3A_191 : i32
          scf.if %cond3A_192 {
            "tpu.trace_start"() <{level = 10 : i32, message = "ep_copy_in"}> : () -> ()
            %rem3A_304 = arith.constant 2 : i32
            %rem3A_305 = arith.remui %while3A_143, %rem3A_304 : i32
            %mul3A_306 = arith.constant 1 : i32
            %mul3A_307 = arith.muli %mul3A_306, %add3A_173 : i32
            %dma_start3A_308 = arith.constant 0 : i32
            %dma_start3A_309 = arith.constant 0 : i32
            %dma_start3A_310 = tpu.memref_slice %run_scoped3A[%rem3A_305, %dma_start3A_308, %dma_start3A_309] : memref<2x1x128xi32, #tpu.memory_space<vmem>> -> memref<1x1x128xi32, #tpu.memory_space<vmem>>
            %dma_start3A_311 = tpu.memref_squeeze %dma_start3A_310 : memref<1x1x128xi32, #tpu.memory_space<vmem>> -> memref<1x128xi32, #tpu.memory_space<vmem>>
            %dma_start3A_312 = arith.constant 0 : i32
            %dma_start3A_313 = tpu.memref_slice %arg3[%mul3A_307, %dma_start3A_312] : memref<200x128xi32, #tpu.memory_space<hbm>> -> memref<1x128xi32, #tpu.memory_space<hbm>>
            %dma_start3A_314 = tpu.memref_slice %run_scoped3A_17[%rem3A_305] : memref<2x!tpu.dma_semaphore, #tpu.memory_space<semaphore_mem>> -> memref<1x!tpu.dma_semaphore, #tpu.memory_space<semaphore_mem>>
            %dma_start3A_315 = tpu.memref_squeeze %dma_start3A_314 : memref<1x!tpu.dma_semaphore, #tpu.memory_space<semaphore_mem>> -> memref<!tpu.dma_semaphore, #tpu.memory_space<semaphore_mem>>
            %dma_start3A_316 = arith.constant 0 : i32
            %dma_start3A_317 = arith.constant 0 : i32
            %dma_start3A_318 = tpu.memref_slice %run_scoped3A[%rem3A_305, %dma_start3A_316, %dma_start3A_317] : memref<2x1x128xi32, #tpu.memory_space<vmem>> -> memref<1x1x128xi32, #tpu.memory_space<vmem>>
            %dma_start3A_319 = tpu.memref_squeeze %dma_start3A_318 : memref<1x1x128xi32, #tpu.memory_space<vmem>> -> memref<1x128xi32, #tpu.memory_space<vmem>>
            %dma_start3A_320 = arith.constant 0 : i32
            %dma_start3A_321 = tpu.memref_slice %arg3[%mul3A_307, %dma_start3A_320] : memref<200x128xi32, #tpu.memory_space<hbm>> -> memref<1x128xi32, #tpu.memory_space<hbm>>
            tpu.enqueue_dma source(%dma_start3A_321 : memref<1x128xi32, #tpu.memory_space<hbm>>) target(%dma_start3A_319 : memref<1x128xi32, #tpu.memory_space<vmem>>) target_semaphore(%dma_start3A_315 : memref<!tpu.dma_semaphore, #tpu.memory_space<semaphore_mem>>)
            "tpu.trace_stop"() : () -> ()
          } else {
          }
          %and3A_193 = arith.constant true
          %and3A_194 = arith.andi %and3A, %and3A_193 : i1
          %add3A_195 = arith.constant 1 : i32
          %add3A_196 = arith.addi %while3A_143, %add3A_195 : i32
          %select_n3A_197 = arith.select %and3A_194, %add3A_196, %while3A_143 : i32
          %ne3A_198 = arith.cmpi ne, %add3A_155, %add3A_173 : i32
          %or3A_199 = arith.constant false
          %or3A_200 = arith.ori %or3A_199, %ne3A_198 : i1
          %or3A_201 = arith.constant false
          %or3A_202 = arith.ori %or3A_200, %or3A_201 : i1
          %sub3A_203 = arith.constant 2 : i32
          %sub3A_204 = arith.subi %mul3A_149, %sub3A_203 : i32
          %add3A_205 = arith.constant 1 : i32
          %add3A_206 = arith.addi %sub3A_204, %add3A_205 : i32
          %ge3A_207 = arith.cmpi sge, %while3A_142, %add3A_206 : i32
          %not3A_208 = arith.constant true
          %not3A_209 = arith.xori %ge3A_207, %not3A_208 : i1
          %and3A_210 = arith.andi %or3A_202, %not3A_209 : i1
          %ne3A_211 = arith.cmpi ne, %add3A_155, %add3A_165 : i32
          %or3A_212 = arith.constant false
          %or3A_213 = arith.ori %or3A_212, %ne3A_211 : i1
          %or3A_214 = arith.constant false
          %or3A_215 = arith.ori %or3A_213, %or3A_214 : i1
          %or3A_216 = arith.ori %or3A_215, %eq3A_151 : i1
          %convert_element_type3A_217 = arith.extui %or3A_216 : i1 to i32
          %cond3A_218 = arith.constant 0 : i32
          %cond3A_219 = arith.cmpi ne, %convert_element_type3A_217, %cond3A_218 : i32
          scf.if %cond3A_219 {
            "tpu.trace_start"() <{level = 10 : i32, message = "ep_wait_in"}> : () -> ()
            %mul3A_304 = arith.constant 1 : i32
            %mul3A_305 = arith.muli %mul3A_304, %add3A_155 : i32
            %rem3A_306 = arith.constant 2 : i32
            %rem3A_307 = arith.remui %while3A_144, %rem3A_306 : i32
            %dma_wait3A = arith.constant 0 : i32
            %dma_wait3A_308 = arith.constant 0 : i32
            %dma_wait3A_309 = tpu.memref_slice %run_scoped3A[%rem3A_307, %dma_wait3A, %dma_wait3A_308] : memref<2x1x128xi32, #tpu.memory_space<vmem>> -> memref<1x1x128xi32, #tpu.memory_space<vmem>>
            %dma_wait3A_310 = tpu.memref_squeeze %dma_wait3A_309 : memref<1x1x128xi32, #tpu.memory_space<vmem>> -> memref<1x128xi32, #tpu.memory_space<vmem>>
            %dma_wait3A_311 = arith.constant 0 : i32
            %dma_wait3A_312 = tpu.memref_slice %arg3[%mul3A_305, %dma_wait3A_311] : memref<200x128xi32, #tpu.memory_space<hbm>> -> memref<1x128xi32, #tpu.memory_space<hbm>>
            %dma_wait3A_313 = tpu.memref_slice %run_scoped3A_17[%rem3A_307] : memref<2x!tpu.dma_semaphore, #tpu.memory_space<semaphore_mem>> -> memref<1x!tpu.dma_semaphore, #tpu.memory_space<semaphore_mem>>
            %dma_wait3A_314 = tpu.memref_squeeze %dma_wait3A_313 : memref<1x!tpu.dma_semaphore, #tpu.memory_space<semaphore_mem>> -> memref<!tpu.dma_semaphore, #tpu.memory_space<semaphore_mem>>
            %dma_wait3A_315 = arith.constant 0 : i32
            %dma_wait3A_316 = arith.constant 0 : i32
            %dma_wait3A_317 = tpu.memref_slice %run_scoped3A[%rem3A_307, %dma_wait3A_315, %dma_wait3A_316] : memref<2x1x128xi32, #tpu.memory_space<vmem>> -> memref<1x1x128xi32, #tpu.memory_space<vmem>>
            %dma_wait3A_318 = tpu.memref_squeeze %dma_wait3A_317 : memref<1x1x128xi32, #tpu.memory_space<vmem>> -> memref<1x128xi32, #tpu.memory_space<vmem>>
            %dma_wait3A_319 = arith.constant 0 : i32
            %dma_wait3A_320 = tpu.memref_slice %arg3[%mul3A_305, %dma_wait3A_319] : memref<200x128xi32, #tpu.memory_space<hbm>> -> memref<1x128xi32, #tpu.memory_space<hbm>>
            tpu.wait_dma2 semaphore(%dma_wait3A_314 : memref<!tpu.dma_semaphore, #tpu.memory_space<semaphore_mem>>) src(%dma_wait3A_320 : memref<1x128xi32, #tpu.memory_space<hbm>>) dst(%dma_wait3A_318 : memref<1x128xi32, #tpu.memory_space<vmem>>)
            "tpu.trace_stop"() : () -> ()
          } else {
          }
          %ne3A_220 = arith.cmpi ne, %add3A_155, %add3A_165 : i32
          %or3A_221 = arith.constant false
          %or3A_222 = arith.ori %or3A_221, %ne3A_220 : i1
          %or3A_223 = arith.constant false
          %or3A_224 = arith.ori %or3A_222, %or3A_223 : i1
          %or3A_225 = arith.ori %or3A_224, %eq3A_151 : i1
          %convert_element_type3A_226 = arith.extui %or3A_225 : i1 to i32
          %cond3A_227 = arith.constant 0 : i32
          %cond3A_228 = arith.cmpi ne, %convert_element_type3A_226, %cond3A_227 : i32
          scf.if %cond3A_228 {
          } else {
          }
          %rem3A_229 = arith.constant 2 : i32
          %rem3A_230 = arith.remui %while3A_144, %rem3A_229 : i32
          %rem3A_231 = arith.constant 2 : i32
          %rem3A_232 = arith.remui %while3A_145, %rem3A_231 : i32
          %run_scoped3A_233 = arith.constant 0 : i32
          "tpu.trace_start"() <{level = 10 : i32, message = "ep_run_kernel"}> : () -> ()
          "tpu.region"() ({
            %run_scoped3A_304 = tpu.sem_alloc : memref<!tpu.dma_semaphore, #tpu.memory_space<semaphore_mem>>
            %dma_start3A_305 = arith.constant 0 : i32
            %dma_start3A_306 = arith.constant 0 : i32
            %dma_start3A_307 = tpu.memref_slice %run_scoped3A_18[%rem3A_232, %dma_start3A_305, %dma_start3A_306] : memref<2x128x128xf32, #tpu.memory_space<vmem>> -> memref<1x128x128xf32, #tpu.memory_space<vmem>>
            %dma_start3A_308 = tpu.memref_squeeze %dma_start3A_307 : memref<1x128x128xf32, #tpu.memory_space<vmem>> -> memref<128x128xf32, #tpu.memory_space<vmem>>
            %dma_start3A_309 = arith.constant 0 : i32
            %dma_start3A_310 = arith.constant 0 : i32
            %dma_start3A_311 = tpu.memref_slice %run_scoped3A[%rem3A_230, %dma_start3A_309, %dma_start3A_310] : memref<2x1x128xi32, #tpu.memory_space<vmem>> -> memref<1x1x128xi32, #tpu.memory_space<vmem>>
            %dma_start3A_312 = tpu.memref_squeeze %dma_start3A_311 : memref<1x1x128xi32, #tpu.memory_space<vmem>> -> memref<1x128xi32, #tpu.memory_space<vmem>>
            %dma_start3A_313 = arith.constant 0 : i32
            %dma_start3A_314 = tpu.memref_slice %dma_start3A_312[%run_scoped3A_233, %dma_start3A_313] : memref<1x128xi32, #tpu.memory_space<vmem>> -> memref<1x128xi32, #tpu.memory_space<vmem>>
            %dma_start3A_315 = tpu.memref_squeeze %dma_start3A_314 : memref<1x128xi32, #tpu.memory_space<vmem>> -> memref<128xi32, #tpu.memory_space<vmem>>
            %dma_start3A_316 = arith.constant 0 : i32
            %dma_start3A_317 = arith.constant 0 : i32
            %dma_start3A_318 = tpu.memref_slice %arg2[%dma_start3A_316, %dma_start3A_317] : memref<100000x128xf32, #tpu.memory_space<hbm>> -> memref<100000x128xf32, #tpu.memory_space<hbm>>
            tpu.enqueue_indirect_dma source(%dma_start3A_318 : memref<100000x128xf32, #tpu.memory_space<hbm>>) target(%dma_start3A_308 : memref<128x128xf32, #tpu.memory_space<vmem>>) offsets(%dma_start3A_315 : memref<128xi32, #tpu.memory_space<vmem>>) semaphore(%run_scoped3A_304 : memref<!tpu.dma_semaphore, #tpu.memory_space<semaphore_mem>>)
            %dma_wait3A = arith.constant 0 : i32
            %dma_wait3A_319 = arith.constant 0 : i32
            %dma_wait3A_320 = tpu.memref_slice %run_scoped3A_18[%rem3A_232, %dma_wait3A, %dma_wait3A_319] : memref<2x128x128xf32, #tpu.memory_space<vmem>> -> memref<1x128x128xf32, #tpu.memory_space<vmem>>
            %dma_wait3A_321 = tpu.memref_squeeze %dma_wait3A_320 : memref<1x128x128xf32, #tpu.memory_space<vmem>> -> memref<128x128xf32, #tpu.memory_space<vmem>>
            %dma_wait3A_322 = arith.constant 0 : i32
            %dma_wait3A_323 = arith.constant 0 : i32
            %dma_wait3A_324 = tpu.memref_slice %run_scoped3A[%rem3A_230, %dma_wait3A_322, %dma_wait3A_323] : memref<2x1x128xi32, #tpu.memory_space<vmem>> -> memref<1x1x128xi32, #tpu.memory_space<vmem>>
            %dma_wait3A_325 = tpu.memref_squeeze %dma_wait3A_324 : memref<1x1x128xi32, #tpu.memory_space<vmem>> -> memref<1x128xi32, #tpu.memory_space<vmem>>
            %dma_wait3A_326 = arith.constant 0 : i32
            %dma_wait3A_327 = tpu.memref_slice %dma_wait3A_325[%run_scoped3A_233, %dma_wait3A_326] : memref<1x128xi32, #tpu.memory_space<vmem>> -> memref<1x128xi32, #tpu.memory_space<vmem>>
            %dma_wait3A_328 = tpu.memref_squeeze %dma_wait3A_327 : memref<1x128xi32, #tpu.memory_space<vmem>> -> memref<128xi32, #tpu.memory_space<vmem>>
            %dma_wait3A_329 = arith.constant 0 : i32
            %dma_wait3A_330 = arith.constant 0 : i32
            %dma_wait3A_331 = tpu.memref_slice %arg2[%dma_wait3A_329, %dma_wait3A_330] : memref<100000x128xf32, #tpu.memory_space<hbm>> -> memref<100000x128xf32, #tpu.memory_space<hbm>>
            tpu.wait_indirect_dma semaphore(%run_scoped3A_304 : memref<!tpu.dma_semaphore, #tpu.memory_space<semaphore_mem>>) src(%dma_wait3A_331 : memref<100000x128xf32, #tpu.memory_space<hbm>>) dst(%dma_wait3A_321 : memref<128x128xf32, #tpu.memory_space<vmem>>)
            tpu.yield
          }) : () -> ()
          "tpu.trace_stop"() : () -> ()
          %ne3A_234 = arith.cmpi ne, %add3A_155, %add3A_173 : i32
          %or3A_235 = arith.constant false
          %or3A_236 = arith.ori %or3A_235, %ne3A_234 : i1
          %or3A_237 = arith.constant false
          %or3A_238 = arith.ori %or3A_236, %or3A_237 : i1
          %or3A_239 = arith.ori %or3A_238, %eq3A_154 : i1
          %convert_element_type3A_240 = arith.extui %or3A_239 : i1 to i32
          %cond3A_241 = arith.constant 0 : i32
          %cond3A_242 = arith.cmpi ne, %convert_element_type3A_240, %cond3A_241 : i32
          scf.if %cond3A_242 {
          } else {
          }
          %and3A_243 = arith.constant false
          %and3A_244 = arith.andi %or3A_239, %and3A_243 : i1
          %ne3A_245 = arith.cmpi ne, %add3A_155, %add3A_173 : i32
          %or3A_246 = arith.constant false
          %or3A_247 = arith.ori %or3A_246, %ne3A_245 : i1
          %or3A_248 = arith.constant false
          %or3A_249 = arith.ori %or3A_247, %or3A_248 : i1
          %or3A_250 = arith.ori %or3A_249, %eq3A_154 : i1
          %convert_element_type3A_251 = arith.extui %or3A_250 : i1 to i32
          %cond3A_252 = arith.constant 0 : i32
          %cond3A_253 = arith.cmpi ne, %convert_element_type3A_251, %cond3A_252 : i32
          scf.if %cond3A_253 {
            "tpu.trace_start"() <{level = 10 : i32, message = "ep_copy_out"}> : () -> ()
            %rem3A_304 = arith.constant 2 : i32
            %rem3A_305 = arith.remui %while3A_145, %rem3A_304 : i32
            %mul3A_306 = arith.constant 128 : i32
            %mul3A_307 = arith.muli %mul3A_306, %add3A_155 : i32
            %dma_start3A_308 = arith.constant 0 : i32
            %dma_start3A_309 = arith.constant 0 : i32
            %dma_start3A_310 = tpu.memref_slice %run_scoped3A_18[%rem3A_305, %dma_start3A_308, %dma_start3A_309] : memref<2x128x128xf32, #tpu.memory_space<vmem>> -> memref<1x128x128xf32, #tpu.memory_space<vmem>>
            %dma_start3A_311 = tpu.memref_squeeze %dma_start3A_310 : memref<1x128x128xf32, #tpu.memory_space<vmem>> -> memref<128x128xf32, #tpu.memory_space<vmem>>
            %dma_start3A_312 = arith.constant 0 : i32
            %dma_start3A_313 = tpu.memref_slice %arg4[%mul3A_307, %dma_start3A_312] : memref<25600x128xf32, #tpu.memory_space<hbm>> -> memref<128x128xf32, #tpu.memory_space<hbm>>
            %dma_start3A_314 = tpu.memref_slice %run_scoped3A_19[%rem3A_305] : memref<2x!tpu.dma_semaphore, #tpu.memory_space<semaphore_mem>> -> memref<1x!tpu.dma_semaphore, #tpu.memory_space<semaphore_mem>>
            %dma_start3A_315 = tpu.memref_squeeze %dma_start3A_314 : memref<1x!tpu.dma_semaphore, #tpu.memory_space<semaphore_mem>> -> memref<!tpu.dma_semaphore, #tpu.memory_space<semaphore_mem>>
            %dma_start3A_316 = arith.constant 0 : i32
            %dma_start3A_317 = tpu.memref_slice %arg4[%mul3A_307, %dma_start3A_316] : memref<25600x128xf32, #tpu.memory_space<hbm>> -> memref<128x128xf32, #tpu.memory_space<hbm>>
            %dma_start3A_318 = arith.constant 0 : i32
            %dma_start3A_319 = arith.constant 0 : i32
            %dma_start3A_320 = tpu.memref_slice %run_scoped3A_18[%rem3A_305, %dma_start3A_318, %dma_start3A_319] : memref<2x128x128xf32, #tpu.memory_space<vmem>> -> memref<1x128x128xf32, #tpu.memory_space<vmem>>
            %dma_start3A_321 = tpu.memref_squeeze %dma_start3A_320 : memref<1x128x128xf32, #tpu.memory_space<vmem>> -> memref<128x128xf32, #tpu.memory_space<vmem>>
            tpu.enqueue_dma source(%dma_start3A_321 : memref<128x128xf32, #tpu.memory_space<vmem>>) target(%dma_start3A_317 : memref<128x128xf32, #tpu.memory_space<hbm>>) target_semaphore(%dma_start3A_315 : memref<!tpu.dma_semaphore, #tpu.memory_space<semaphore_mem>>)
            "tpu.trace_stop"() : () -> ()
          } else {
          }
          %and3A_254 = arith.constant true
          %and3A_255 = arith.andi %or3A_250, %and3A_254 : i1
          %add3A_256 = arith.constant 1 : i32
          %add3A_257 = arith.addi %while3A_145, %add3A_256 : i32
          %select_n3A_258 = arith.select %and3A_255, %add3A_257, %while3A_145 : i32
          %ne3A_259 = arith.cmpi ne, %add3A_155, %add3A_165 : i32
          %or3A_260 = arith.constant false
          %or3A_261 = arith.ori %or3A_260, %ne3A_259 : i1
          %or3A_262 = arith.constant false
          %or3A_263 = arith.ori %or3A_261, %or3A_262 : i1
          %not3A_264 = arith.constant true
          %not3A_265 = arith.xori %eq3A_151, %not3A_264 : i1
          %and3A_266 = arith.andi %or3A_263, %not3A_265 : i1
          %convert_element_type3A_267 = arith.extui %and3A_266 : i1 to i32
          %cond3A_268 = arith.constant 0 : i32
          %cond3A_269 = arith.cmpi ne, %convert_element_type3A_267, %cond3A_268 : i32
          scf.if %cond3A_269 {
          } else {
          }
          %and3A_270 = arith.constant false
          %and3A_271 = arith.andi %and3A_266, %and3A_270 : i1
          %ne3A_272 = arith.cmpi ne, %add3A_155, %add3A_165 : i32
          %or3A_273 = arith.constant false
          %or3A_274 = arith.ori %or3A_273, %ne3A_272 : i1
          %or3A_275 = arith.constant false
          %or3A_276 = arith.ori %or3A_274, %or3A_275 : i1
          %not3A_277 = arith.constant true
          %not3A_278 = arith.xori %eq3A_151, %not3A_277 : i1
          %and3A_279 = arith.andi %or3A_276, %not3A_278 : i1
          %convert_element_type3A_280 = arith.extui %and3A_279 : i1 to i32
          %cond3A_281 = arith.constant 0 : i32
          %cond3A_282 = arith.cmpi ne, %convert_element_type3A_280, %cond3A_281 : i32
          scf.if %cond3A_282 {
            "tpu.trace_start"() <{level = 10 : i32, message = "ep_wait_out"}> : () -> ()
            %rem3A_304 = arith.constant 2 : i32
            %rem3A_305 = arith.remui %while3A_146, %rem3A_304 : i32
            %mul3A_306 = arith.constant 128 : i32
            %mul3A_307 = arith.muli %mul3A_306, %add3A_165 : i32
            %dma_wait3A = arith.constant 0 : i32
            %dma_wait3A_308 = arith.constant 0 : i32
            %dma_wait3A_309 = tpu.memref_slice %run_scoped3A_18[%rem3A_305, %dma_wait3A, %dma_wait3A_308] : memref<2x128x128xf32, #tpu.memory_space<vmem>> -> memref<1x128x128xf32, #tpu.memory_space<vmem>>
            %dma_wait3A_310 = tpu.memref_squeeze %dma_wait3A_309 : memref<1x128x128xf32, #tpu.memory_space<vmem>> -> memref<128x128xf32, #tpu.memory_space<vmem>>
            %dma_wait3A_311 = arith.constant 0 : i32
            %dma_wait3A_312 = tpu.memref_slice %arg4[%mul3A_307, %dma_wait3A_311] : memref<25600x128xf32, #tpu.memory_space<hbm>> -> memref<128x128xf32, #tpu.memory_space<hbm>>
            %dma_wait3A_313 = tpu.memref_slice %run_scoped3A_19[%rem3A_305] : memref<2x!tpu.dma_semaphore, #tpu.memory_space<semaphore_mem>> -> memref<1x!tpu.dma_semaphore, #tpu.memory_space<semaphore_mem>>
            %dma_wait3A_314 = tpu.memref_squeeze %dma_wait3A_313 : memref<1x!tpu.dma_semaphore, #tpu.memory_space<semaphore_mem>> -> memref<!tpu.dma_semaphore, #tpu.memory_space<semaphore_mem>>
            %dma_wait3A_315 = arith.constant 0 : i32
            %dma_wait3A_316 = tpu.memref_slice %arg4[%mul3A_307, %dma_wait3A_315] : memref<25600x128xf32, #tpu.memory_space<hbm>> -> memref<128x128xf32, #tpu.memory_space<hbm>>
            %dma_wait3A_317 = arith.constant 0 : i32
            %dma_wait3A_318 = arith.constant 0 : i32
            %dma_wait3A_319 = tpu.memref_slice %run_scoped3A_18[%rem3A_305, %dma_wait3A_317, %dma_wait3A_318] : memref<2x128x128xf32, #tpu.memory_space<vmem>> -> memref<1x128x128xf32, #tpu.memory_space<vmem>>
            %dma_wait3A_320 = tpu.memref_squeeze %dma_wait3A_319 : memref<1x128x128xf32, #tpu.memory_space<vmem>> -> memref<128x128xf32, #tpu.memory_space<vmem>>
            tpu.wait_dma2 semaphore(%dma_wait3A_314 : memref<!tpu.dma_semaphore, #tpu.memory_space<semaphore_mem>>) src(%dma_wait3A_320 : memref<128x128xf32, #tpu.memory_space<vmem>>) dst(%dma_wait3A_316 : memref<128x128xf32, #tpu.memory_space<hbm>>)
            "tpu.trace_stop"() : () -> ()
          } else {
          }
          %and3A_283 = arith.constant true
          %and3A_284 = arith.andi %and3A_279, %and3A_283 : i1
          %add3A_285 = arith.constant 1 : i32
          %add3A_286 = arith.addi %while3A_146, %add3A_285 : i32
          %select_n3A_287 = arith.select %and3A_284, %add3A_286, %while3A_146 : i32
          %ne3A_288 = arith.cmpi ne, %add3A_155, %add3A_173 : i32
          %or3A_289 = arith.constant false
          %or3A_290 = arith.ori %or3A_289, %ne3A_288 : i1
          %or3A_291 = arith.constant false
          %or3A_292 = arith.ori %or3A_290, %or3A_291 : i1
          %or3A_293 = arith.ori %or3A_292, %eq3A_154 : i1
          %add3A_294 = arith.constant 1 : i32
          %add3A_295 = arith.addi %while3A_144, %add3A_294 : i32
          %select_n3A_296 = arith.select %or3A_293, %add3A_295, %while3A_144 : i32
          %add3A_297 = arith.constant 1 : i32
          %add3A_298 = arith.addi %while3A_147, %add3A_297 : i32
          %select_n3A_299 = arith.constant true
          %select_n3A_300 = arith.select %select_n3A_299, %add3A_298, %while3A_147 : i32
          %eq3A_301 = arith.cmpi eq, %select_n3A_300, %select_n3A : i32
          %select_n3A_302 = arith.constant 0 : i32
          %select_n3A_303 = arith.select %eq3A_301, %select_n3A_302, %select_n3A_300 : i32
          scf.yield %select_n3A_197, %select_n3A_296, %select_n3A_258, %select_n3A_287, %select_n3A_303 : i32, i32, i32, i32, i32
        }
        %while3A_89 = arith.constant 1 : i32
        %while3A_90:5 = scf.for %while3A_142 = %while3A_86 to %while3A_82 step %while3A_89 iter_args(%while3A_143 = %while3A_88#0, %while3A_144 = %while3A_88#1, %while3A_145 = %while3A_88#2, %while3A_146 = %while3A_88#3, %while3A_147 = %while3A_88#4) -> (i32, i32, i32, i32, i32)  : i32 {
          %mul3A_148 = arith.constant 1 : i32
          %mul3A_149 = arith.muli %mul3A_148, %select_n3A : i32
          %eq3A_150 = arith.constant 0 : i32
          %eq3A_151 = arith.cmpi eq, %while3A_142, %eq3A_150 : i32
          %sub3A_152 = arith.constant 1 : i32
          %sub3A_153 = arith.subi %mul3A_149, %sub3A_152 : i32
          %eq3A_154 = arith.cmpi eq, %while3A_142, %sub3A_153 : i32
          %add3A_155 = arith.addi %while3A_147, %select_n3A_14 : i32
          %sub3A_156 = arith.constant 1 : i32
          %sub3A_157 = arith.subi %while3A_147, %sub3A_156 : i32
          %select_n3A_158 = arith.constant true
          %select_n3A_159 = arith.select %select_n3A_158, %sub3A_157, %while3A_147 : i32
          %eq3A_160 = arith.constant -1 : i32
          %eq3A_161 = arith.cmpi eq, %select_n3A_159, %eq3A_160 : i32
          %sub3A_162 = arith.constant 1 : i32
          %sub3A_163 = arith.subi %select_n3A, %sub3A_162 : i32
          %select_n3A_164 = arith.select %eq3A_161, %sub3A_163, %select_n3A_159 : i32
          %add3A_165 = arith.addi %select_n3A_164, %select_n3A_14 : i32
          %add3A_166 = arith.constant 1 : i32
          %add3A_167 = arith.addi %while3A_147, %add3A_166 : i32
          %select_n3A_168 = arith.constant true
          %select_n3A_169 = arith.select %select_n3A_168, %add3A_167, %while3A_147 : i32
          %eq3A_170 = arith.cmpi eq, %select_n3A_169, %select_n3A : i32
          %select_n3A_171 = arith.constant 0 : i32
          %select_n3A_172 = arith.select %eq3A_170, %select_n3A_171, %select_n3A_169 : i32
          %add3A_173 = arith.addi %select_n3A_172, %select_n3A_14 : i32
          %add3A_174 = arith.constant 1 : i32
          %add3A_175 = arith.addi %select_n3A_172, %add3A_174 : i32
          %select_n3A_176 = arith.constant true
          %select_n3A_177 = arith.select %select_n3A_176, %add3A_175, %select_n3A_172 : i32
          %eq3A_178 = arith.cmpi eq, %select_n3A_177, %select_n3A : i32
          %select_n3A_179 = arith.constant 0 : i32
          %select_n3A_180 = arith.select %eq3A_178, %select_n3A_179, %select_n3A_177 : i32
          %add3A_181 = arith.addi %select_n3A_180, %select_n3A_14 : i32
          %ne3A = arith.cmpi ne, %add3A_155, %add3A_173 : i32
          %or3A = arith.constant false
          %or3A_182 = arith.ori %or3A, %ne3A : i1
          %or3A_183 = arith.constant false
          %or3A_184 = arith.ori %or3A_182, %or3A_183 : i1
          %sub3A_185 = arith.constant 2 : i32
          %sub3A_186 = arith.subi %mul3A_149, %sub3A_185 : i32
          %add3A_187 = arith.constant 1 : i32
          %add3A_188 = arith.addi %sub3A_186, %add3A_187 : i32
          %ge3A = arith.cmpi sge, %while3A_142, %add3A_188 : i32
          %not3A = arith.constant true
          %not3A_189 = arith.xori %ge3A, %not3A : i1
          %and3A = arith.andi %or3A_184, %not3A_189 : i1
          %convert_element_type3A_190 = arith.extui %and3A : i1 to i32
          %cond3A_191 = arith.constant 0 : i32
          %cond3A_192 = arith.cmpi ne, %convert_element_type3A_190, %cond3A_191 : i32
          scf.if %cond3A_192 {
            "tpu.trace_start"() <{level = 10 : i32, message = "ep_copy_in"}> : () -> ()
            %rem3A_304 = arith.constant 2 : i32
            %rem3A_305 = arith.remui %while3A_143, %rem3A_304 : i32
            %mul3A_306 = arith.constant 1 : i32
            %mul3A_307 = arith.muli %mul3A_306, %add3A_173 : i32
            %dma_start3A_308 = arith.constant 0 : i32
            %dma_start3A_309 = arith.constant 0 : i32
            %dma_start3A_310 = tpu.memref_slice %run_scoped3A[%rem3A_305, %dma_start3A_308, %dma_start3A_309] : memref<2x1x128xi32, #tpu.memory_space<vmem>> -> memref<1x1x128xi32, #tpu.memory_space<vmem>>
            %dma_start3A_311 = tpu.memref_squeeze %dma_start3A_310 : memref<1x1x128xi32, #tpu.memory_space<vmem>> -> memref<1x128xi32, #tpu.memory_space<vmem>>
            %dma_start3A_312 = arith.constant 0 : i32
            %dma_start3A_313 = tpu.memref_slice %arg3[%mul3A_307, %dma_start3A_312] : memref<200x128xi32, #tpu.memory_space<hbm>> -> memref<1x128xi32, #tpu.memory_space<hbm>>
            %dma_start3A_314 = tpu.memref_slice %run_scoped3A_17[%rem3A_305] : memref<2x!tpu.dma_semaphore, #tpu.memory_space<semaphore_mem>> -> memref<1x!tpu.dma_semaphore, #tpu.memory_space<semaphore_mem>>
            %dma_start3A_315 = tpu.memref_squeeze %dma_start3A_314 : memref<1x!tpu.dma_semaphore, #tpu.memory_space<semaphore_mem>> -> memref<!tpu.dma_semaphore, #tpu.memory_space<semaphore_mem>>
            %dma_start3A_316 = arith.constant 0 : i32
            %dma_start3A_317 = arith.constant 0 : i32
            %dma_start3A_318 = tpu.memref_slice %run_scoped3A[%rem3A_305, %dma_start3A_316, %dma_start3A_317] : memref<2x1x128xi32, #tpu.memory_space<vmem>> -> memref<1x1x128xi32, #tpu.memory_space<vmem>>
            %dma_start3A_319 = tpu.memref_squeeze %dma_start3A_318 : memref<1x1x128xi32, #tpu.memory_space<vmem>> -> memref<1x128xi32, #tpu.memory_space<vmem>>
            %dma_start3A_320 = arith.constant 0 : i32
            %dma_start3A_321 = tpu.memref_slice %arg3[%mul3A_307, %dma_start3A_320] : memref<200x128xi32, #tpu.memory_space<hbm>> -> memref<1x128xi32, #tpu.memory_space<hbm>>
            tpu.enqueue_dma source(%dma_start3A_321 : memref<1x128xi32, #tpu.memory_space<hbm>>) target(%dma_start3A_319 : memref<1x128xi32, #tpu.memory_space<vmem>>) target_semaphore(%dma_start3A_315 : memref<!tpu.dma_semaphore, #tpu.memory_space<semaphore_mem>>)
            "tpu.trace_stop"() : () -> ()
          } else {
          }
          %and3A_193 = arith.constant true
          %and3A_194 = arith.andi %and3A, %and3A_193 : i1
          %add3A_195 = arith.constant 1 : i32
          %add3A_196 = arith.addi %while3A_143, %add3A_195 : i32
          %select_n3A_197 = arith.select %and3A_194, %add3A_196, %while3A_143 : i32
          %ne3A_198 = arith.cmpi ne, %add3A_155, %add3A_173 : i32
          %or3A_199 = arith.constant false
          %or3A_200 = arith.ori %or3A_199, %ne3A_198 : i1
          %or3A_201 = arith.constant false
          %or3A_202 = arith.ori %or3A_200, %or3A_201 : i1
          %sub3A_203 = arith.constant 2 : i32
          %sub3A_204 = arith.subi %mul3A_149, %sub3A_203 : i32
          %add3A_205 = arith.constant 1 : i32
          %add3A_206 = arith.addi %sub3A_204, %add3A_205 : i32
          %ge3A_207 = arith.cmpi sge, %while3A_142, %add3A_206 : i32
          %not3A_208 = arith.constant true
          %not3A_209 = arith.xori %ge3A_207, %not3A_208 : i1
          %and3A_210 = arith.andi %or3A_202, %not3A_209 : i1
          %ne3A_211 = arith.cmpi ne, %add3A_155, %add3A_165 : i32
          %or3A_212 = arith.constant false
          %or3A_213 = arith.ori %or3A_212, %ne3A_211 : i1
          %or3A_214 = arith.constant false
          %or3A_215 = arith.ori %or3A_213, %or3A_214 : i1
          %or3A_216 = arith.ori %or3A_215, %eq3A_151 : i1
          %convert_element_type3A_217 = arith.extui %or3A_216 : i1 to i32
          %cond3A_218 = arith.constant 0 : i32
          %cond3A_219 = arith.cmpi ne, %convert_element_type3A_217, %cond3A_218 : i32
          scf.if %cond3A_219 {
            "tpu.trace_start"() <{level = 10 : i32, message = "ep_wait_in"}> : () -> ()
            %mul3A_304 = arith.constant 1 : i32
            %mul3A_305 = arith.muli %mul3A_304, %add3A_155 : i32
            %rem3A_306 = arith.constant 2 : i32
            %rem3A_307 = arith.remui %while3A_144, %rem3A_306 : i32
            %dma_wait3A = arith.constant 0 : i32
            %dma_wait3A_308 = arith.constant 0 : i32
            %dma_wait3A_309 = tpu.memref_slice %run_scoped3A[%rem3A_307, %dma_wait3A, %dma_wait3A_308] : memref<2x1x128xi32, #tpu.memory_space<vmem>> -> memref<1x1x128xi32, #tpu.memory_space<vmem>>
            %dma_wait3A_310 = tpu.memref_squeeze %dma_wait3A_309 : memref<1x1x128xi32, #tpu.memory_space<vmem>> -> memref<1x128xi32, #tpu.memory_space<vmem>>
            %dma_wait3A_311 = arith.constant 0 : i32
            %dma_wait3A_312 = tpu.memref_slice %arg3[%mul3A_305, %dma_wait3A_311] : memref<200x128xi32, #tpu.memory_space<hbm>> -> memref<1x128xi32, #tpu.memory_space<hbm>>
            %dma_wait3A_313 = tpu.memref_slice %run_scoped3A_17[%rem3A_307] : memref<2x!tpu.dma_semaphore, #tpu.memory_space<semaphore_mem>> -> memref<1x!tpu.dma_semaphore, #tpu.memory_space<semaphore_mem>>
            %dma_wait3A_314 = tpu.memref_squeeze %dma_wait3A_313 : memref<1x!tpu.dma_semaphore, #tpu.memory_space<semaphore_mem>> -> memref<!tpu.dma_semaphore, #tpu.memory_space<semaphore_mem>>
            %dma_wait3A_315 = arith.constant 0 : i32
            %dma_wait3A_316 = arith.constant 0 : i32
            %dma_wait3A_317 = tpu.memref_slice %run_scoped3A[%rem3A_307, %dma_wait3A_315, %dma_wait3A_316] : memref<2x1x128xi32, #tpu.memory_space<vmem>> -> memref<1x1x128xi32, #tpu.memory_space<vmem>>
            %dma_wait3A_318 = tpu.memref_squeeze %dma_wait3A_317 : memref<1x1x128xi32, #tpu.memory_space<vmem>> -> memref<1x128xi32, #tpu.memory_space<vmem>>
            %dma_wait3A_319 = arith.constant 0 : i32
            %dma_wait3A_320 = tpu.memref_slice %arg3[%mul3A_305, %dma_wait3A_319] : memref<200x128xi32, #tpu.memory_space<hbm>> -> memref<1x128xi32, #tpu.memory_space<hbm>>
            tpu.wait_dma2 semaphore(%dma_wait3A_314 : memref<!tpu.dma_semaphore, #tpu.memory_space<semaphore_mem>>) src(%dma_wait3A_320 : memref<1x128xi32, #tpu.memory_space<hbm>>) dst(%dma_wait3A_318 : memref<1x128xi32, #tpu.memory_space<vmem>>)
            "tpu.trace_stop"() : () -> ()
          } else {
          }
          %ne3A_220 = arith.cmpi ne, %add3A_155, %add3A_165 : i32
          %or3A_221 = arith.constant false
          %or3A_222 = arith.ori %or3A_221, %ne3A_220 : i1
          %or3A_223 = arith.constant false
          %or3A_224 = arith.ori %or3A_222, %or3A_223 : i1
          %or3A_225 = arith.ori %or3A_224, %eq3A_151 : i1
          %convert_element_type3A_226 = arith.extui %or3A_225 : i1 to i32
          %cond3A_227 = arith.constant 0 : i32
          %cond3A_228 = arith.cmpi ne, %convert_element_type3A_226, %cond3A_227 : i32
          scf.if %cond3A_228 {
          } else {
          }
          %rem3A_229 = arith.constant 2 : i32
          %rem3A_230 = arith.remui %while3A_144, %rem3A_229 : i32
          %rem3A_231 = arith.constant 2 : i32
          %rem3A_232 = arith.remui %while3A_145, %rem3A_231 : i32
          %run_scoped3A_233 = arith.constant 0 : i32
          "tpu.trace_start"() <{level = 10 : i32, message = "ep_run_kernel"}> : () -> ()
          "tpu.region"() ({
            %run_scoped3A_304 = tpu.sem_alloc : memref<!tpu.dma_semaphore, #tpu.memory_space<semaphore_mem>>
            %dma_start3A_305 = arith.constant 0 : i32
            %dma_start3A_306 = arith.constant 0 : i32
            %dma_start3A_307 = tpu.memref_slice %run_scoped3A_18[%rem3A_232, %dma_start3A_305, %dma_start3A_306] : memref<2x128x128xf32, #tpu.memory_space<vmem>> -> memref<1x128x128xf32, #tpu.memory_space<vmem>>
            %dma_start3A_308 = tpu.memref_squeeze %dma_start3A_307 : memref<1x128x128xf32, #tpu.memory_space<vmem>> -> memref<128x128xf32, #tpu.memory_space<vmem>>
            %dma_start3A_309 = arith.constant 0 : i32
            %dma_start3A_310 = arith.constant 0 : i32
            %dma_start3A_311 = tpu.memref_slice %run_scoped3A[%rem3A_230, %dma_start3A_309, %dma_start3A_310] : memref<2x1x128xi32, #tpu.memory_space<vmem>> -> memref<1x1x128xi32, #tpu.memory_space<vmem>>
            %dma_start3A_312 = tpu.memref_squeeze %dma_start3A_311 : memref<1x1x128xi32, #tpu.memory_space<vmem>> -> memref<1x128xi32, #tpu.memory_space<vmem>>
            %dma_start3A_313 = arith.constant 0 : i32
            %dma_start3A_314 = tpu.memref_slice %dma_start3A_312[%run_scoped3A_233, %dma_start3A_313] : memref<1x128xi32, #tpu.memory_space<vmem>> -> memref<1x128xi32, #tpu.memory_space<vmem>>
            %dma_start3A_315 = tpu.memref_squeeze %dma_start3A_314 : memref<1x128xi32, #tpu.memory_space<vmem>> -> memref<128xi32, #tpu.memory_space<vmem>>
            %dma_start3A_316 = arith.constant 0 : i32
            %dma_start3A_317 = arith.constant 0 : i32
            %dma_start3A_318 = tpu.memref_slice %arg2[%dma_start3A_316, %dma_start3A_317] : memref<100000x128xf32, #tpu.memory_space<hbm>> -> memref<100000x128xf32, #tpu.memory_space<hbm>>
            tpu.enqueue_indirect_dma source(%dma_start3A_318 : memref<100000x128xf32, #tpu.memory_space<hbm>>) target(%dma_start3A_308 : memref<128x128xf32, #tpu.memory_space<vmem>>) offsets(%dma_start3A_315 : memref<128xi32, #tpu.memory_space<vmem>>) semaphore(%run_scoped3A_304 : memref<!tpu.dma_semaphore, #tpu.memory_space<semaphore_mem>>)
            %dma_wait3A = arith.constant 0 : i32
            %dma_wait3A_319 = arith.constant 0 : i32
            %dma_wait3A_320 = tpu.memref_slice %run_scoped3A_18[%rem3A_232, %dma_wait3A, %dma_wait3A_319] : memref<2x128x128xf32, #tpu.memory_space<vmem>> -> memref<1x128x128xf32, #tpu.memory_space<vmem>>
            %dma_wait3A_321 = tpu.memref_squeeze %dma_wait3A_320 : memref<1x128x128xf32, #tpu.memory_space<vmem>> -> memref<128x128xf32, #tpu.memory_space<vmem>>
            %dma_wait3A_322 = arith.constant 0 : i32
            %dma_wait3A_323 = arith.constant 0 : i32
            %dma_wait3A_324 = tpu.memref_slice %run_scoped3A[%rem3A_230, %dma_wait3A_322, %dma_wait3A_323] : memref<2x1x128xi32, #tpu.memory_space<vmem>> -> memref<1x1x128xi32, #tpu.memory_space<vmem>>
            %dma_wait3A_325 = tpu.memref_squeeze %dma_wait3A_324 : memref<1x1x128xi32, #tpu.memory_space<vmem>> -> memref<1x128xi32, #tpu.memory_space<vmem>>
            %dma_wait3A_326 = arith.constant 0 : i32
            %dma_wait3A_327 = tpu.memref_slice %dma_wait3A_325[%run_scoped3A_233, %dma_wait3A_326] : memref<1x128xi32, #tpu.memory_space<vmem>> -> memref<1x128xi32, #tpu.memory_space<vmem>>
            %dma_wait3A_328 = tpu.memref_squeeze %dma_wait3A_327 : memref<1x128xi32, #tpu.memory_space<vmem>> -> memref<128xi32, #tpu.memory_space<vmem>>
            %dma_wait3A_329 = arith.constant 0 : i32
            %dma_wait3A_330 = arith.constant 0 : i32
            %dma_wait3A_331 = tpu.memref_slice %arg2[%dma_wait3A_329, %dma_wait3A_330] : memref<100000x128xf32, #tpu.memory_space<hbm>> -> memref<100000x128xf32, #tpu.memory_space<hbm>>
            tpu.wait_indirect_dma semaphore(%run_scoped3A_304 : memref<!tpu.dma_semaphore, #tpu.memory_space<semaphore_mem>>) src(%dma_wait3A_331 : memref<100000x128xf32, #tpu.memory_space<hbm>>) dst(%dma_wait3A_321 : memref<128x128xf32, #tpu.memory_space<vmem>>)
            tpu.yield
          }) : () -> ()
          "tpu.trace_stop"() : () -> ()
          %ne3A_234 = arith.cmpi ne, %add3A_155, %add3A_173 : i32
          %or3A_235 = arith.constant false
          %or3A_236 = arith.ori %or3A_235, %ne3A_234 : i1
          %or3A_237 = arith.constant false
          %or3A_238 = arith.ori %or3A_236, %or3A_237 : i1
          %or3A_239 = arith.ori %or3A_238, %eq3A_154 : i1
          %convert_element_type3A_240 = arith.extui %or3A_239 : i1 to i32
          %cond3A_241 = arith.constant 0 : i32
          %cond3A_242 = arith.cmpi ne, %convert_element_type3A_240, %cond3A_241 : i32
          scf.if %cond3A_242 {
          } else {
          }
          %and3A_243 = arith.constant false
          %and3A_244 = arith.andi %or3A_239, %and3A_243 : i1
          %ne3A_245 = arith.cmpi ne, %add3A_155, %add3A_173 : i32
          %or3A_246 = arith.constant false
          %or3A_247 = arith.ori %or3A_246, %ne3A_245 : i1
          %or3A_248 = arith.constant false
          %or3A_249 = arith.ori %or3A_247, %or3A_248 : i1
          %or3A_250 = arith.ori %or3A_249, %eq3A_154 : i1
          %convert_element_type3A_251 = arith.extui %or3A_250 : i1 to i32
          %cond3A_252 = arith.constant 0 : i32
          %cond3A_253 = arith.cmpi ne, %convert_element_type3A_251, %cond3A_252 : i32
          scf.if %cond3A_253 {
            "tpu.trace_start"() <{level = 10 : i32, message = "ep_copy_out"}> : () -> ()
            %rem3A_304 = arith.constant 2 : i32
            %rem3A_305 = arith.remui %while3A_145, %rem3A_304 : i32
            %mul3A_306 = arith.constant 128 : i32
            %mul3A_307 = arith.muli %mul3A_306, %add3A_155 : i32
            %dma_start3A_308 = arith.constant 0 : i32
            %dma_start3A_309 = arith.constant 0 : i32
            %dma_start3A_310 = tpu.memref_slice %run_scoped3A_18[%rem3A_305, %dma_start3A_308, %dma_start3A_309] : memref<2x128x128xf32, #tpu.memory_space<vmem>> -> memref<1x128x128xf32, #tpu.memory_space<vmem>>
            %dma_start3A_311 = tpu.memref_squeeze %dma_start3A_310 : memref<1x128x128xf32, #tpu.memory_space<vmem>> -> memref<128x128xf32, #tpu.memory_space<vmem>>
            %dma_start3A_312 = arith.constant 0 : i32
            %dma_start3A_313 = tpu.memref_slice %arg4[%mul3A_307, %dma_start3A_312] : memref<25600x128xf32, #tpu.memory_space<hbm>> -> memref<128x128xf32, #tpu.memory_space<hbm>>
            %dma_start3A_314 = tpu.memref_slice %run_scoped3A_19[%rem3A_305] : memref<2x!tpu.dma_semaphore, #tpu.memory_space<semaphore_mem>> -> memref<1x!tpu.dma_semaphore, #tpu.memory_space<semaphore_mem>>
            %dma_start3A_315 = tpu.memref_squeeze %dma_start3A_314 : memref<1x!tpu.dma_semaphore, #tpu.memory_space<semaphore_mem>> -> memref<!tpu.dma_semaphore, #tpu.memory_space<semaphore_mem>>
            %dma_start3A_316 = arith.constant 0 : i32
            %dma_start3A_317 = tpu.memref_slice %arg4[%mul3A_307, %dma_start3A_316] : memref<25600x128xf32, #tpu.memory_space<hbm>> -> memref<128x128xf32, #tpu.memory_space<hbm>>
            %dma_start3A_318 = arith.constant 0 : i32
            %dma_start3A_319 = arith.constant 0 : i32
            %dma_start3A_320 = tpu.memref_slice %run_scoped3A_18[%rem3A_305, %dma_start3A_318, %dma_start3A_319] : memref<2x128x128xf32, #tpu.memory_space<vmem>> -> memref<1x128x128xf32, #tpu.memory_space<vmem>>
            %dma_start3A_321 = tpu.memref_squeeze %dma_start3A_320 : memref<1x128x128xf32, #tpu.memory_space<vmem>> -> memref<128x128xf32, #tpu.memory_space<vmem>>
            tpu.enqueue_dma source(%dma_start3A_321 : memref<128x128xf32, #tpu.memory_space<vmem>>) target(%dma_start3A_317 : memref<128x128xf32, #tpu.memory_space<hbm>>) target_semaphore(%dma_start3A_315 : memref<!tpu.dma_semaphore, #tpu.memory_space<semaphore_mem>>)
            "tpu.trace_stop"() : () -> ()
          } else {
          }
          %and3A_254 = arith.constant true
          %and3A_255 = arith.andi %or3A_250, %and3A_254 : i1
          %add3A_256 = arith.constant 1 : i32
          %add3A_257 = arith.addi %while3A_145, %add3A_256 : i32
          %select_n3A_258 = arith.select %and3A_255, %add3A_257, %while3A_145 : i32
          %ne3A_259 = arith.cmpi ne, %add3A_155, %add3A_165 : i32
          %or3A_260 = arith.constant false
          %or3A_261 = arith.ori %or3A_260, %ne3A_259 : i1
          %or3A_262 = arith.constant false
          %or3A_263 = arith.ori %or3A_261, %or3A_262 : i1
          %not3A_264 = arith.constant true
          %not3A_265 = arith.xori %eq3A_151, %not3A_264 : i1
          %and3A_266 = arith.andi %or3A_263, %not3A_265 : i1
          %convert_element_type3A_267 = arith.extui %and3A_266 : i1 to i32
          %cond3A_268 = arith.constant 0 : i32
          %cond3A_269 = arith.cmpi ne, %convert_element_type3A_267, %cond3A_268 : i32
          scf.if %cond3A_269 {
          } else {
          }
          %and3A_270 = arith.constant false
          %and3A_271 = arith.andi %and3A_266, %and3A_270 : i1
          %ne3A_272 = arith.cmpi ne, %add3A_155, %add3A_165 : i32
          %or3A_273 = arith.constant false
          %or3A_274 = arith.ori %or3A_273, %ne3A_272 : i1
          %or3A_275 = arith.constant false
          %or3A_276 = arith.ori %or3A_274, %or3A_275 : i1
          %not3A_277 = arith.constant true
          %not3A_278 = arith.xori %eq3A_151, %not3A_277 : i1
          %and3A_279 = arith.andi %or3A_276, %not3A_278 : i1
          %convert_element_type3A_280 = arith.extui %and3A_279 : i1 to i32
          %cond3A_281 = arith.constant 0 : i32
          %cond3A_282 = arith.cmpi ne, %convert_element_type3A_280, %cond3A_281 : i32
          scf.if %cond3A_282 {
            "tpu.trace_start"() <{level = 10 : i32, message = "ep_wait_out"}> : () -> ()
            %rem3A_304 = arith.constant 2 : i32
            %rem3A_305 = arith.remui %while3A_146, %rem3A_304 : i32
            %mul3A_306 = arith.constant 128 : i32
            %mul3A_307 = arith.muli %mul3A_306, %add3A_165 : i32
            %dma_wait3A = arith.constant 0 : i32
            %dma_wait3A_308 = arith.constant 0 : i32
            %dma_wait3A_309 = tpu.memref_slice %run_scoped3A_18[%rem3A_305, %dma_wait3A, %dma_wait3A_308] : memref<2x128x128xf32, #tpu.memory_space<vmem>> -> memref<1x128x128xf32, #tpu.memory_space<vmem>>
            %dma_wait3A_310 = tpu.memref_squeeze %dma_wait3A_309 : memref<1x128x128xf32, #tpu.memory_space<vmem>> -> memref<128x128xf32, #tpu.memory_space<vmem>>
            %dma_wait3A_311 = arith.constant 0 : i32
            %dma_wait3A_312 = tpu.memref_slice %arg4[%mul3A_307, %dma_wait3A_311] : memref<25600x128xf32, #tpu.memory_space<hbm>> -> memref<128x128xf32, #tpu.memory_space<hbm>>
            %dma_wait3A_313 = tpu.memref_slice %run_scoped3A_19[%rem3A_305] : memref<2x!tpu.dma_semaphore, #tpu.memory_space<semaphore_mem>> -> memref<1x!tpu.dma_semaphore, #tpu.memory_space<semaphore_mem>>
            %dma_wait3A_314 = tpu.memref_squeeze %dma_wait3A_313 : memref<1x!tpu.dma_semaphore, #tpu.memory_space<semaphore_mem>> -> memref<!tpu.dma_semaphore, #tpu.memory_space<semaphore_mem>>
            %dma_wait3A_315 = arith.constant 0 : i32
            %dma_wait3A_316 = tpu.memref_slice %arg4[%mul3A_307, %dma_wait3A_315] : memref<25600x128xf32, #tpu.memory_space<hbm>> -> memref<128x128xf32, #tpu.memory_space<hbm>>
            %dma_wait3A_317 = arith.constant 0 : i32
            %dma_wait3A_318 = arith.constant 0 : i32
            %dma_wait3A_319 = tpu.memref_slice %run_scoped3A_18[%rem3A_305, %dma_wait3A_317, %dma_wait3A_318] : memref<2x128x128xf32, #tpu.memory_space<vmem>> -> memref<1x128x128xf32, #tpu.memory_space<vmem>>
            %dma_wait3A_320 = tpu.memref_squeeze %dma_wait3A_319 : memref<1x128x128xf32, #tpu.memory_space<vmem>> -> memref<128x128xf32, #tpu.memory_space<vmem>>
            tpu.wait_dma2 semaphore(%dma_wait3A_314 : memref<!tpu.dma_semaphore, #tpu.memory_space<semaphore_mem>>) src(%dma_wait3A_320 : memref<128x128xf32, #tpu.memory_space<vmem>>) dst(%dma_wait3A_316 : memref<128x128xf32, #tpu.memory_space<hbm>>)
            "tpu.trace_stop"() : () -> ()
          } else {
          }
          %and3A_283 = arith.constant true
          %and3A_284 = arith.andi %and3A_279, %and3A_283 : i1
          %add3A_285 = arith.constant 1 : i32
          %add3A_286 = arith.addi %while3A_146, %add3A_285 : i32
          %select_n3A_287 = arith.select %and3A_284, %add3A_286, %while3A_146 : i32
          %ne3A_288 = arith.cmpi ne, %add3A_155, %add3A_173 : i32
          %or3A_289 = arith.constant false
          %or3A_290 = arith.ori %or3A_289, %ne3A_288 : i1
          %or3A_291 = arith.constant false
          %or3A_292 = arith.ori %or3A_290, %or3A_291 : i1
          %or3A_293 = arith.ori %or3A_292, %eq3A_154 : i1
          %add3A_294 = arith.constant 1 : i32
          %add3A_295 = arith.addi %while3A_144, %add3A_294 : i32
          %select_n3A_296 = arith.select %or3A_293, %add3A_295, %while3A_144 : i32
          %add3A_297 = arith.constant 1 : i32
          %add3A_298 = arith.addi %while3A_147, %add3A_297 : i32
          %select_n3A_299 = arith.constant true
          %select_n3A_300 = arith.select %select_n3A_299, %add3A_298, %while3A_147 : i32
          %eq3A_301 = arith.cmpi eq, %select_n3A_300, %select_n3A : i32
          %select_n3A_302 = arith.constant 0 : i32
          %select_n3A_303 = arith.select %eq3A_301, %select_n3A_302, %select_n3A_300 : i32
          scf.yield %select_n3A_197, %select_n3A_296, %select_n3A_258, %select_n3A_287, %select_n3A_303 : i32, i32, i32, i32, i32
        }
        %sub3A_91 = arith.constant 1 : i32
        %sub3A_92 = arith.subi %while3A_90#4, %sub3A_91 : i32
        %select_n3A_93 = arith.constant true
        %select_n3A_94 = arith.select %select_n3A_93, %sub3A_92, %while3A_90#4 : i32
        %eq3A_95 = arith.constant -1 : i32
        %eq3A_96 = arith.cmpi eq, %select_n3A_94, %eq3A_95 : i32
        %sub3A_97 = arith.constant 1 : i32
        %sub3A_98 = arith.subi %select_n3A, %sub3A_97 : i32
        %select_n3A_99 = arith.select %eq3A_96, %sub3A_98, %select_n3A_94 : i32
        %sub3A_100 = arith.constant 1 : i32
        %sub3A_101 = arith.subi %mul3A_16, %sub3A_100 : i32
        %mul3A_102 = arith.constant 1 : i32
        %mul3A_103 = arith.muli %mul3A_102, %select_n3A : i32
        %eq3A_104 = arith.constant 0 : i32
        %eq3A_105 = arith.cmpi eq, %sub3A_101, %eq3A_104 : i32
        %sub3A_106 = arith.constant 1 : i32
        %sub3A_107 = arith.subi %mul3A_103, %sub3A_106 : i32
        %eq3A_108 = arith.cmpi eq, %sub3A_101, %sub3A_107 : i32
        %add3A_109 = arith.addi %select_n3A_99, %select_n3A_14 : i32
        %sub3A_110 = arith.constant 1 : i32
        %sub3A_111 = arith.subi %select_n3A_99, %sub3A_110 : i32
        %select_n3A_112 = arith.constant true
        %select_n3A_113 = arith.select %select_n3A_112, %sub3A_111, %select_n3A_99 : i32
        %eq3A_114 = arith.constant -1 : i32
        %eq3A_115 = arith.cmpi eq, %select_n3A_113, %eq3A_114 : i32
        %sub3A_116 = arith.constant 1 : i32
        %sub3A_117 = arith.subi %select_n3A, %sub3A_116 : i32
        %select_n3A_118 = arith.select %eq3A_115, %sub3A_117, %select_n3A_113 : i32
        %add3A_119 = arith.addi %select_n3A_118, %select_n3A_14 : i32
        %add3A_120 = arith.constant 1 : i32
        %add3A_121 = arith.addi %select_n3A_99, %add3A_120 : i32
        %select_n3A_122 = arith.constant true
        %select_n3A_123 = arith.select %select_n3A_122, %add3A_121, %select_n3A_99 : i32
        %eq3A_124 = arith.cmpi eq, %select_n3A_123, %select_n3A : i32
        %select_n3A_125 = arith.constant 0 : i32
        %select_n3A_126 = arith.select %eq3A_124, %select_n3A_125, %select_n3A_123 : i32
        %add3A_127 = arith.addi %select_n3A_126, %select_n3A_14 : i32
        %add3A_128 = arith.constant 1 : i32
        %add3A_129 = arith.addi %select_n3A_126, %add3A_128 : i32
        %select_n3A_130 = arith.constant true
        %select_n3A_131 = arith.select %select_n3A_130, %add3A_129, %select_n3A_126 : i32
        %eq3A_132 = arith.cmpi eq, %select_n3A_131, %select_n3A : i32
        %select_n3A_133 = arith.constant 0 : i32
        %select_n3A_134 = arith.select %eq3A_132, %select_n3A_133, %select_n3A_131 : i32
        %add3A_135 = arith.addi %select_n3A_134, %select_n3A_14 : i32
        %convert_element_type3A_136 = arith.extui %eq3A_108 : i1 to i32
        %cond3A_137 = arith.constant 0 : i32
        %cond3A_138 = arith.cmpi ne, %convert_element_type3A_136, %cond3A_137 : i32
        scf.if %cond3A_138 {
        } else {
        }
        %convert_element_type3A_139 = arith.extui %eq3A_108 : i1 to i32
        %cond3A_140 = arith.constant 0 : i32
        %cond3A_141 = arith.cmpi ne, %convert_element_type3A_139, %cond3A_140 : i32
        scf.if %cond3A_141 {
          "tpu.trace_start"() <{level = 10 : i32, message = "ep_finalize"}> : () -> ()
          %rem3A_142 = arith.constant 2 : i32
          %rem3A_143 = arith.remui %while3A_90#3, %rem3A_142 : i32
          %mul3A_144 = arith.constant 128 : i32
          %mul3A_145 = arith.muli %mul3A_144, %add3A_109 : i32
          %dma_wait3A = arith.constant 0 : i32
          %dma_wait3A_146 = arith.constant 0 : i32
          %dma_wait3A_147 = tpu.memref_slice %run_scoped3A_18[%rem3A_143, %dma_wait3A, %dma_wait3A_146] : memref<2x128x128xf32, #tpu.memory_space<vmem>> -> memref<1x128x128xf32, #tpu.memory_space<vmem>>
          %dma_wait3A_148 = tpu.memref_squeeze %dma_wait3A_147 : memref<1x128x128xf32, #tpu.memory_space<vmem>> -> memref<128x128xf32, #tpu.memory_space<vmem>>
          %dma_wait3A_149 = arith.constant 0 : i32
          %dma_wait3A_150 = tpu.memref_slice %arg4[%mul3A_145, %dma_wait3A_149] : memref<25600x128xf32, #tpu.memory_space<hbm>> -> memref<128x128xf32, #tpu.memory_space<hbm>>
          %dma_wait3A_151 = tpu.memref_slice %run_scoped3A_19[%rem3A_143] : memref<2x!tpu.dma_semaphore, #tpu.memory_space<semaphore_mem>> -> memref<1x!tpu.dma_semaphore, #tpu.memory_space<semaphore_mem>>
          %dma_wait3A_152 = tpu.memref_squeeze %dma_wait3A_151 : memref<1x!tpu.dma_semaphore, #tpu.memory_space<semaphore_mem>> -> memref<!tpu.dma_semaphore, #tpu.memory_space<semaphore_mem>>
          %dma_wait3A_153 = arith.constant 0 : i32
          %dma_wait3A_154 = tpu.memref_slice %arg4[%mul3A_145, %dma_wait3A_153] : memref<25600x128xf32, #tpu.memory_space<hbm>> -> memref<128x128xf32, #tpu.memory_space<hbm>>
          %dma_wait3A_155 = arith.constant 0 : i32
          %dma_wait3A_156 = arith.constant 0 : i32
          %dma_wait3A_157 = tpu.memref_slice %run_scoped3A_18[%rem3A_143, %dma_wait3A_155, %dma_wait3A_156] : memref<2x128x128xf32, #tpu.memory_space<vmem>> -> memref<1x128x128xf32, #tpu.memory_space<vmem>>
          %dma_wait3A_158 = tpu.memref_squeeze %dma_wait3A_157 : memref<1x128x128xf32, #tpu.memory_space<vmem>> -> memref<128x128xf32, #tpu.memory_space<vmem>>
          tpu.wait_dma2 semaphore(%dma_wait3A_152 : memref<!tpu.dma_semaphore, #tpu.memory_space<semaphore_mem>>) src(%dma_wait3A_158 : memref<128x128xf32, #tpu.memory_space<vmem>>) dst(%dma_wait3A_154 : memref<128x128xf32, #tpu.memory_space<hbm>>)
          "tpu.trace_stop"() : () -> ()
        } else {
        }
      } else {
      }
      tpu.yield
    }) : () -> ()
    return
  }
}

module attributes {stable_mosaic.version = 14 : i64} {
  func.func @_mlp_body_first(%arg0: i32, %arg1: memref<6400x128xf32, #tpu.memory_space<vmem>>, %arg2: memref<6400x128xf32, #tpu.memory_space<vmem>>, %arg3: memref<128x256xf32, #tpu.memory_space<vmem>>, %arg4: memref<1x256xf32, #tpu.memory_space<vmem>>, %arg5: memref<256x128xf32, #tpu.memory_space<vmem>>, %arg6: memref<1x128xf32, #tpu.memory_space<vmem>>, %arg7: memref<128x50x128xf32, #tpu.memory_space<vmem>>) attributes {dimension_semantics = [#tpu.dimension_semantics<parallel>], iteration_bounds = array<i64: 16>, scalar_prefetch = 0 : i64, scratch_operands = 0 : i64, tpu.core_type = #tpu.core_type<tc>, window_params = [{transform_indices = @transform_0, window_bounds = array<i64: 6400, 128>}, {pipeline_mode = #tpu.pipeline_mode<synchronous>, transform_indices = @transform_1, window_bounds = array<i64: 6400, 128>}, {pipeline_mode = #tpu.pipeline_mode<synchronous>, transform_indices = @transform_2, window_bounds = array<i64: 128, 256>}, {pipeline_mode = #tpu.pipeline_mode<synchronous>, transform_indices = @transform_3, window_bounds = array<i64: 1, 256>}, {pipeline_mode = #tpu.pipeline_mode<synchronous>, transform_indices = @transform_4, window_bounds = array<i64: 256, 128>}, {pipeline_mode = #tpu.pipeline_mode<synchronous>, transform_indices = @transform_5, window_bounds = array<i64: 1, 128>}, {transform_indices = @transform_6, window_bounds = array<i64: 128, 50, 128>}]} {
    %get3A = arith.constant 0 : index
    %get3A_0 = arith.constant 0 : index
    %get3A_1 = vector.load %arg1[%get3A, %get3A_0] : memref<6400x128xf32, #tpu.memory_space<vmem>>, vector<6400x128xf32>
    %get3A_2 = arith.constant 0 : index
    %get3A_3 = arith.constant 0 : index
    %get3A_4 = vector.load %arg2[%get3A_2, %get3A_3] : memref<6400x128xf32, #tpu.memory_space<vmem>>, vector<6400x128xf32>
    %add3A = arith.addf %get3A_1, %get3A_4 : vector<6400x128xf32>
    %get3A_5 = arith.constant 0 : index
    %get3A_6 = arith.constant 0 : index
    %get3A_7 = vector.load %arg3[%get3A_5, %get3A_6] : memref<128x256xf32, #tpu.memory_space<vmem>>, vector<128x256xf32>
    %dot_general3A = arith.constant dense<0.000000e+00> : vector<6400x256xf32>
    %dot_general3A_8 = tpu.matmul %add3A, %get3A_7, %dot_general3A {dimension_numbers = #tpu.dot_dimension_numbers<[1], [0], [0], [1], [0, 0, 1, 1], [], []>, transpose_lhs_hint = false} : vector<6400x128xf32>, vector<128x256xf32>, vector<6400x256xf32> -> vector<6400x256xf32>
    %get3A_9 = arith.constant 0 : index
    %get3A_10 = arith.constant 0 : index
    %get3A_11 = vector.load %arg4[%get3A_9, %get3A_10] : memref<1x256xf32, #tpu.memory_space<vmem>>, vector<1x256xf32>
    %add3A_12 = vector.broadcast %get3A_11 : vector<1x256xf32> to vector<6400x256xf32>
    %add3A_13 = arith.addf %dot_general3A_8, %add3A_12 : vector<6400x256xf32>
    %max3A = arith.constant 0.000000e+00 : f32
    %max3A_14 = vector.broadcast %max3A : f32 to vector<6400x256xf32>
    %max3A_15 = arith.maximumf %add3A_13, %max3A_14 : vector<6400x256xf32>
    %get3A_16 = arith.constant 0 : index
    %get3A_17 = arith.constant 0 : index
    %get3A_18 = vector.load %arg5[%get3A_16, %get3A_17] : memref<256x128xf32, #tpu.memory_space<vmem>>, vector<256x128xf32>
    %dot_general3A_19 = arith.constant dense<0.000000e+00> : vector<6400x128xf32>
    %dot_general3A_20 = tpu.matmul %max3A_15, %get3A_18, %dot_general3A_19 {dimension_numbers = #tpu.dot_dimension_numbers<[1], [0], [0], [1], [0, 0, 1, 1], [], []>, transpose_lhs_hint = false} : vector<6400x256xf32>, vector<256x128xf32>, vector<6400x128xf32> -> vector<6400x128xf32>
    %get3A_21 = arith.constant 0 : index
    %get3A_22 = arith.constant 0 : index
    %get3A_23 = vector.load %arg6[%get3A_21, %get3A_22] : memref<1x128xf32, #tpu.memory_space<vmem>>, vector<1x128xf32>
    %add3A_24 = vector.broadcast %get3A_23 : vector<1x128xf32> to vector<6400x128xf32>
    %add3A_25 = arith.addf %dot_general3A_20, %add3A_24 : vector<6400x128xf32>
    %reshape3A = vector.shape_cast %add3A_25 : vector<6400x128xf32> to vector<128x50x128xf32>
    %swap3A = arith.constant 0 : index
    %swap3A_26 = arith.constant 0 : index
    %swap3A_27 = arith.constant 0 : index
    %swap3A_28 = vector.load %arg7[%swap3A, %swap3A_26, %swap3A_27] : memref<128x50x128xf32, #tpu.memory_space<vmem>>, vector<128x50x128xf32>
    tpu.vector_store %arg7[%swap3A, %swap3A_26, %swap3A_27], %reshape3A {strides = array<i32>} : memref<128x50x128xf32, #tpu.memory_space<vmem>>, vector<128x50x128xf32>,
    return
  }
  func.func @transform_0(%arg0: i32) -> (i32, i32) {
    %c0_i32 = arith.constant 0 : i32
    %c0_i32_0 = arith.constant 0 : i32
    return %arg0, %c0_i32 : i32, i32
  }
  func.func @transform_1(%arg0: i32) -> (i32, i32) {
    %c0_i32 = arith.constant 0 : i32
    %c0_i32_0 = arith.constant 0 : i32
    %c0_i32_1 = arith.constant 0 : i32
    return %c0_i32, %c0_i32_0 : i32, i32
  }
  func.func @transform_2(%arg0: i32) -> (i32, i32) {
    %c0_i32 = arith.constant 0 : i32
    %c0_i32_0 = arith.constant 0 : i32
    %c0_i32_1 = arith.constant 0 : i32
    return %c0_i32, %c0_i32_0 : i32, i32
  }
  func.func @transform_3(%arg0: i32) -> (i32, i32) {
    %c0_i32 = arith.constant 0 : i32
    %c0_i32_0 = arith.constant 0 : i32
    %c0_i32_1 = arith.constant 0 : i32
    return %c0_i32, %c0_i32_0 : i32, i32
  }
  func.func @transform_4(%arg0: i32) -> (i32, i32) {
    %c0_i32 = arith.constant 0 : i32
    %c0_i32_0 = arith.constant 0 : i32
    %c0_i32_1 = arith.constant 0 : i32
    return %c0_i32, %c0_i32_0 : i32, i32
  }
  func.func @transform_5(%arg0: i32) -> (i32, i32) {
    %c0_i32 = arith.constant 0 : i32
    %c0_i32_0 = arith.constant 0 : i32
    %c0_i32_1 = arith.constant 0 : i32
    return %c0_i32, %c0_i32_0 : i32, i32
  }
  func.func @transform_6(%arg0: i32) -> (i32, i32, i32) {
    %add3A = arith.constant 0 : i32
    %add3A_0 = arith.addi %add3A, %arg0 : i32
    %c0_i32 = arith.constant 0 : i32
    %c0_i32_1 = arith.constant 0 : i32
    %c0_i32_2 = arith.constant 0 : i32
    return %add3A_0, %c0_i32, %c0_i32_1 : i32, i32, i32
  }
}

module attributes {stable_mosaic.version = 14 : i64} {
  func.func @_mlp_body_alias(%arg0: i32, %arg1: memref<4096x50x128xf32, #tpu.memory_space<any>>, %arg2: memref<6400x128xf32, #tpu.memory_space<vmem>>, %arg3: memref<6400x128xf32, #tpu.memory_space<vmem>>, %arg4: memref<128x256xf32, #tpu.memory_space<vmem>>, %arg5: memref<1x256xf32, #tpu.memory_space<vmem>>, %arg6: memref<256x128xf32, #tpu.memory_space<vmem>>, %arg7: memref<1x128xf32, #tpu.memory_space<vmem>>, %arg8: memref<128x50x128xf32, #tpu.memory_space<vmem>>) attributes {dimension_semantics = [#tpu.dimension_semantics<parallel>], iteration_bounds = array<i64: 12>, scalar_prefetch = 0 : i64, scratch_operands = 0 : i64, tpu.core_type = #tpu.core_type<tc>, window_params = [{}, {transform_indices = @transform_1, window_bounds = array<i64: 6400, 128>}, {pipeline_mode = #tpu.pipeline_mode<synchronous>, transform_indices = @transform_2, window_bounds = array<i64: 6400, 128>}, {pipeline_mode = #tpu.pipeline_mode<synchronous>, transform_indices = @transform_3, window_bounds = array<i64: 128, 256>}, {pipeline_mode = #tpu.pipeline_mode<synchronous>, transform_indices = @transform_4, window_bounds = array<i64: 1, 256>}, {pipeline_mode = #tpu.pipeline_mode<synchronous>, transform_indices = @transform_5, window_bounds = array<i64: 256, 128>}, {pipeline_mode = #tpu.pipeline_mode<synchronous>, transform_indices = @transform_6, window_bounds = array<i64: 1, 128>}, {transform_indices = @transform_7, window_bounds = array<i64: 128, 50, 128>}]} {
    %get3A = arith.constant 0 : index
    %get3A_0 = arith.constant 0 : index
    %get3A_1 = vector.load %arg2[%get3A, %get3A_0] : memref<6400x128xf32, #tpu.memory_space<vmem>>, vector<6400x128xf32>
    %get3A_2 = arith.constant 0 : index
    %get3A_3 = arith.constant 0 : index
    %get3A_4 = vector.load %arg3[%get3A_2, %get3A_3] : memref<6400x128xf32, #tpu.memory_space<vmem>>, vector<6400x128xf32>
    %add3A = arith.addf %get3A_1, %get3A_4 : vector<6400x128xf32>
    %get3A_5 = arith.constant 0 : index
    %get3A_6 = arith.constant 0 : index
    %get3A_7 = vector.load %arg4[%get3A_5, %get3A_6] : memref<128x256xf32, #tpu.memory_space<vmem>>, vector<128x256xf32>
    %dot_general3A = arith.constant dense<0.000000e+00> : vector<6400x256xf32>
    %dot_general3A_8 = tpu.matmul %add3A, %get3A_7, %dot_general3A {dimension_numbers = #tpu.dot_dimension_numbers<[1], [0], [0], [1], [0, 0, 1, 1], [], []>, transpose_lhs_hint = false} : vector<6400x128xf32>, vector<128x256xf32>, vector<6400x256xf32> -> vector<6400x256xf32>
    %get3A_9 = arith.constant 0 : index
    %get3A_10 = arith.constant 0 : index
    %get3A_11 = vector.load %arg5[%get3A_9, %get3A_10] : memref<1x256xf32, #tpu.memory_space<vmem>>, vector<1x256xf32>
    %add3A_12 = vector.broadcast %get3A_11 : vector<1x256xf32> to vector<6400x256xf32>
    %add3A_13 = arith.addf %dot_general3A_8, %add3A_12 : vector<6400x256xf32>
    %max3A = arith.constant 0.000000e+00 : f32
    %max3A_14 = vector.broadcast %max3A : f32 to vector<6400x256xf32>
    %max3A_15 = arith.maximumf %add3A_13, %max3A_14 : vector<6400x256xf32>
    %get3A_16 = arith.constant 0 : index
    %get3A_17 = arith.constant 0 : index
    %get3A_18 = vector.load %arg6[%get3A_16, %get3A_17] : memref<256x128xf32, #tpu.memory_space<vmem>>, vector<256x128xf32>
    %dot_general3A_19 = arith.constant dense<0.000000e+00> : vector<6400x128xf32>
    %dot_general3A_20 = tpu.matmul %max3A_15, %get3A_18, %dot_general3A_19 {dimension_numbers = #tpu.dot_dimension_numbers<[1], [0], [0], [1], [0, 0, 1, 1], [], []>, transpose_lhs_hint = false} : vector<6400x256xf32>, vector<256x128xf32>, vector<6400x128xf32> -> vector<6400x128xf32>
    %get3A_21 = arith.constant 0 : index
    %get3A_22 = arith.constant 0 : index
    %get3A_23 = vector.load %arg7[%get3A_21, %get3A_22] : memref<1x128xf32, #tpu.memory_space<vmem>>, vector<1x128xf32>
    %add3A_24 = vector.broadcast %get3A_23 : vector<1x128xf32> to vector<6400x128xf32>
    %add3A_25 = arith.addf %dot_general3A_20, %add3A_24 : vector<6400x128xf32>
    %reshape3A = vector.shape_cast %add3A_25 : vector<6400x128xf32> to vector<128x50x128xf32>
    %swap3A = arith.constant 0 : index
    %swap3A_26 = arith.constant 0 : index
    %swap3A_27 = arith.constant 0 : index
    %swap3A_28 = vector.load %arg8[%swap3A, %swap3A_26, %swap3A_27] : memref<128x50x128xf32, #tpu.memory_space<vmem>>, vector<128x50x128xf32>
    tpu.vector_store %arg8[%swap3A, %swap3A_26, %swap3A_27], %reshape3A {strides = array<i32>} : memref<128x50x128xf32, #tpu.memory_space<vmem>>, vector<128x50x128xf32>,
    return
  }
  func.func @transform_1(%arg0: i32) -> (i32, i32) {
    %c0_i32 = arith.constant 0 : i32
    %c0_i32_0 = arith.constant 0 : i32
    return %arg0, %c0_i32 : i32, i32
  }
  func.func @transform_2(%arg0: i32) -> (i32, i32) {
    %c0_i32 = arith.constant 0 : i32
    %c0_i32_0 = arith.constant 0 : i32
    %c0_i32_1 = arith.constant 0 : i32
    return %c0_i32, %c0_i32_0 : i32, i32
  }
  func.func @transform_3(%arg0: i32) -> (i32, i32) {
    %c0_i32 = arith.constant 0 : i32
    %c0_i32_0 = arith.constant 0 : i32
    %c0_i32_1 = arith.constant 0 : i32
    return %c0_i32, %c0_i32_0 : i32, i32
  }
  func.func @transform_4(%arg0: i32) -> (i32, i32) {
    %c0_i32 = arith.constant 0 : i32
    %c0_i32_0 = arith.constant 0 : i32
    %c0_i32_1 = arith.constant 0 : i32
    return %c0_i32, %c0_i32_0 : i32, i32
  }
  func.func @transform_5(%arg0: i32) -> (i32, i32) {
    %c0_i32 = arith.constant 0 : i32
    %c0_i32_0 = arith.constant 0 : i32
    %c0_i32_1 = arith.constant 0 : i32
    return %c0_i32, %c0_i32_0 : i32, i32
  }
  func.func @transform_6(%arg0: i32) -> (i32, i32) {
    %c0_i32 = arith.constant 0 : i32
    %c0_i32_0 = arith.constant 0 : i32
    %c0_i32_1 = arith.constant 0 : i32
    return %c0_i32, %c0_i32_0 : i32, i32
  }
  func.func @transform_7(%arg0: i32) -> (i32, i32, i32) {
    %add3A = arith.constant 16 : i32
    %add3A_0 = arith.addi %add3A, %arg0 : i32
    %c0_i32 = arith.constant 0 : i32
    %c0_i32_1 = arith.constant 0 : i32
    %c0_i32_2 = arith.constant 0 : i32
    return %add3A_0, %c0_i32, %c0_i32_1 : i32, i32, i32
  }
}

module attributes {stable_mosaic.version = 14 : i64} {
  func.func @_mlp_body_alias(%arg0: i32, %arg1: memref<4096x50x128xf32, #tpu.memory_space<any>>, %arg2: memref<6400x128xf32, #tpu.memory_space<vmem>>, %arg3: memref<6400x128xf32, #tpu.memory_space<vmem>>, %arg4: memref<128x256xf32, #tpu.memory_space<vmem>>, %arg5: memref<1x256xf32, #tpu.memory_space<vmem>>, %arg6: memref<256x128xf32, #tpu.memory_space<vmem>>, %arg7: memref<1x128xf32, #tpu.memory_space<vmem>>, %arg8: memref<128x50x128xf32, #tpu.memory_space<vmem>>) attributes {dimension_semantics = [#tpu.dimension_semantics<parallel>], iteration_bounds = array<i64: 4>, scalar_prefetch = 0 : i64, scratch_operands = 0 : i64, tpu.core_type = #tpu.core_type<tc>, window_params = [{}, {transform_indices = @transform_1, window_bounds = array<i64: 6400, 128>}, {pipeline_mode = #tpu.pipeline_mode<synchronous>, transform_indices = @transform_2, window_bounds = array<i64: 6400, 128>}, {pipeline_mode = #tpu.pipeline_mode<synchronous>, transform_indices = @transform_3, window_bounds = array<i64: 128, 256>}, {pipeline_mode = #tpu.pipeline_mode<synchronous>, transform_indices = @transform_4, window_bounds = array<i64: 1, 256>}, {pipeline_mode = #tpu.pipeline_mode<synchronous>, transform_indices = @transform_5, window_bounds = array<i64: 256, 128>}, {pipeline_mode = #tpu.pipeline_mode<synchronous>, transform_indices = @transform_6, window_bounds = array<i64: 1, 128>}, {transform_indices = @transform_7, window_bounds = array<i64: 128, 50, 128>}]} {
    %get3A = arith.constant 0 : index
    %get3A_0 = arith.constant 0 : index
    %get3A_1 = vector.load %arg2[%get3A, %get3A_0] : memref<6400x128xf32, #tpu.memory_space<vmem>>, vector<6400x128xf32>
    %get3A_2 = arith.constant 0 : index
    %get3A_3 = arith.constant 0 : index
    %get3A_4 = vector.load %arg3[%get3A_2, %get3A_3] : memref<6400x128xf32, #tpu.memory_space<vmem>>, vector<6400x128xf32>
    %add3A = arith.addf %get3A_1, %get3A_4 : vector<6400x128xf32>
    %get3A_5 = arith.constant 0 : index
    %get3A_6 = arith.constant 0 : index
    %get3A_7 = vector.load %arg4[%get3A_5, %get3A_6] : memref<128x256xf32, #tpu.memory_space<vmem>>, vector<128x256xf32>
    %dot_general3A = arith.constant dense<0.000000e+00> : vector<6400x256xf32>
    %dot_general3A_8 = tpu.matmul %add3A, %get3A_7, %dot_general3A {dimension_numbers = #tpu.dot_dimension_numbers<[1], [0], [0], [1], [0, 0, 1, 1], [], []>, transpose_lhs_hint = false} : vector<6400x128xf32>, vector<128x256xf32>, vector<6400x256xf32> -> vector<6400x256xf32>
    %get3A_9 = arith.constant 0 : index
    %get3A_10 = arith.constant 0 : index
    %get3A_11 = vector.load %arg5[%get3A_9, %get3A_10] : memref<1x256xf32, #tpu.memory_space<vmem>>, vector<1x256xf32>
    %add3A_12 = vector.broadcast %get3A_11 : vector<1x256xf32> to vector<6400x256xf32>
    %add3A_13 = arith.addf %dot_general3A_8, %add3A_12 : vector<6400x256xf32>
    %max3A = arith.constant 0.000000e+00 : f32
    %max3A_14 = vector.broadcast %max3A : f32 to vector<6400x256xf32>
    %max3A_15 = arith.maximumf %add3A_13, %max3A_14 : vector<6400x256xf32>
    %get3A_16 = arith.constant 0 : index
    %get3A_17 = arith.constant 0 : index
    %get3A_18 = vector.load %arg6[%get3A_16, %get3A_17] : memref<256x128xf32, #tpu.memory_space<vmem>>, vector<256x128xf32>
    %dot_general3A_19 = arith.constant dense<0.000000e+00> : vector<6400x128xf32>
    %dot_general3A_20 = tpu.matmul %max3A_15, %get3A_18, %dot_general3A_19 {dimension_numbers = #tpu.dot_dimension_numbers<[1], [0], [0], [1], [0, 0, 1, 1], [], []>, transpose_lhs_hint = false} : vector<6400x256xf32>, vector<256x128xf32>, vector<6400x128xf32> -> vector<6400x128xf32>
    %get3A_21 = arith.constant 0 : index
    %get3A_22 = arith.constant 0 : index
    %get3A_23 = vector.load %arg7[%get3A_21, %get3A_22] : memref<1x128xf32, #tpu.memory_space<vmem>>, vector<1x128xf32>
    %add3A_24 = vector.broadcast %get3A_23 : vector<1x128xf32> to vector<6400x128xf32>
    %add3A_25 = arith.addf %dot_general3A_20, %add3A_24 : vector<6400x128xf32>
    %reshape3A = vector.shape_cast %add3A_25 : vector<6400x128xf32> to vector<128x50x128xf32>
    %swap3A = arith.constant 0 : index
    %swap3A_26 = arith.constant 0 : index
    %swap3A_27 = arith.constant 0 : index
    %swap3A_28 = vector.load %arg8[%swap3A, %swap3A_26, %swap3A_27] : memref<128x50x128xf32, #tpu.memory_space<vmem>>, vector<128x50x128xf32>
    tpu.vector_store %arg8[%swap3A, %swap3A_26, %swap3A_27], %reshape3A {strides = array<i32>} : memref<128x50x128xf32, #tpu.memory_space<vmem>>, vector<128x50x128xf32>,
    return
  }
  func.func @transform_1(%arg0: i32) -> (i32, i32) {
    %c0_i32 = arith.constant 0 : i32
    %c0_i32_0 = arith.constant 0 : i32
    return %arg0, %c0_i32 : i32, i32
  }
  func.func @transform_2(%arg0: i32) -> (i32, i32) {
    %c0_i32 = arith.constant 0 : i32
    %c0_i32_0 = arith.constant 0 : i32
    %c0_i32_1 = arith.constant 0 : i32
    return %c0_i32, %c0_i32_0 : i32, i32
  }
  func.func @transform_3(%arg0: i32) -> (i32, i32) {
    %c0_i32 = arith.constant 0 : i32
    %c0_i32_0 = arith.constant 0 : i32
    %c0_i32_1 = arith.constant 0 : i32
    return %c0_i32, %c0_i32_0 : i32, i32
  }
  func.func @transform_4(%arg0: i32) -> (i32, i32) {
    %c0_i32 = arith.constant 0 : i32
    %c0_i32_0 = arith.constant 0 : i32
    %c0_i32_1 = arith.constant 0 : i32
    return %c0_i32, %c0_i32_0 : i32, i32
  }
  func.func @transform_5(%arg0: i32) -> (i32, i32) {
    %c0_i32 = arith.constant 0 : i32
    %c0_i32_0 = arith.constant 0 : i32
    %c0_i32_1 = arith.constant 0 : i32
    return %c0_i32, %c0_i32_0 : i32, i32
  }
  func.func @transform_6(%arg0: i32) -> (i32, i32) {
    %c0_i32 = arith.constant 0 : i32
    %c0_i32_0 = arith.constant 0 : i32
    %c0_i32_1 = arith.constant 0 : i32
    return %c0_i32, %c0_i32_0 : i32, i32
  }
  func.func @transform_7(%arg0: i32) -> (i32, i32, i32) {
    %add3A = arith.constant 28 : i32
    %add3A_0 = arith.addi %add3A, %arg0 : i32
    %c0_i32 = arith.constant 0 : i32
    %c0_i32_1 = arith.constant 0 : i32
    %c0_i32_2 = arith.constant 0 : i32
    return %add3A_0, %c0_i32, %c0_i32_1 : i32, i32, i32
  }
}

</mosaic_0001>

<sc_bundles>
// kernel: kernel.11.cloned.1.call-start
scs
__scs_entry_jumppad:
0x0: {  	(pc) =	sbr.rel $0x88, $3  }
0x1: {  	(tag) =	ssettag $0x0;
	lr =	simm.s32 $0x1  }
0x2: {  	[smem:$0x3F99] =	sst lr;
	_ =	strace $0xD0000000  }
0x3: {  	_ = 	snop  }
0x4: {  	_ = 	snop  }
0x5: {  	_ = 	snop  }
0x6: {  	_ = 	snop  }
0x7: {  	_ = 	snop  }
__scs_overlays_trampoline_lowered:
0x8: {  	[smem:$0x3FA8] =	sst s0  }
0x9: {  	[smem:$0x3FA9] =	sst s1  }
0xa: {  	[smem:$0x3FAA] =	sst s2  }
0xb: {  	[smem:$0x3FAB] =	sst s3  }
0xc: {  	[smem:$0x3FAC] =	sst s4  }
0xd: {  	[smem:$0x3FAD] =	sst s5  }
0xe: {  	[smem:$0x3FAE] =	sst s6  }
0xf: {  	[smem:$0x3FAF] =	sst s7  }
0x10: {  	[smem:$0x3FB0] =	sst s8  }
0x11: {  	[smem:$0x3FB1] =	sst s9;
	s0 =	simm.s32 @!p0 $0x0  }
0x12: {  	s1 =	sld [smem:$0x3F97];
	s0 =	simm.s32 @p0 $0x1  }
0x13: {  	[smem:$0x3FB2] =	sst s0;
	s0 =	simm.s32 @!p1 $0x0  }
0x14: {  	s2 =	sld [smem:$0x3F96];
	s0 =	simm.s32 @p1 $0x1  }
0x15: {  	[smem:$0x3FB3] =	sst s0;
	s0 =	simm.s32 @!p2 $0x0  }
0x16: {  	s3 =	sld [smem:$0x3FDB];
	s0 =	simm.s32 @p2 $0x1  }
0x17: {  	s4 =	simm.s32 $0x1BF5;
	[smem:$0x3FB5] =	sst s0  }
0x18: {  	s0 =	sld [smem:$0x3F98];
	_ =	swait.ge [sflag:s4], $0x0  }
0x19: {  	s7 =	sld [smem:$0x3F99]  }
0x1a: {  	s8 =	sadd.s32 $0xFFFFE003, lr  }
0x1b: {  	s9 =	sadd.s32 $0xFFFFFEF7, lr;
	s5 =	simm.s32 $0xFFFFFFFF;
	p2 =	slt.u32 s8, $0xFFFFF086  }
0x1c: {  	p1 =	slt.u32 s9, $0xF7A;
	s5 =	simm.s32 @!p2 $0x0  }
0x1d: {  	s5 =	simm.s32 @p1 $0x1;
	p0 =	seq.s32 s7, s2  }
0x1e: {  	s7 =	smul.u32 @!p0 $0xF7A, s2;
	p2 =	seq.s32 @!p0 s5, $0x0  }
0x1f: {  	s9 =	smul.u32 $0xF7A, s1;
	s8 =	simm.s32 @!p0 $0x1BF5;
	p2 =	por !p2, p0  }
0x20: {  	[sflag:s8] =	ssyncset.s32 @!p0 $0xFFFFF086;
	s6 =	sadd.s32 @!p0 s3, s7;
	s7 =	simm.s32 @!p0 $0x108  }
0x21: {  	s3 =	sadd.s32 s3, s9;
	s6 =	sadd.s32 @!p0 $0x88, s6;
	s7 =	simm.s32 @p2 $0x1082  }
0x22: {  	[simem:s7], [sflag:s8] =	dma.local @!p0 [hbm:s6], $0xF7A  }
0x23: {  	s9 =	sor.u32 $0xD0000000, s2;
	s6 =	simm.s32 $0x108;
	_ =	swait.ge @!p0 [sflag:s8], $0x0  }
0x24: {  	s3 =	sadd.s32 $0x88, s3;
	s6 =	simm.s32 @!p1 $0x1082;
	[sflag:s4] =	ssyncset.s32 $0xFFFFF086  }
0x25: {  	[simem:s6], [sflag:s4] =	dma.local [hbm:s3], $0xF7A  }
0x26: {  	[smem:$0x3F99] =	sst s1;
	(tag) =	ssettag s2;
	_ =	strace s9  }
0x27: {  	s1 =	sld [smem:$0x3FA9]  }
0x28: {  	s2 =	sld [smem:$0x3FAA]  }
0x29: {  	s4 =	sld [smem:$0x3FAC]  }
0x2a: {  	p0 =	seq.s32 s5, $0x0;
	s5 =	sld [smem:$0x3FAD]  }
0x2b: {  	s6 =	sld [smem:$0x3FAE]  }
0x2c: {  	s7 =	sld [smem:$0x3FAF]  }
0x2d: {  	s3 =	simm.s32 $0x108;
	s8 =	sld [smem:$0x3FB0]  }
0x2e: {  	s3 =	simm.s32 @!p0 $0x1082;
	s9 =	sld [smem:$0x3FB1]  }
0x2f: {  	lr =	sadd.s32 s0, s3;
	s0 =	sld [smem:$0x3FA8]  }
0x30: {  	s3 =	sld [smem:$0x3FAB]  }
0x31: {  	[smem:$0x3FB4] =	sst s10  }
0x32: {  	s10 =	sld [smem:$0x3FB2];
	_ =	sdelay $0x3  }
0x33: {  	p0 =	seq.s32 s10, $0x1;
	s10 =	sld [smem:$0x3FB4];
	_ =	sdelay $0x3  }
0x34: {  	[smem:$0x3FB4] =	sst s10  }
0x35: {  	s10 =	sld [smem:$0x3FB3];
	_ =	sdelay $0x3  }
0x36: {  	p1 =	seq.s32 s10, $0x1;
	s10 =	sld [smem:$0x3FB4];
	_ =	sdelay $0x3  }
0x37: {  	[smem:$0x3FB4] =	sst s10  }
0x38: {  	s10 =	sld [smem:$0x3FB5]  }
0x39: {  	_ = 	snop;
	(pc) =	sbr.ind lr, $3  }
0x3a: {  	_ = 	snop  }
0x3b: {  	_ = 	snop  }
0x3c: {  	p2 =	seq.s32 s10, $0x1;
	s10 =	sld [smem:$0x3FB4]  }
0x3d: {  	_ =	shalt  }
0x3e: {  	_ =	shalt  }
0x3f: {  	_ =	shalt  }
0x40: {  	_ =	shalt  }
0x41: {  	_ =	shalt  }
0x42: {  	_ =	shalt  }
0x43: {  	_ =	shalt  }
0x44: {  	_ =	shalt  }
0x45: {  	_ =	shalt  }
0x46: {  	_ =	shalt  }
0x47: {  	_ =	shalt  }
0x48: {  	_ =	shalt  }
0x49: {  	_ =	shalt  }
0x4a: {  	_ =	shalt  }
0x4b: {  	_ =	shalt  }
0x4c: {  	_ =	shalt  }
0x4d: {  	_ =	shalt  }
0x4e: {  	_ =	shalt  }
0x4f: {  	_ =	shalt  }
0x50: {  	_ =	shalt  }
0x51: {  	_ =	shalt  }
0x52: {  	_ =	shalt  }
0x53: {  	_ =	shalt  }
0x54: {  	_ =	shalt  }
0x55: {  	_ =	shalt  }
0x56: {  	_ =	shalt  }
0x57: {  	_ =	shalt  }
0x58: {  	_ =	shalt  }
0x59: {  	_ =	shalt  }
0x5a: {  	_ =	shalt  }
0x5b: {  	_ =	shalt  }
0x5c: {  	_ =	shalt  }
0x5d: {  	_ =	shalt  }
0x5e: {  	_ =	shalt  }
0x5f: {  	_ =	shalt  }
0x60: {  	_ =	shalt  }
0x61: {  	_ =	shalt  }
0x62: {  	_ =	shalt  }
0x63: {  	_ =	shalt  }
0x64: {  	_ =	shalt  }
0x65: {  	_ =	shalt  }
0x66: {  	_ =	shalt  }
0x67: {  	_ =	shalt  }
0x68: {  	_ =	shalt  }
0x69: {  	_ =	shalt  }
0x6a: {  	_ =	shalt  }
0x6b: {  	_ =	shalt  }
0x6c: {  	_ =	shalt  }
0x6d: {  	_ =	shalt  }
0x6e: {  	_ =	shalt  }
0x6f: {  	_ =	shalt  }
0x70: {  	_ =	shalt  }
0x71: {  	_ =	shalt  }
0x72: {  	_ =	shalt  }
0x73: {  	_ =	shalt  }
0x74: {  	_ =	shalt  }
0x75: {  	_ =	shalt  }
0x76: {  	_ =	shalt  }
0x77: {  	_ =	shalt  }
0x78: {  	_ =	shalt  }
0x79: {  	_ =	shalt  }
0x7a: {  	_ =	shalt  }
0x7b: {  	_ =	shalt  }
0x7c: {  	_ =	shalt  }
0x7d: {  	_ =	shalt  }
0x7e: {  	_ =	shalt  }
0x7f: {  	_ =	shalt  }
0x80: {  	_ =	shalt  }
0x81: {  	_ =	shalt  }
0x82: {  	_ =	shalt  }
0x83: {  	_ =	shalt  }
0x84: {  	_ =	shalt  }
0x85: {  	_ =	shalt  }
0x86: {  	_ =	shalt  }
0x87: {  	_ =	shalt  }
.Lfunc_end0:
.L_simem_size_0:
called_computation.1_lowered:
.L_overlay_start_0:
0x88: {  	s2 =	sld [smem:$0x3FD9]  }
0x89: {  	s3 =	sld [smem:$0x3FFE];
	_ =	sdelay $0x1  }
0x8a: {  	s1 =	srdreg.scid  }
0x8b: {  	s0 =	sand.u32 $0x1, s1  }
0x8c: {  	s17 =	sshll.u32 s0, $0xA;
	s2 =	sadd.s32 s3, s2  }
0x8d: {  	s2 =	sadd.s32 s2, s17  }
0x8e: {  	[smem:$0x3FC0] =	sst s2  }
0x8f: {  	_ = 	snop  }
0x90: {  	s18 =	sld [smem:$0x3FC7];
	(tm) =	ssettm $0x1  }
0x91: {  	s19 =	sld [smem:$0x3FFB];
	_ =	sdelay $0x3  }
0x92: {  	_ =	strace s19  }
0x93: {  	s2 =	sld [smem:$0x3FFC];
	_ =	sdelay $0x3  }
0x94: {  	_ =	strace s2  }
0x95: {  	s2 =	sld [smem:$0x3FFD];
	_ =	sdelay $0x3  }
0x96: {  	_ =	strace s2  }
0x97: {  	_ =	strace $0x8FFFFFFF  }
0x98: {  	s20 =	sld [smem:$0x3FDB];
	_ =	sdelay $0x1  }
0x99: {  	s4 =	simm.s32 $_scs_section_size  }
0x9a: {  	s5 =	simm.s32 $_size__tile_overlayer_lowered;
	s6 =	simm.s32 $_tile_overlayer_lowered  }
0x9b: {  	s7 =	simm.s32 $0x1BFF;
	s21 =	sshll.u32 s6, $0x1;
	s4 =	sadd.s32 s4, s20  }
0x9c: {  	s22 =	simm.s32 $0x0;
	s5 =	sshll.u32 s5, $0x1;
	s6 =	sadd.s32 s21, s4  }
0x9d: {  	[timem:s22], [sflag:s7] =	dma.local [hbm:s6], s5  }
0x9e: {  	_ =	swait.ge [sflag:s7], s5  }
0x9f: {  	s5 =	ssub.s32 $0x0, s5;
	[sflag:s7] =	ssyncset.done $0x0  }
0xa0: {  	[sflag:s7] =	ssyncadd.s32 s5;
	_ =	sdelay $0x1  }
0xa1: {  	s23 =	simm.s32 $0x1B8B  }
0xa2: {  	_ =	swait.ge [sflag:s23], $0x1  }
0xa3: {  	[sflag:s23] =	ssyncset.done $0x0  }
0xa4: {  	[sflag:s23] =	ssyncadd.s32 $0xFFFFFFFF  }
0xa5: {  	s5 =	sld [smem:$0x0]  }
0xa6: {  	s6 =	sand.u32 $0xFFFFFFFE, s1  }
0xa7: {  	p0 =	sne.s32 s1, s6  }
0xa8: {  	s6 =	sshll.u32 @p0 s6, $0xE  }
0xa9: {  	s6 =	sadd.s32 @p0 $0x11B8D, s6;
	s7 =	sshll.u32 @p0 s5, $0x11  }
0xaa: {  	s6 =	sor.u32 @p0 s7, s6  }
0xab: {  	[sflag:s6] =	ssyncadd.remote.s32 @p0 $0x1;
	_ =	sdelay $0x1  }
0xac: {  	s6 =	simm.s32 @p0 $0x1B8D  }
0xad: {  	_ =	swait.eq @p0 [sflag:s6], $0x1  }
0xae: {  	[sflag:s6] =	ssyncadd.s32 @p0 $0xFFFFFFFF  }
0xaf: {  	s7 =	sshll.u32 @!p0 s1, $0xE  }
0xb0: {  	s7 =	sor.u32 @!p0 $0x4000, s7;
	s6 =	simm.s32 @!p0 $0x1B8D  }
0xb1: {  	s5 =	sshll.u32 @!p0 s5, $0x11;
	s7 =	sadd.s32 @!p0 $0x11B8D, s7;
	_ =	swait.eq @!p0 [sflag:s6], $0x1  }
0xb2: {  	s5 =	sor.u32 @!p0 s5, s7;
	[sflag:s6] =	ssyncadd.s32 @!p0 $0xFFFFFFFF  }
0xb3: {  	s25 =	simm.s32 $0x1B8E;
	s24 =	sld [smem:$0x3FFE];
	[sflag:s5] =	ssyncadd.remote.s32 @!p0 $0x1  }
0xb4: {  	s26 =	simm.s32 $execute0_lowered;
	[smem:$0x3FD2] =	sst s25  }
0xb5: {  	s6 =	sshll.u32 s26, $0x1;
	_ =	strace $0x80000050;
	[dreg:$0x1] =	wrdreg $0xFFFFFFFF  }
0xb6: {  	s28 =	simm.s32 $_size_execute0_lowered;
	s4 =	sadd.s32 s4, s6;
	[dreg:$0x0] =	wrdreg $0x0  }
0xb7: {  	s6 =	sshll.u32 s28, $0x1;
	[dreg:$0x2] =	wrdreg s4  }
0xb8: {  	[dreg:$0x3] =	wrdreg s6  }
0xb9: {  	[dreg:$0x4] =	wrdreg $0xC0  }
0xba: {  	_ =	task [dreg:s22], $0x5FFFF  }
0xbb: {  	[dreg:$0x1] =	wrdreg $0xFFFFFFFF  }
0xbc: {  	[dreg:$0x0] =	wrdreg $0x60  }
0xbd: {  	[dreg:$0x2] =	wrdreg s18  }
0xbe: {  	[dreg:$0x3] =	wrdreg s24  }
0xbf: {  	[dreg:$0x4] =	wrdreg $0xA  }
0xc0: {  	_ =	task.clear_ibuf [dreg:s22], $0x5FFFF;
	_ =	strace $0x90000050  }
0xc1: {  	s29 =	simm.s32 $0xA;
	_ =	strace $0x80000059  }
0xc2: {  	_ =	swait.ge [sflag:s29], $0x1  }
0xc3: {  	[sflag:s29] =	ssyncadd.s32 $0xFFFFFFFF  }
0xc4: {  	_ =	strace $0x90000059  }
0xc5: {  	_ =	sfence  }
0xc6: {  	s30 =	sld [smem:$0x0];
	_ =	sdelay $0x2  }
0xc7: {  	s31 =	sshll.u32 s1, $0xD;
	s1 =	sshrl.u32 s1, $0x2  }
0xc8: {  	s4 =	sand.u32 $0x4000, s31;
	s1 =	sadd.s32 s1, s30  }
0xc9: {  	s0 =	sor.u32 s4, s0;
	s1 =	sshll.u32 s1, $0x11  }
0xca: {  	s0 =	sor.u32 s1, s0  }
0xcb: {  	s0 =	sadd.s32 $0x8F2B, s0  }
0xcc: {  	[sflag:s0] =	ssyncadd.remote.s32 $0x1  }
0xcd: {  	_ =	sfence.sel $0xFFFF  }
0xce: {  	[dreg:$0x0] =	wrdreg $0xFFFFFFFF;
	(pc) =	sbr.abs _section_cstart, $3  }
0xcf: {  	[dreg:$0x1] =	wrdreg $0xFFFFFFFF  }
0xd0: {  	_ =	task.clear_ibuf [dreg:s22], $0x2FFFF;
	_ =	strace $0x9FFFFFFF  }
0xd1: {  	(tm) =	ssettm $0x7FFFFFFF  }
tec
execute0_lowered:
.L_overlay_start_1:
0x0: {  	(tag) =	ssettag $0x1  }
0x1: {  	s0 =	rddreg [dreg:$0x0]  }
0x2: {  	s4 =	rddreg [dreg:$0x1]  }
0x3: {  	s1 =	srdreg.scid;
	[dreg:$0x3] =	wrdreg s0  }
0x4: {  	s2 =	simm.s32 $0x0;
	s10 =	simm.s32 $0x80;
	s0 =	rddreg [dreg:$0x2]  }
0x5: {  	s11 =	simm.s32 $0x0;
	s5 =	sand.u32 $0x1, s1;
	[smem:$0x7FF] =	sst s2  }
0x6: {  	s1 =	stileid.u32;
	s3 =	sshll.u32 s5, $0x4;
	_ =	strace $0x80000051  }
0x7: {  	s30 =	ssub.s32 $0x2, s5;
	s5 =	simm.s32 $0x13;
	s6 =	sor.u32 s1, s3  }
0x8: {  	[dreg:$0x4] =	wrdreg s10;
	s10 =	simm.s32 $0x5;
	s7 =	smul.u32 $0x12, s6  }
0x9: {  	s3 =	sadd.s32 $0x4A00, s4;
	s4 =	sadd.s32 $0x7000, s4;
	s8 =	smul.u32 $0x13, s6  }
0xa: {  	[dreg:$0x5] =	wrdreg s4;
	p0 =	slt.u32 s6, $0x18;
	s4 =	sadd.s32 $0x18, s7  }
0xb: {  	s31 =	sshrl.u32 s30, $0x1;
	s5 =	simm.s32 @!p0 $0x12;
	s4 =	smov.u32 @p0 s8  }
0xc: {  	s9 =	ssub.s32 s30, s31;
	s7 =	sadd.s32 $0xFFFFFFFF, s5;
	s8 =	sshll.u32 s4, $0x4  }
0xd: {  	s6 =	sadd.s32 s3, s8;
	s8 =	smax.u32 s9, $0x1;
	s9 =	simm.s32 $0x1  }
.LBB2_1:
0xe: {  	_ =	strace $0x80000052;
	p2 =	sne.s32 s5, $0x1  }
.Ltmp0:
0xf: {  	p0 =	seq.s32 s5, $0x1;
	s13 =	simm.s32 $0x1;
	(pc) =	sbr.rel @!p2 .LBB2_2-.Ltmp0, $4  }
0x10: {  	[tilespmem:s2], [sflag:$0x1] =	stream.linear.gather [hbm4b:s6+s2], $0x80, $0x200038;
	[tilespmem:$0x8100] =	vst v63  }
0x11: {  	s12 =	simm.s32 $0x1;
	p1 =	por $0x1, $0x1;
	s13 =	simm.s32 @p0 $0x0  }
0x12: {  	p6 =	sgt.u32 s7, $0x0;
	p4 =	por p1, p1;
	p3 =	sne.s32 s13, $0x0  }
0x13: {  	_ =	strace $0x90000052;
	p5 =	por !p6, !p3;
	p6 =	por $0x0, $0x0  }
0x14: {  	p2 =	por !p5, !p5  }
0x15: {  	s21 =	sand.u32 $0x1, s2;
	s19 =	simm.s32 $0x2;
	s14 =	sadd.s32 @p2 s4, s13  }
0x16: {  	p1 =	por p3, p3;
	s15 =	sand.u32 @p2 $0x1, s9;
	s14 =	sshll.u32 @p2 s14, $0x4  }
0x17: {  	_ =	strace @p2 $0x80000053;
	s17 =	simm.s32 @p2 $0x0;
	s14 =	sand.u32 @p2 $0x1FFFFFF0, s14  }
0x18: {  	s16 =	sshll.u32 @p2 s15, $0x7;
	s15 =	sadd.s32 @p2 $0x1, s15;
	s14 =	sadd.s32 @p2 s3, s14  }
0x19: {  	[tilespmem:s16], [sflag:s15] =	stream.linear.gather @p2 [hbm4b:s14+s17], $0x80, $0x200038;
	[tilespmem:$0x8100] =	vst v63  }
0x1a: {  	s30 =	simm.s32 $0x0;
	p6 =	por $0x0, $0x0;
	_ =	strace @p2 $0x90000053  }
0x1b: {  	p0 =	sne.s32 s5, $0x2;
	s29 =	sadd.s32 $0x1, s21;
	_ =	strace $0x80000054  }
0x1c: {  	s18 =	sadd.s32 $0x1, s13;
	s24 =	sadd.s32 $0x0, s4;
	_ =	swait.ge [sflag:s29], $0x80  }
0x1d: {  	p5 =	sgt.u32 s7, $0x1;
	p3 =	seq.s32 s18, s5;
	[sflag:s29] =	ssyncset.done $0x0  }
0x1e: {  	s23 =	simm.s32 $0x1;
	s18 =	simm.s32 @p3 $0x0;
	[sflag:s29] =	ssyncadd.s32 $0xFFFFFF80  }
0x1f: {  	s22 =	sshll.u32 s21, $0xE;
	p3 =	sne.s32 s13, s18;
	_ =	strace $0x90000054  }
0x20: {  	s22 =	sor.u32 $0x100, s22;
	p5 =	por !p5, !p3;
	_ =	strace $0x80000055  }
0x21: {  	s16 =	sand.u32 @!p4 $0x1, s2;
	s15 =	simm.s32 $0x1;
	s20 =	rddreg [dreg:$0x4]  }
0x22: {  	s14 =	sand.u32 $0x80, s30;
	s15 =	simm.s32 @!p2 $0x0;
	s31 =	rddreg [dreg:$0x3]  }
0x23: {  	[tilespmem:s22], [sflag:$0x5] =	stream.indirect.gather [hbm4b:s31+s20], $0x80, s14, s20, $0x2000b8;
	[tilespmem:$0x8100] =	vst v63  }
.Ltmp1:
0x24: {  	p2 =	por p4, p4;
	p4 =	por p6, p6;
	(pc) =	sbr.rel @!p0 .LBB2_4-.Ltmp1, $4  }
0x25: {  	p6 =	seq.s32 s7, $0x0;
	s17 =	sadd.s32 $0x1, s15;
	_ =	swait.ge [sflag:s10], $0x4000  }
0x26: {  	p1 =	por p6, p1;
	p6 =	por $0x0, $0x0;
	[sflag:s10] =	ssyncset.done $0x0  }
0x27: {  	s15 =	simm.s32 $0x0;
	s23 =	simm.s32 @!p6 $0x0;
	[sflag:s10] =	ssyncadd.s32 $0xFFFFC000  }
0x28: {  	s14 =	simm.s32 $0x0;
	s20 =	simm.s32 $0x0;
	_ =	strace $0x90000055  }
.LBB2_5:
0x29: {  	_ =	strace @p1 $0x80000056;
	s14 =	sadd.s32 s23, s14;
	s23 =	smov.u32 s12  }
0x2a: {  	s12 =	smov.u32 s19;
	s19 =	sadd.s32 $0x1, s19;
	p0 =	por p3, p3  }
0x2b: {  	s29 =	sshll.u32 @p1 s24, $0xB;
	s21 =	sadd.s32 @p1 $0x3, s21;
	s25 =	simm.s32 @!p0 $0x0  }
0x2c: {  	s26 =	rddreg [dreg:$0x5];
	s29 =	sand.u32 @p1 $0x1FFFF800, s29;
	s25 =	simm.s32 @p0 $0x1  }
0x2d: {  	s26 =	sadd.s32 @p1 s26, s29;
	s29 =	simm.s32 @p1 $0x0;
	p0 =	sne.s32 s5, s19  }
0x2e: {  	[hbm4b:s26+s29] =	stream.linear.scatter @p1 [tilespmem:s22], [sflag:s21], $0x4000, $0x200038;
	[tilespmem:$0x8100] =	vst v63  }
0x2f: {  	s21 =	sadd.s32 @!p2 $0x3, s16;
	s16 =	simm.s32 @!p0 $0x0  }
0x30: {  	s28 =	simm.s32 $0x1;
	[smem:$0x7FC] =	sst s25;
	s16 =	simm.s32 @p0 $0x1  }
0x31: {  	s28 =	simm.s32 @!p1 $0x0;
	_ =	strace @p1 $0x90000056;
	[smem:$0x7FD] =	sst s16  }
0x32: {  	s20 =	sadd.s32 s28, s20;
	p1 =	por !p5, !p5;
	_ =	strace @!p2 $0x80000057  }
0x33: {  	s25 =	sand.u32 @!p4 $0x1, s14;
	s22 =	sadd.s32 @p1 s4, s18;
	_ =	swait.ge @!p2 [sflag:s21], $0x4000  }
0x34: {  	s16 =	smov.u32 s25;
	s22 =	sshll.u32 @p1 s22, $0x4;
	[sflag:s21] =	ssyncset.done @!p2 $0x0  }
0x35: {  	s25 =	sand.u32 @p1 $0x1, s17;
	s22 =	sand.u32 @p1 $0x1FFFFFF0, s22;
	[sflag:s21] =	ssyncadd.s32 @!p2 $0xFFFFC000  }
0x36: {  	s26 =	sshll.u32 @p1 s25, $0x7;
	s22 =	sadd.s32 @p1 s3, s22;
	_ =	strace @!p2 $0x90000057  }
0x37: {  	s21 =	sadd.s32 @p1 $0x1, s25;
	s25 =	simm.s32 @p1 $0x0;
	_ =	strace @p1 $0x80000053  }
0x38: {  	[tilespmem:s26], [sflag:s21] =	stream.linear.gather @p1 [hbm4b:s22+s25], $0x80, $0x200038;
	[tilespmem:$0x8100] =	vst v63  }
0x39: {  	s15 =	sadd.s32 s28, s15;
	s28 =	sand.u32 $0x1, s20;
	_ =	strace @p1 $0x90000053  }
0x3a: {  	s28 =	sadd.s32 $0x1, s28;
	_ =	strace $0x80000054  }
0x3b: {  	_ =	swait.ge [sflag:s28], $0x80  }
0x3c: {  	[sflag:s28] =	ssyncset.done $0x0  }
0x3d: {  	s21 =	simm.s32 $0x1;
	[sflag:s28] =	ssyncadd.s32 $0xFFFFFF80  }
0x3e: {  	s21 =	simm.s32 @!p1 $0x0;
	_ =	strace $0x90000054  }
0x3f: {  	s17 =	sadd.s32 s21, s17;
	s21 =	sand.u32 $0x1, s15;
	_ =	strace $0x80000055  }
0x40: {  	s31 =	sshll.u32 s20, $0x7;
	s29 =	sshll.u32 s21, $0xE;
	s25 =	rddreg [dreg:$0x4]  }
0x41: {  	s31 =	sand.u32 $0x80, s31;
	s22 =	sor.u32 $0x100, s29;
	s26 =	rddreg [dreg:$0x3]  }
0x42: {  	[tilespmem:s22], [sflag:$0x5] =	stream.indirect.gather [hbm4b:s26+s25], $0x80, s31, s25, $0x2000b8;
	[tilespmem:$0x8100] =	vst v63  }
0x43: {  	_ =	swait.ge [sflag:s10], $0x4000  }
0x44: {  	[sflag:s10] =	ssyncset.done $0x0  }
0x45: {  	[sflag:s10] =	ssyncadd.s32 $0xFFFFC000  }
0x46: {  	s30 =	sadd.s32 $0x1, s18;
	_ =	strace $0x90000055  }
0x47: {  	s24 =	sadd.s32 s4, s13;
	s13 =	smov.u32 s18;
	s31 =	sld [smem:$0x7FD]  }
0x48: {  	p0 =	sne.s32 s23, $0x0;
	s18 =	smov.u32 s30;
	p1 =	seq.s32 s30, s5  }
0x49: {  	s18 =	simm.s32 @p1 $0x0;
	p1 =	seq.s32 s7, s23;
	s23 =	simm.s32 $0x1  }
0x4a: {  	s23 =	simm.s32 @!p0 $0x0;
	p0 =	seq.s32 s31, $0x1  }
.Ltmp2:
0x4b: {  	s30 =	sld [smem:$0x7FC];
	(pc) =	sbr.rel @p0 .LBB2_5-.Ltmp2, $4  }
0x4c: {  	p3 =	seq.s32 s12, $0x0  }
0x4d: {  	p6 =	por p3, p3;
	p5 =	slt.u32 s12, s7  }
0x4e: {  	p2 =	por p4, p4;
	p3 =	sne.s32 s13, s18;
	p4 =	seq.s32 s30, $0x1  }
0x4f: {  	p5 =	por !p5, !p3;
	p1 =	por p1, p4;
	p4 =	por p6, p6  }
0x50: {  	p6 =	por $0x1, $0x1  }
.LBB2_7:
0x51: {  	p0 =	por !p1, !p6  }
0x52: {  	s25 =	simm.s32 $0x1;
	_ =	strace @!p0 $0x80000056;
	s24 =	sshll.u32 @!p0 s24, $0xB  }
0x53: {  	p2 =	por p2, !p6;
	s19 =	rddreg [dreg:$0x5];
	s24 =	sand.u32 @!p0 $0x1FFFF800, s24  }
0x54: {  	s21 =	sadd.s32 @!p0 $0x3, s21;
	s19 =	sadd.s32 @!p0 s19, s24;
	s24 =	simm.s32 @!p0 $0x0  }
0x55: {  	[hbm4b:s19+s24] =	stream.linear.scatter @!p0 [tilespmem:s22], [sflag:s21], $0x4000, $0x200038;
	[tilespmem:$0x8100] =	vst v63  }
0x56: {  	p1 =	por !p5, !p5;
	s25 =	simm.s32 @p0 $0x0;
	_ =	strace @!p0 $0x90000056  }
0x57: {  	s16 =	sadd.s32 @!p2 $0x3, s16;
	s18 =	sadd.s32 @p1 s4, s18;
	_ =	strace @!p2 $0x80000057  }
0x58: {  	s17 =	sand.u32 @p1 $0x1, s17;
	s18 =	sshll.u32 @p1 s18, $0x4;
	_ =	swait.ge @!p2 [sflag:s16], $0x4000  }
0x59: {  	s19 =	sadd.s32 @p6 s25, s20;
	s20 =	simm.s32 $0x0;
	[sflag:s16] =	ssyncset.done @!p2 $0x0  }
0x5a: {  	s20 =	smov.u32 @p6 s19;
	s19 =	sshll.u32 @p1 s17, $0x7;
	[sflag:s16] =	ssyncadd.s32 @!p2 $0xFFFFC000  }
0x5b: {  	s16 =	sadd.s32 @p1 $0x1, s17;
	s17 =	sand.u32 @p1 $0x1FFFFFF0, s18;
	_ =	strace @!p2 $0x90000057  }
0x5c: {  	s18 =	simm.s32 @p1 $0x0;
	s17 =	sadd.s32 @p1 s3, s17;
	_ =	strace @p1 $0x80000053  }
0x5d: {  	[tilespmem:s19], [sflag:s16] =	stream.linear.gather @p1 [hbm4b:s17+s18], $0x80, $0x200038;
	[tilespmem:$0x8100] =	vst v63  }
0x5e: {  	s26 =	sand.u32 $0x1, s20;
	_ =	strace @p1 $0x90000053  }
0x5f: {  	s16 =	sadd.s32 $0x1, s26;
	_ =	strace $0x80000054  }
0x60: {  	_ =	swait.ge [sflag:s16], $0x80  }
0x61: {  	[sflag:s16] =	ssyncset.done $0x0  }
0x62: {  	s15 =	sadd.s32 @p6 s25, s15;
	[sflag:s16] =	ssyncadd.s32 $0xFFFFFF80;
	s16 =	simm.s32 $0x0  }
0x63: {  	_ =	strace $0x90000054;
	s16 =	smov.u32 @p6 s15  }
0x64: {  	_ =	strace $0x80000055;
	s16 =	sand.u32 $0x1, s16  }
0x65: {  	s30 =	sshll.u32 s20, $0x7;
	s28 =	rddreg [dreg:$0x4];
	s31 =	sshll.u32 s16, $0xE  }
0x66: {  	s18 =	sand.u32 $0x80, s30;
	s29 =	rddreg [dreg:$0x3];
	s19 =	sor.u32 $0x100, s31  }
0x67: {  	[tilespmem:s19], [sflag:$0x5] =	stream.indirect.gather [hbm4b:s29+s28], $0x80, s18, s28, $0x2000b8;
	[tilespmem:$0x8100] =	vst v63  }
0x68: {  	_ =	swait.ge [sflag:s10], $0x4000  }
0x69: {  	p3 =	por p3, p3;
	[sflag:s10] =	ssyncset.done $0x0  }
0x6a: {  	p5 =	seq.s32 s7, s12;
	s13 =	sadd.s32 s4, s13;
	[sflag:s10] =	ssyncadd.s32 $0xFFFFC000  }
0x6b: {  	s14 =	sadd.s32 @p6 s23, s14;
	p1 =	por p5, p3;
	_ =	strace $0x90000055  }
0x6c: {  	s17 =	simm.s32 $0x0;
	s13 =	sshll.u32 @p1 s13, $0xB;
	_ =	strace @p1 $0x80000056  }
0x6d: {  	s17 =	smov.u32 @p6 s14;
	s13 =	sand.u32 @p1 $0x1FFFF800, s13;
	s15 =	rddreg [dreg:$0x5]  }
0x6e: {  	s14 =	sadd.s32 @p1 $0x3, s16;
	s13 =	sadd.s32 @p1 s15, s13;
	s15 =	simm.s32 @p1 $0x0  }
0x6f: {  	[hbm4b:s13+s15] =	stream.linear.scatter @p1 [tilespmem:s19], [sflag:s14], $0x4000, $0x200038;
	[tilespmem:$0x8100] =	vst v63  }
0x70: {  	p0 =	por p4, p4;
	s13 =	sand.u32 @!p4 $0x1, s17;
	_ =	strace @p1 $0x90000056  }
0x71: {  	s13 =	sadd.s32 @!p0 $0x3, s13;
	_ =	strace @!p0 $0x80000057  }
0x72: {  	p1 =	sne.s32 s12, $0x0;
	s12 =	simm.s32 $0x1;
	_ =	swait.ge @!p0 [sflag:s13], $0x4000  }
0x73: {  	s12 =	simm.s32 @!p1 $0x0;
	[sflag:s13] =	ssyncset.done @!p0 $0x0  }
0x74: {  	s11 =	sadd.s32 $0x1, s11;
	s12 =	sadd.s32 s12, s17;
	[sflag:s13] =	ssyncadd.s32 @!p0 $0xFFFFC000  }
0x75: {  	s12 =	sand.u32 $0x1, s12;
	_ =	strace @!p0 $0x90000057;
	p0 =	sne.s32 s11, s8  }
.Ltmp3:
0x76: {  	s12 =	sadd.s32 $0x3, s12;
	_ =	strace $0x80000058;
	(pc) =	sbr.rel @p0 .LBB2_1-.Ltmp3, $4  }
.Ltmp4:
0x77: {  	_ =	swait.ge [sflag:s12], $0x4000;
	(pc) =	sbr.rel @!p0 .LBB2_8-.Ltmp4, $4  }
0x78: {  	[sflag:s12] =	ssyncset.done $0x0  }
0x79: {  	[sflag:s12] =	ssyncadd.s32 $0xFFFFC000  }
0x7a: {  	_ =	strace $0x90000058  }
0x7b: {  	_ = 	snop  }
.LBB2_2:
.Ltmp5:
0x7c: {  	(pc) =	sbr.rel .LBB2_7-.Ltmp5, $4  }
0x7d: {  	_ = 	snop  }
0x7e: {  	s14 =	simm.s32 $0x0  }
0x7f: {  	s12 =	simm.s32 $0x0;
	s15 =	simm.s32 $0x0;
	s18 =	smov.u32 s13  }
0x80: {  	s20 =	simm.s32 $0x0;
	s17 =	simm.s32 $0x1;
	s13 =	simm.s32 $0x0  }
.LBB2_4:
.Ltmp6:
0x81: {  	(pc) =	sbr.rel .LBB2_7-.Ltmp6, $3  }
0x82: {  	_ =	sdelay $0x1  }
0x83: {  	s14 =	simm.s32 $0x0  }
0x84: {  	s15 =	simm.s32 $0x0;
	s20 =	simm.s32 $0x0;
	p6 =	por $0x1, $0x1  }
.LBB2_8:
0x85: {  	_ =	sfence.sel $0x180000  }
0x86: {  	[bflag:$0x0] =	sbarrier.arrive $0xFFFF  }
0x87: {  	p0 =	sne.s32 s1, $0x0;
	_ =	strace $0x90000051  }
0x88: {  	s0 =	sadd.s32 @!p0 $0x100000, s0;
	[bflag:$0x2] =	sbarrier.arrive $0xFFFF  }
0x89: {  	[sflag:s0] =	ssyncadd.tile.s32 @!p0 $0x1;
	_ =	shalt  }
.Lfunc_end2:
_tile_overlayer_lowered:
.L_overlay_start_2:
0x8a: {  	(tag) =	ssettag $0x2  }
0x8b: {  	s0 =	rddreg [dreg:$0x0];
	s2 =	stileid.u32  }
0x8c: {  	s1 =	rddreg [dreg:$0x1];
	p0 =	sne.s32 s2, $0x0  }
0x8d: {  	s3 =	rddreg [dreg:$0x2];
	[bflag:$0x3] =	sbarrier.arrive $0xFFFF;
	s2 =	simm.s32 @!p0 $0x1C01  }
0x8e: {  	[timem:s3], [sflag:s2] =	dma.local @!p0 [hbm:s0], s1  }
0x8f: {  	s0 =	simm.s32 @!p0 $0x1  }
0x90: {  	_ =	swait.ge @!p0 [sflag:s0], s1  }
0x91: {  	s1 =	ssub.s32 @!p0 $0x0, s1;
	[sflag:s0] =	ssyncset.done @!p0 $0x0  }
0x92: {  	[sflag:s0] =	ssyncadd.s32 @!p0 s1  }
0x93: {  	[bflag:$0x3] =	sbarrier.arrive $0xFFFF  }
0x94: {  	_ =	shalt  }

// kernel: kernel.14.cloned.1.call-start
scs
__scs_entry_jumppad:
0x0: {  	(pc) =	sbr.rel $0x88, $3  }
0x1: {  	(tag) =	ssettag $0x0;
	lr =	simm.s32 $0x1  }
0x2: {  	[smem:$0x3F99] =	sst lr;
	_ =	strace $0xD0000000  }
0x3: {  	_ = 	snop  }
0x4: {  	_ = 	snop  }
0x5: {  	_ = 	snop  }
0x6: {  	_ = 	snop  }
0x7: {  	_ = 	snop  }
__scs_overlays_trampoline_lowered:
0x8: {  	[smem:$0x3FA8] =	sst s0  }
0x9: {  	[smem:$0x3FA9] =	sst s1  }
0xa: {  	[smem:$0x3FAA] =	sst s2  }
0xb: {  	[smem:$0x3FAB] =	sst s3  }
0xc: {  	[smem:$0x3FAC] =	sst s4  }
0xd: {  	[smem:$0x3FAD] =	sst s5  }
0xe: {  	[smem:$0x3FAE] =	sst s6  }
0xf: {  	[smem:$0x3FAF] =	sst s7  }
0x10: {  	[smem:$0x3FB0] =	sst s8  }
0x11: {  	[smem:$0x3FB1] =	sst s9;
	s0 =	simm.s32 @!p0 $0x0  }
0x12: {  	s1 =	sld [smem:$0x3F97];
	s0 =	simm.s32 @p0 $0x1  }
0x13: {  	[smem:$0x3FB2] =	sst s0;
	s0 =	simm.s32 @!p1 $0x0  }
0x14: {  	s2 =	sld [smem:$0x3F96];
	s0 =	simm.s32 @p1 $0x1  }
0x15: {  	[smem:$0x3FB3] =	sst s0;
	s0 =	simm.s32 @!p2 $0x0  }
0x16: {  	s3 =	sld [smem:$0x3FDB];
	s0 =	simm.s32 @p2 $0x1  }
0x17: {  	s4 =	simm.s32 $0x1BF5;
	[smem:$0x3FB5] =	sst s0  }
0x18: {  	s0 =	sld [smem:$0x3F98];
	_ =	swait.ge [sflag:s4], $0x0  }
0x19: {  	s7 =	sld [smem:$0x3F99]  }
0x1a: {  	s8 =	sadd.s32 $0xFFFFE003, lr  }
0x1b: {  	s9 =	sadd.s32 $0xFFFFFEF7, lr;
	s5 =	simm.s32 $0xFFFFFFFF;
	p2 =	slt.u32 s8, $0xFFFFF086  }
0x1c: {  	p1 =	slt.u32 s9, $0xF7A;
	s5 =	simm.s32 @!p2 $0x0  }
0x1d: {  	s5 =	simm.s32 @p1 $0x1;
	p0 =	seq.s32 s7, s2  }
0x1e: {  	s7 =	smul.u32 @!p0 $0xF7A, s2;
	p2 =	seq.s32 @!p0 s5, $0x0  }
0x1f: {  	s9 =	smul.u32 $0xF7A, s1;
	s8 =	simm.s32 @!p0 $0x1BF5;
	p2 =	por !p2, p0  }
0x20: {  	[sflag:s8] =	ssyncset.s32 @!p0 $0xFFFFF086;
	s6 =	sadd.s32 @!p0 s3, s7;
	s7 =	simm.s32 @!p0 $0x108  }
0x21: {  	s3 =	sadd.s32 s3, s9;
	s6 =	sadd.s32 @!p0 $0x88, s6;
	s7 =	simm.s32 @p2 $0x1082  }
0x22: {  	[simem:s7], [sflag:s8] =	dma.local @!p0 [hbm:s6], $0xF7A  }
0x23: {  	s9 =	sor.u32 $0xD0000000, s2;
	s6 =	simm.s32 $0x108;
	_ =	swait.ge @!p0 [sflag:s8], $0x0  }
0x24: {  	s3 =	sadd.s32 $0x88, s3;
	s6 =	simm.s32 @!p1 $0x1082;
	[sflag:s4] =	ssyncset.s32 $0xFFFFF086  }
0x25: {  	[simem:s6], [sflag:s4] =	dma.local [hbm:s3], $0xF7A  }
0x26: {  	[smem:$0x3F99] =	sst s1;
	(tag) =	ssettag s2;
	_ =	strace s9  }
0x27: {  	s1 =	sld [smem:$0x3FA9]  }
0x28: {  	s2 =	sld [smem:$0x3FAA]  }
0x29: {  	s4 =	sld [smem:$0x3FAC]  }
0x2a: {  	p0 =	seq.s32 s5, $0x0;
	s5 =	sld [smem:$0x3FAD]  }
0x2b: {  	s6 =	sld [smem:$0x3FAE]  }
0x2c: {  	s7 =	sld [smem:$0x3FAF]  }
0x2d: {  	s3 =	simm.s32 $0x108;
	s8 =	sld [smem:$0x3FB0]  }
0x2e: {  	s3 =	simm.s32 @!p0 $0x1082;
	s9 =	sld [smem:$0x3FB1]  }
0x2f: {  	lr =	sadd.s32 s0, s3;
	s0 =	sld [smem:$0x3FA8]  }
0x30: {  	s3 =	sld [smem:$0x3FAB]  }
0x31: {  	[smem:$0x3FB4] =	sst s10  }
0x32: {  	s10 =	sld [smem:$0x3FB2];
	_ =	sdelay $0x3  }
0x33: {  	p0 =	seq.s32 s10, $0x1;
	s10 =	sld [smem:$0x3FB4];
	_ =	sdelay $0x3  }
0x34: {  	[smem:$0x3FB4] =	sst s10  }
0x35: {  	s10 =	sld [smem:$0x3FB3];
	_ =	sdelay $0x3  }
0x36: {  	p1 =	seq.s32 s10, $0x1;
	s10 =	sld [smem:$0x3FB4];
	_ =	sdelay $0x3  }
0x37: {  	[smem:$0x3FB4] =	sst s10  }
0x38: {  	s10 =	sld [smem:$0x3FB5]  }
0x39: {  	_ = 	snop;
	(pc) =	sbr.ind lr, $3  }
0x3a: {  	_ = 	snop  }
0x3b: {  	_ = 	snop  }
0x3c: {  	p2 =	seq.s32 s10, $0x1;
	s10 =	sld [smem:$0x3FB4]  }
0x3d: {  	_ =	shalt  }
0x3e: {  	_ =	shalt  }
0x3f: {  	_ =	shalt  }
0x40: {  	_ =	shalt  }
0x41: {  	_ =	shalt  }
0x42: {  	_ =	shalt  }
0x43: {  	_ =	shalt  }
0x44: {  	_ =	shalt  }
0x45: {  	_ =	shalt  }
0x46: {  	_ =	shalt  }
0x47: {  	_ =	shalt  }
0x48: {  	_ =	shalt  }
0x49: {  	_ =	shalt  }
0x4a: {  	_ =	shalt  }
0x4b: {  	_ =	shalt  }
0x4c: {  	_ =	shalt  }
0x4d: {  	_ =	shalt  }
0x4e: {  	_ =	shalt  }
0x4f: {  	_ =	shalt  }
0x50: {  	_ =	shalt  }
0x51: {  	_ =	shalt  }
0x52: {  	_ =	shalt  }
0x53: {  	_ =	shalt  }
0x54: {  	_ =	shalt  }
0x55: {  	_ =	shalt  }
0x56: {  	_ =	shalt  }
0x57: {  	_ =	shalt  }
0x58: {  	_ =	shalt  }
0x59: {  	_ =	shalt  }
0x5a: {  	_ =	shalt  }
0x5b: {  	_ =	shalt  }
0x5c: {  	_ =	shalt  }
0x5d: {  	_ =	shalt  }
0x5e: {  	_ =	shalt  }
0x5f: {  	_ =	shalt  }
0x60: {  	_ =	shalt  }
0x61: {  	_ =	shalt  }
0x62: {  	_ =	shalt  }
0x63: {  	_ =	shalt  }
0x64: {  	_ =	shalt  }
0x65: {  	_ =	shalt  }
0x66: {  	_ =	shalt  }
0x67: {  	_ =	shalt  }
0x68: {  	_ =	shalt  }
0x69: {  	_ =	shalt  }
0x6a: {  	_ =	shalt  }
0x6b: {  	_ =	shalt  }
0x6c: {  	_ =	shalt  }
0x6d: {  	_ =	shalt  }
0x6e: {  	_ =	shalt  }
0x6f: {  	_ =	shalt  }
0x70: {  	_ =	shalt  }
0x71: {  	_ =	shalt  }
0x72: {  	_ =	shalt  }
0x73: {  	_ =	shalt  }
0x74: {  	_ =	shalt  }
0x75: {  	_ =	shalt  }
0x76: {  	_ =	shalt  }
0x77: {  	_ =	shalt  }
0x78: {  	_ =	shalt  }
0x79: {  	_ =	shalt  }
0x7a: {  	_ =	shalt  }
0x7b: {  	_ =	shalt  }
0x7c: {  	_ =	shalt  }
0x7d: {  	_ =	shalt  }
0x7e: {  	_ =	shalt  }
0x7f: {  	_ =	shalt  }
0x80: {  	_ =	shalt  }
0x81: {  	_ =	shalt  }
0x82: {  	_ =	shalt  }
0x83: {  	_ =	shalt  }
0x84: {  	_ =	shalt  }
0x85: {  	_ =	shalt  }
0x86: {  	_ =	shalt  }
0x87: {  	_ =	shalt  }
.Lfunc_end0:
.L_simem_size_0:
called_computation.2_lowered:
.L_overlay_start_0:
0x88: {  	s2 =	sld [smem:$0x3FD9]  }
0x89: {  	s3 =	sld [smem:$0x3FFE];
	_ =	sdelay $0x1  }
0x8a: {  	s1 =	srdreg.scid  }
0x8b: {  	s0 =	sand.u32 $0x1, s1  }
0x8c: {  	s17 =	sshll.u32 s0, $0xA;
	s2 =	sadd.s32 s3, s2  }
0x8d: {  	s2 =	sadd.s32 s2, s17  }
0x8e: {  	[smem:$0x3FC0] =	sst s2  }
0x8f: {  	_ = 	snop  }
0x90: {  	s18 =	sld [smem:$0x3FC7];
	(tm) =	ssettm $0x1  }
0x91: {  	s19 =	sld [smem:$0x3FFB];
	_ =	sdelay $0x3  }
0x92: {  	_ =	strace s19  }
0x93: {  	s2 =	sld [smem:$0x3FFC];
	_ =	sdelay $0x3  }
0x94: {  	_ =	strace s2  }
0x95: {  	s2 =	sld [smem:$0x3FFD];
	_ =	sdelay $0x3  }
0x96: {  	_ =	strace s2  }
0x97: {  	_ =	strace $0x8FFFFFFF  }
0x98: {  	s20 =	sld [smem:$0x3FDB];
	_ =	sdelay $0x1  }
0x99: {  	s4 =	simm.s32 $_scs_section_size  }
0x9a: {  	s5 =	simm.s32 $_size__tile_overlayer_lowered;
	s6 =	simm.s32 $_tile_overlayer_lowered  }
0x9b: {  	s7 =	simm.s32 $0x1BFF;
	s21 =	sshll.u32 s6, $0x1;
	s4 =	sadd.s32 s4, s20  }
0x9c: {  	s22 =	simm.s32 $0x0;
	s5 =	sshll.u32 s5, $0x1;
	s6 =	sadd.s32 s21, s4  }
0x9d: {  	[timem:s22], [sflag:s7] =	dma.local [hbm:s6], s5  }
0x9e: {  	_ =	swait.ge [sflag:s7], s5  }
0x9f: {  	s5 =	ssub.s32 $0x0, s5;
	[sflag:s7] =	ssyncset.done $0x0  }
0xa0: {  	[sflag:s7] =	ssyncadd.s32 s5;
	_ =	sdelay $0x1  }
0xa1: {  	s23 =	simm.s32 $0x1B8B  }
0xa2: {  	_ =	swait.ge [sflag:s23], $0x1  }
0xa3: {  	[sflag:s23] =	ssyncset.done $0x0  }
0xa4: {  	[sflag:s23] =	ssyncadd.s32 $0xFFFFFFFF  }
0xa5: {  	s5 =	sld [smem:$0x0]  }
0xa6: {  	s6 =	sand.u32 $0xFFFFFFFE, s1  }
0xa7: {  	p0 =	sne.s32 s1, s6  }
0xa8: {  	s6 =	sshll.u32 @p0 s6, $0xE  }
0xa9: {  	s6 =	sadd.s32 @p0 $0x11B8D, s6;
	s7 =	sshll.u32 @p0 s5, $0x11  }
0xaa: {  	s6 =	sor.u32 @p0 s7, s6  }
0xab: {  	[sflag:s6] =	ssyncadd.remote.s32 @p0 $0x1;
	_ =	sdelay $0x1  }
0xac: {  	s6 =	simm.s32 @p0 $0x1B8D  }
0xad: {  	_ =	swait.eq @p0 [sflag:s6], $0x1  }
0xae: {  	[sflag:s6] =	ssyncadd.s32 @p0 $0xFFFFFFFF  }
0xaf: {  	s7 =	sshll.u32 @!p0 s1, $0xE  }
0xb0: {  	s7 =	sor.u32 @!p0 $0x4000, s7;
	s6 =	simm.s32 @!p0 $0x1B8D  }
0xb1: {  	s5 =	sshll.u32 @!p0 s5, $0x11;
	s7 =	sadd.s32 @!p0 $0x11B8D, s7;
	_ =	swait.eq @!p0 [sflag:s6], $0x1  }
0xb2: {  	s5 =	sor.u32 @!p0 s5, s7;
	[sflag:s6] =	ssyncadd.s32 @!p0 $0xFFFFFFFF  }
0xb3: {  	s25 =	simm.s32 $0x1B8E;
	s24 =	sld [smem:$0x3FFE];
	[sflag:s5] =	ssyncadd.remote.s32 @!p0 $0x1  }
0xb4: {  	s26 =	simm.s32 $execute0_lowered;
	[smem:$0x3FD2] =	sst s25  }
0xb5: {  	s6 =	sshll.u32 s26, $0x1;
	_ =	strace $0x8000005A;
	[dreg:$0x1] =	wrdreg $0xFFFFFFFF  }
0xb6: {  	s28 =	simm.s32 $_size_execute0_lowered;
	s4 =	sadd.s32 s4, s6;
	[dreg:$0x0] =	wrdreg $0x0  }
0xb7: {  	s6 =	sshll.u32 s28, $0x1;
	[dreg:$0x2] =	wrdreg s4  }
0xb8: {  	[dreg:$0x3] =	wrdreg s6  }
0xb9: {  	[dreg:$0x4] =	wrdreg $0xC0  }
0xba: {  	_ =	task [dreg:s22], $0x5FFFF  }
0xbb: {  	[dreg:$0x1] =	wrdreg $0xFFFFFFFF  }
0xbc: {  	[dreg:$0x0] =	wrdreg $0x60  }
0xbd: {  	[dreg:$0x2] =	wrdreg s18  }
0xbe: {  	[dreg:$0x3] =	wrdreg s24  }
0xbf: {  	[dreg:$0x4] =	wrdreg $0xB  }
0xc0: {  	_ =	task.clear_ibuf [dreg:s22], $0x5FFFF;
	_ =	strace $0x9000005A  }
0xc1: {  	s29 =	simm.s32 $0xB;
	_ =	strace $0x80000063  }
0xc2: {  	_ =	swait.ge [sflag:s29], $0x1  }
0xc3: {  	[sflag:s29] =	ssyncadd.s32 $0xFFFFFFFF  }
0xc4: {  	_ =	strace $0x90000063  }
0xc5: {  	_ =	sfence  }
0xc6: {  	s30 =	sld [smem:$0x0];
	_ =	sdelay $0x2  }
0xc7: {  	s31 =	sshll.u32 s1, $0xD;
	s1 =	sshrl.u32 s1, $0x2  }
0xc8: {  	s4 =	sand.u32 $0x4000, s31;
	s1 =	sadd.s32 s1, s30  }
0xc9: {  	s0 =	sor.u32 s4, s0;
	s1 =	sshll.u32 s1, $0x11  }
0xca: {  	s0 =	sor.u32 s1, s0  }
0xcb: {  	s0 =	sadd.s32 $0x8F2B, s0  }
0xcc: {  	[sflag:s0] =	ssyncadd.remote.s32 $0x1  }
0xcd: {  	_ =	sfence.sel $0xFFFF  }
0xce: {  	[dreg:$0x0] =	wrdreg $0xFFFFFFFF;
	(pc) =	sbr.abs _section_cstart, $3  }
0xcf: {  	[dreg:$0x1] =	wrdreg $0xFFFFFFFF  }
0xd0: {  	_ =	task.clear_ibuf [dreg:s22], $0x2FFFF;
	_ =	strace $0x9FFFFFFF  }
0xd1: {  	(tm) =	ssettm $0x7FFFFFFF  }
tec
execute0_lowered:
.L_overlay_start_1:
0x0: {  	(tag) =	ssettag $0x1  }
0x1: {  	s0 =	rddreg [dreg:$0x0]  }
0x2: {  	s4 =	rddreg [dreg:$0x1]  }
0x3: {  	s1 =	srdreg.scid;
	[dreg:$0x3] =	wrdreg s0  }
0x4: {  	s2 =	simm.s32 $0x0;
	s10 =	simm.s32 $0x80;
	s0 =	rddreg [dreg:$0x2]  }
0x5: {  	s11 =	simm.s32 $0x0;
	s5 =	sand.u32 $0x1, s1;
	[smem:$0x7FF] =	sst s2  }
0x6: {  	s1 =	stileid.u32;
	s3 =	sshll.u32 s5, $0x4;
	_ =	strace $0x8000005B  }
0x7: {  	s30 =	ssub.s32 $0x2, s5;
	s5 =	simm.s32 $0x7;
	s6 =	sor.u32 s1, s3  }
0x8: {  	[dreg:$0x4] =	wrdreg s10;
	s10 =	simm.s32 $0x5;
	s7 =	smul.u32 $0x6, s6  }
0x9: {  	s3 =	sadd.s32 $0x133000, s4;
	s4 =	sadd.s32 $0x133E00, s4;
	s8 =	smul.u32 $0x7, s6  }
0xa: {  	[dreg:$0x5] =	wrdreg s4;
	p0 =	slt.u32 s6, $0x8;
	s4 =	sadd.s32 $0x8, s7  }
0xb: {  	s31 =	sshrl.u32 s30, $0x1;
	s5 =	simm.s32 @!p0 $0x6;
	s4 =	smov.u32 @p0 s8  }
0xc: {  	s9 =	ssub.s32 s30, s31;
	s7 =	sadd.s32 $0xFFFFFFFF, s5;
	s8 =	sshll.u32 s4, $0x4  }
0xd: {  	s6 =	sadd.s32 s3, s8;
	s8 =	smax.u32 s9, $0x1;
	s9 =	simm.s32 $0x1  }
.LBB2_1:
0xe: {  	_ =	strace $0x8000005C;
	p2 =	sne.s32 s5, $0x1  }
.Ltmp0:
0xf: {  	p0 =	seq.s32 s5, $0x1;
	s13 =	simm.s32 $0x1;
	(pc) =	sbr.rel @!p2 .LBB2_2-.Ltmp0, $4  }
0x10: {  	[tilespmem:s2], [sflag:$0x1] =	stream.linear.gather [hbm4b:s6+s2], $0x80, $0x200038;
	[tilespmem:$0x8100] =	vst v63  }
0x11: {  	s12 =	simm.s32 $0x1;
	p1 =	por $0x1, $0x1;
	s13 =	simm.s32 @p0 $0x0  }
0x12: {  	p6 =	sgt.u32 s7, $0x0;
	p4 =	por p1, p1;
	p3 =	sne.s32 s13, $0x0  }
0x13: {  	_ =	strace $0x9000005C;
	p5 =	por !p6, !p3;
	p6 =	por $0x0, $0x0  }
0x14: {  	p2 =	por !p5, !p5  }
0x15: {  	s21 =	sand.u32 $0x1, s2;
	s19 =	simm.s32 $0x2;
	s14 =	sadd.s32 @p2 s4, s13  }
0x16: {  	p1 =	por p3, p3;
	s15 =	sand.u32 @p2 $0x1, s9;
	s14 =	sshll.u32 @p2 s14, $0x4  }
0x17: {  	_ =	strace @p2 $0x8000005D;
	s17 =	simm.s32 @p2 $0x0;
	s14 =	sand.u32 @p2 $0x1FFFFFF0, s14  }
0x18: {  	s16 =	sshll.u32 @p2 s15, $0x7;
	s15 =	sadd.s32 @p2 $0x1, s15;
	s14 =	sadd.s32 @p2 s3, s14  }
0x19: {  	[tilespmem:s16], [sflag:s15] =	stream.linear.gather @p2 [hbm4b:s14+s17], $0x80, $0x200038;
	[tilespmem:$0x8100] =	vst v63  }
0x1a: {  	s30 =	simm.s32 $0x0;
	p6 =	por $0x0, $0x0;
	_ =	strace @p2 $0x9000005D  }
0x1b: {  	p0 =	sne.s32 s5, $0x2;
	s29 =	sadd.s32 $0x1, s21;
	_ =	strace $0x8000005E  }
0x1c: {  	s18 =	sadd.s32 $0x1, s13;
	s24 =	sadd.s32 $0x0, s4;
	_ =	swait.ge [sflag:s29], $0x80  }
0x1d: {  	p5 =	sgt.u32 s7, $0x1;
	p3 =	seq.s32 s18, s5;
	[sflag:s29] =	ssyncset.done $0x0  }
0x1e: {  	s23 =	simm.s32 $0x1;
	s18 =	simm.s32 @p3 $0x0;
	[sflag:s29] =	ssyncadd.s32 $0xFFFFFF80  }
0x1f: {  	s22 =	sshll.u32 s21, $0xE;
	p3 =	sne.s32 s13, s18;
	_ =	strace $0x9000005E  }
0x20: {  	s22 =	sor.u32 $0x100, s22;
	p5 =	por !p5, !p3;
	_ =	strace $0x8000005F  }
0x21: {  	s16 =	sand.u32 @!p4 $0x1, s2;
	s15 =	simm.s32 $0x1;
	s20 =	rddreg [dreg:$0x4]  }
0x22: {  	s14 =	sand.u32 $0x80, s30;
	s15 =	simm.s32 @!p2 $0x0;
	s31 =	rddreg [dreg:$0x3]  }
0x23: {  	[tilespmem:s22], [sflag:$0x5] =	stream.indirect.gather [hbm4b:s31+s20], $0x80, s14, s20, $0x2000b8;
	[tilespmem:$0x8100] =	vst v63  }
.Ltmp1:
0x24: {  	p2 =	por p4, p4;
	p4 =	por p6, p6;
	(pc) =	sbr.rel @!p0 .LBB2_4-.Ltmp1, $4  }
0x25: {  	p6 =	seq.s32 s7, $0x0;
	s17 =	sadd.s32 $0x1, s15;
	_ =	swait.ge [sflag:s10], $0x4000  }
0x26: {  	p1 =	por p6, p1;
	p6 =	por $0x0, $0x0;
	[sflag:s10] =	ssyncset.done $0x0  }
0x27: {  	s15 =	simm.s32 $0x0;
	s23 =	simm.s32 @!p6 $0x0;
	[sflag:s10] =	ssyncadd.s32 $0xFFFFC000  }
0x28: {  	s14 =	simm.s32 $0x0;
	s20 =	simm.s32 $0x0;
	_ =	strace $0x9000005F  }
.LBB2_5:
0x29: {  	_ =	strace @p1 $0x80000060;
	s14 =	sadd.s32 s23, s14;
	s23 =	smov.u32 s12  }
0x2a: {  	s12 =	smov.u32 s19;
	s19 =	sadd.s32 $0x1, s19;
	p0 =	por p3, p3  }
0x2b: {  	s29 =	sshll.u32 @p1 s24, $0xB;
	s21 =	sadd.s32 @p1 $0x3, s21;
	s25 =	simm.s32 @!p0 $0x0  }
0x2c: {  	s26 =	rddreg [dreg:$0x5];
	s29 =	sand.u32 @p1 $0x1FFFF800, s29;
	s25 =	simm.s32 @p0 $0x1  }
0x2d: {  	s26 =	sadd.s32 @p1 s26, s29;
	s29 =	simm.s32 @p1 $0x0;
	p0 =	sne.s32 s5, s19  }
0x2e: {  	[hbm4b:s26+s29] =	stream.linear.scatter @p1 [tilespmem:s22], [sflag:s21], $0x4000, $0x200038;
	[tilespmem:$0x8100] =	vst v63  }
0x2f: {  	s21 =	sadd.s32 @!p2 $0x3, s16;
	s16 =	simm.s32 @!p0 $0x0  }
0x30: {  	s28 =	simm.s32 $0x1;
	[smem:$0x7FC] =	sst s25;
	s16 =	simm.s32 @p0 $0x1  }
0x31: {  	s28 =	simm.s32 @!p1 $0x0;
	_ =	strace @p1 $0x90000060;
	[smem:$0x7FD] =	sst s16  }
0x32: {  	s20 =	sadd.s32 s28, s20;
	p1 =	por !p5, !p5;
	_ =	strace @!p2 $0x80000061  }
0x33: {  	s25 =	sand.u32 @!p4 $0x1, s14;
	s22 =	sadd.s32 @p1 s4, s18;
	_ =	swait.ge @!p2 [sflag:s21], $0x4000  }
0x34: {  	s16 =	smov.u32 s25;
	s22 =	sshll.u32 @p1 s22, $0x4;
	[sflag:s21] =	ssyncset.done @!p2 $0x0  }
0x35: {  	s25 =	sand.u32 @p1 $0x1, s17;
	s22 =	sand.u32 @p1 $0x1FFFFFF0, s22;
	[sflag:s21] =	ssyncadd.s32 @!p2 $0xFFFFC000  }
0x36: {  	s26 =	sshll.u32 @p1 s25, $0x7;
	s22 =	sadd.s32 @p1 s3, s22;
	_ =	strace @!p2 $0x90000061  }
0x37: {  	s21 =	sadd.s32 @p1 $0x1, s25;
	s25 =	simm.s32 @p1 $0x0;
	_ =	strace @p1 $0x8000005D  }
0x38: {  	[tilespmem:s26], [sflag:s21] =	stream.linear.gather @p1 [hbm4b:s22+s25], $0x80, $0x200038;
	[tilespmem:$0x8100] =	vst v63  }
0x39: {  	s15 =	sadd.s32 s28, s15;
	s28 =	sand.u32 $0x1, s20;
	_ =	strace @p1 $0x9000005D  }
0x3a: {  	s28 =	sadd.s32 $0x1, s28;
	_ =	strace $0x8000005E  }
0x3b: {  	_ =	swait.ge [sflag:s28], $0x80  }
0x3c: {  	[sflag:s28] =	ssyncset.done $0x0  }
0x3d: {  	s21 =	simm.s32 $0x1;
	[sflag:s28] =	ssyncadd.s32 $0xFFFFFF80  }
0x3e: {  	s21 =	simm.s32 @!p1 $0x0;
	_ =	strace $0x9000005E  }
0x3f: {  	s17 =	sadd.s32 s21, s17;
	s21 =	sand.u32 $0x1, s15;
	_ =	strace $0x8000005F  }
0x40: {  	s31 =	sshll.u32 s20, $0x7;
	s29 =	sshll.u32 s21, $0xE;
	s25 =	rddreg [dreg:$0x4]  }
0x41: {  	s31 =	sand.u32 $0x80, s31;
	s22 =	sor.u32 $0x100, s29;
	s26 =	rddreg [dreg:$0x3]  }
0x42: {  	[tilespmem:s22], [sflag:$0x5] =	stream.indirect.gather [hbm4b:s26+s25], $0x80, s31, s25, $0x2000b8;
	[tilespmem:$0x8100] =	vst v63  }
0x43: {  	_ =	swait.ge [sflag:s10], $0x4000  }
0x44: {  	[sflag:s10] =	ssyncset.done $0x0  }
0x45: {  	[sflag:s10] =	ssyncadd.s32 $0xFFFFC000  }
0x46: {  	s30 =	sadd.s32 $0x1, s18;
	_ =	strace $0x9000005F  }
0x47: {  	s24 =	sadd.s32 s4, s13;
	s13 =	smov.u32 s18;
	s31 =	sld [smem:$0x7FD]  }
0x48: {  	p0 =	sne.s32 s23, $0x0;
	s18 =	smov.u32 s30;
	p1 =	seq.s32 s30, s5  }
0x49: {  	s18 =	simm.s32 @p1 $0x0;
	p1 =	seq.s32 s7, s23;
	s23 =	simm.s32 $0x1  }
0x4a: {  	s23 =	simm.s32 @!p0 $0x0;
	p0 =	seq.s32 s31, $0x1  }
.Ltmp2:
0x4b: {  	s30 =	sld [smem:$0x7FC];
	(pc) =	sbr.rel @p0 .LBB2_5-.Ltmp2, $4  }
0x4c: {  	p3 =	seq.s32 s12, $0x0  }
0x4d: {  	p6 =	por p3, p3;
	p5 =	slt.u32 s12, s7  }
0x4e: {  	p2 =	por p4, p4;
	p3 =	sne.s32 s13, s18;
	p4 =	seq.s32 s30, $0x1  }
0x4f: {  	p5 =	por !p5, !p3;
	p1 =	por p1, p4;
	p4 =	por p6, p6  }
0x50: {  	p6 =	por $0x1, $0x1  }
.LBB2_7:
0x51: {  	p0 =	por !p1, !p6  }
0x52: {  	s25 =	simm.s32 $0x1;
	_ =	strace @!p0 $0x80000060;
	s24 =	sshll.u32 @!p0 s24, $0xB  }
0x53: {  	p2 =	por p2, !p6;
	s19 =	rddreg [dreg:$0x5];
	s24 =	sand.u32 @!p0 $0x1FFFF800, s24  }
0x54: {  	s21 =	sadd.s32 @!p0 $0x3, s21;
	s19 =	sadd.s32 @!p0 s19, s24;
	s24 =	simm.s32 @!p0 $0x0  }
0x55: {  	[hbm4b:s19+s24] =	stream.linear.scatter @!p0 [tilespmem:s22], [sflag:s21], $0x4000, $0x200038;
	[tilespmem:$0x8100] =	vst v63  }
0x56: {  	p1 =	por !p5, !p5;
	s25 =	simm.s32 @p0 $0x0;
	_ =	strace @!p0 $0x90000060  }
0x57: {  	s16 =	sadd.s32 @!p2 $0x3, s16;
	s18 =	sadd.s32 @p1 s4, s18;
	_ =	strace @!p2 $0x80000061  }
0x58: {  	s17 =	sand.u32 @p1 $0x1, s17;
	s18 =	sshll.u32 @p1 s18, $0x4;
	_ =	swait.ge @!p2 [sflag:s16], $0x4000  }
0x59: {  	s19 =	sadd.s32 @p6 s25, s20;
	s20 =	simm.s32 $0x0;
	[sflag:s16] =	ssyncset.done @!p2 $0x0  }
0x5a: {  	s20 =	smov.u32 @p6 s19;
	s19 =	sshll.u32 @p1 s17, $0x7;
	[sflag:s16] =	ssyncadd.s32 @!p2 $0xFFFFC000  }
0x5b: {  	s16 =	sadd.s32 @p1 $0x1, s17;
	s17 =	sand.u32 @p1 $0x1FFFFFF0, s18;
	_ =	strace @!p2 $0x90000061  }
0x5c: {  	s18 =	simm.s32 @p1 $0x0;
	s17 =	sadd.s32 @p1 s3, s17;
	_ =	strace @p1 $0x8000005D  }
0x5d: {  	[tilespmem:s19], [sflag:s16] =	stream.linear.gather @p1 [hbm4b:s17+s18], $0x80, $0x200038;
	[tilespmem:$0x8100] =	vst v63  }
0x5e: {  	s26 =	sand.u32 $0x1, s20;
	_ =	strace @p1 $0x9000005D  }
0x5f: {  	s16 =	sadd.s32 $0x1, s26;
	_ =	strace $0x8000005E  }
0x60: {  	_ =	swait.ge [sflag:s16], $0x80  }
0x61: {  	[sflag:s16] =	ssyncset.done $0x0  }
0x62: {  	s15 =	sadd.s32 @p6 s25, s15;
	[sflag:s16] =	ssyncadd.s32 $0xFFFFFF80;
	s16 =	simm.s32 $0x0  }
0x63: {  	_ =	strace $0x9000005E;
	s16 =	smov.u32 @p6 s15  }
0x64: {  	_ =	strace $0x8000005F;
	s16 =	sand.u32 $0x1, s16  }
0x65: {  	s30 =	sshll.u32 s20, $0x7;
	s28 =	rddreg [dreg:$0x4];
	s31 =	sshll.u32 s16, $0xE  }
0x66: {  	s18 =	sand.u32 $0x80, s30;
	s29 =	rddreg [dreg:$0x3];
	s19 =	sor.u32 $0x100, s31  }
0x67: {  	[tilespmem:s19], [sflag:$0x5] =	stream.indirect.gather [hbm4b:s29+s28], $0x80, s18, s28, $0x2000b8;
	[tilespmem:$0x8100] =	vst v63  }
0x68: {  	_ =	swait.ge [sflag:s10], $0x4000  }
0x69: {  	p3 =	por p3, p3;
	[sflag:s10] =	ssyncset.done $0x0  }
0x6a: {  	p5 =	seq.s32 s7, s12;
	s13 =	sadd.s32 s4, s13;
	[sflag:s10] =	ssyncadd.s32 $0xFFFFC000  }
0x6b: {  	s14 =	sadd.s32 @p6 s23, s14;
	p1 =	por p5, p3;
	_ =	strace $0x9000005F  }
0x6c: {  	s17 =	simm.s32 $0x0;
	s13 =	sshll.u32 @p1 s13, $0xB;
	_ =	strace @p1 $0x80000060  }
0x6d: {  	s17 =	smov.u32 @p6 s14;
	s13 =	sand.u32 @p1 $0x1FFFF800, s13;
	s15 =	rddreg [dreg:$0x5]  }
0x6e: {  	s14 =	sadd.s32 @p1 $0x3, s16;
	s13 =	sadd.s32 @p1 s15, s13;
	s15 =	simm.s32 @p1 $0x0  }
0x6f: {  	[hbm4b:s13+s15] =	stream.linear.scatter @p1 [tilespmem:s19], [sflag:s14], $0x4000, $0x200038;
	[tilespmem:$0x8100] =	vst v63  }
0x70: {  	p0 =	por p4, p4;
	s13 =	sand.u32 @!p4 $0x1, s17;
	_ =	strace @p1 $0x90000060  }
0x71: {  	s13 =	sadd.s32 @!p0 $0x3, s13;
	_ =	strace @!p0 $0x80000061  }
0x72: {  	p1 =	sne.s32 s12, $0x0;
	s12 =	simm.s32 $0x1;
	_ =	swait.ge @!p0 [sflag:s13], $0x4000  }
0x73: {  	s12 =	simm.s32 @!p1 $0x0;
	[sflag:s13] =	ssyncset.done @!p0 $0x0  }
0x74: {  	s11 =	sadd.s32 $0x1, s11;
	s12 =	sadd.s32 s12, s17;
	[sflag:s13] =	ssyncadd.s32 @!p0 $0xFFFFC000  }
0x75: {  	s12 =	sand.u32 $0x1, s12;
	_ =	strace @!p0 $0x90000061;
	p0 =	sne.s32 s11, s8  }
.Ltmp3:
0x76: {  	s12 =	sadd.s32 $0x3, s12;
	_ =	strace $0x80000062;
	(pc) =	sbr.rel @p0 .LBB2_1-.Ltmp3, $4  }
.Ltmp4:
0x77: {  	_ =	swait.ge [sflag:s12], $0x4000;
	(pc) =	sbr.rel @!p0 .LBB2_8-.Ltmp4, $4  }
0x78: {  	[sflag:s12] =	ssyncset.done $0x0  }
0x79: {  	[sflag:s12] =	ssyncadd.s32 $0xFFFFC000  }
0x7a: {  	_ =	strace $0x90000062  }
0x7b: {  	_ = 	snop  }
.LBB2_2:
.Ltmp5:
0x7c: {  	(pc) =	sbr.rel .LBB2_7-.Ltmp5, $4  }
0x7d: {  	_ = 	snop  }
0x7e: {  	s14 =	simm.s32 $0x0  }
0x7f: {  	s12 =	simm.s32 $0x0;
	s15 =	simm.s32 $0x0;
	s18 =	smov.u32 s13  }
0x80: {  	s20 =	simm.s32 $0x0;
	s17 =	simm.s32 $0x1;
	s13 =	simm.s32 $0x0  }
.LBB2_4:
.Ltmp6:
0x81: {  	(pc) =	sbr.rel .LBB2_7-.Ltmp6, $3  }
0x82: {  	_ =	sdelay $0x1  }
0x83: {  	s14 =	simm.s32 $0x0  }
0x84: {  	s15 =	simm.s32 $0x0;
	s20 =	simm.s32 $0x0;
	p6 =	por $0x1, $0x1  }
.LBB2_8:
0x85: {  	_ =	sfence.sel $0x180000  }
0x86: {  	[bflag:$0x0] =	sbarrier.arrive $0xFFFF  }
0x87: {  	p0 =	sne.s32 s1, $0x0;
	_ =	strace $0x9000005B  }
0x88: {  	s0 =	sadd.s32 @!p0 $0x100000, s0;
	[bflag:$0x2] =	sbarrier.arrive $0xFFFF  }
0x89: {  	[sflag:s0] =	ssyncadd.tile.s32 @!p0 $0x1;
	_ =	shalt  }
.Lfunc_end2:
_tile_overlayer_lowered:
.L_overlay_start_2:
0x8a: {  	(tag) =	ssettag $0x2  }
0x8b: {  	s0 =	rddreg [dreg:$0x0];
	s2 =	stileid.u32  }
0x8c: {  	s1 =	rddreg [dreg:$0x1];
	p0 =	sne.s32 s2, $0x0  }
0x8d: {  	s3 =	rddreg [dreg:$0x2];
	[bflag:$0x3] =	sbarrier.arrive $0xFFFF;
	s2 =	simm.s32 @!p0 $0x1C01  }
0x8e: {  	[timem:s3], [sflag:s2] =	dma.local @!p0 [hbm:s0], s1  }
0x8f: {  	s0 =	simm.s32 @!p0 $0x1  }
0x90: {  	_ =	swait.ge @!p0 [sflag:s0], s1  }
0x91: {  	s1 =	ssub.s32 @!p0 $0x0, s1;
	[sflag:s0] =	ssyncset.done @!p0 $0x0  }
0x92: {  	[sflag:s0] =	ssyncadd.s32 @!p0 s1  }
0x93: {  	[bflag:$0x3] =	sbarrier.arrive $0xFFFF  }
0x94: {  	_ =	shalt  }

// kernel: kernel.8.cloned.1.call-start
scs
__scs_entry_jumppad:
0x0: {  	(pc) =	sbr.rel $0x88, $3  }
0x1: {  	(tag) =	ssettag $0x0;
	lr =	simm.s32 $0x1  }
0x2: {  	[smem:$0x3F99] =	sst lr;
	_ =	strace $0xD0000000  }
0x3: {  	_ = 	snop  }
0x4: {  	_ = 	snop  }
0x5: {  	_ = 	snop  }
0x6: {  	_ = 	snop  }
0x7: {  	_ = 	snop  }
__scs_overlays_trampoline_lowered:
0x8: {  	[smem:$0x3FA8] =	sst s0  }
0x9: {  	[smem:$0x3FA9] =	sst s1  }
0xa: {  	[smem:$0x3FAA] =	sst s2  }
0xb: {  	[smem:$0x3FAB] =	sst s3  }
0xc: {  	[smem:$0x3FAC] =	sst s4  }
0xd: {  	[smem:$0x3FAD] =	sst s5  }
0xe: {  	[smem:$0x3FAE] =	sst s6  }
0xf: {  	[smem:$0x3FAF] =	sst s7  }
0x10: {  	[smem:$0x3FB0] =	sst s8  }
0x11: {  	[smem:$0x3FB1] =	sst s9;
	s0 =	simm.s32 @!p0 $0x0  }
0x12: {  	s1 =	sld [smem:$0x3F97];
	s0 =	simm.s32 @p0 $0x1  }
0x13: {  	[smem:$0x3FB2] =	sst s0;
	s0 =	simm.s32 @!p1 $0x0  }
0x14: {  	s2 =	sld [smem:$0x3F96];
	s0 =	simm.s32 @p1 $0x1  }
0x15: {  	[smem:$0x3FB3] =	sst s0;
	s0 =	simm.s32 @!p2 $0x0  }
0x16: {  	s3 =	sld [smem:$0x3FDB];
	s0 =	simm.s32 @p2 $0x1  }
0x17: {  	s4 =	simm.s32 $0x1BF5;
	[smem:$0x3FB5] =	sst s0  }
0x18: {  	s0 =	sld [smem:$0x3F98];
	_ =	swait.ge [sflag:s4], $0x0  }
0x19: {  	s7 =	sld [smem:$0x3F99]  }
0x1a: {  	s8 =	sadd.s32 $0xFFFFE003, lr  }
0x1b: {  	s9 =	sadd.s32 $0xFFFFFEF7, lr;
	s5 =	simm.s32 $0xFFFFFFFF;
	p2 =	slt.u32 s8, $0xFFFFF086  }
0x1c: {  	p1 =	slt.u32 s9, $0xF7A;
	s5 =	simm.s32 @!p2 $0x0  }
0x1d: {  	s5 =	simm.s32 @p1 $0x1;
	p0 =	seq.s32 s7, s2  }
0x1e: {  	s7 =	smul.u32 @!p0 $0xF7A, s2;
	p2 =	seq.s32 @!p0 s5, $0x0  }
0x1f: {  	s9 =	smul.u32 $0xF7A, s1;
	s8 =	simm.s32 @!p0 $0x1BF5;
	p2 =	por !p2, p0  }
0x20: {  	[sflag:s8] =	ssyncset.s32 @!p0 $0xFFFFF086;
	s6 =	sadd.s32 @!p0 s3, s7;
	s7 =	simm.s32 @!p0 $0x108  }
0x21: {  	s3 =	sadd.s32 s3, s9;
	s6 =	sadd.s32 @!p0 $0x88, s6;
	s7 =	simm.s32 @p2 $0x1082  }
0x22: {  	[simem:s7], [sflag:s8] =	dma.local @!p0 [hbm:s6], $0xF7A  }
0x23: {  	s9 =	sor.u32 $0xD0000000, s2;
	s6 =	simm.s32 $0x108;
	_ =	swait.ge @!p0 [sflag:s8], $0x0  }
0x24: {  	s3 =	sadd.s32 $0x88, s3;
	s6 =	simm.s32 @!p1 $0x1082;
	[sflag:s4] =	ssyncset.s32 $0xFFFFF086  }
0x25: {  	[simem:s6], [sflag:s4] =	dma.local [hbm:s3], $0xF7A  }
0x26: {  	[smem:$0x3F99] =	sst s1;
	(tag) =	ssettag s2;
	_ =	strace s9  }
0x27: {  	s1 =	sld [smem:$0x3FA9]  }
0x28: {  	s2 =	sld [smem:$0x3FAA]  }
0x29: {  	s4 =	sld [smem:$0x3FAC]  }
0x2a: {  	p0 =	seq.s32 s5, $0x0;
	s5 =	sld [smem:$0x3FAD]  }
0x2b: {  	s6 =	sld [smem:$0x3FAE]  }
0x2c: {  	s7 =	sld [smem:$0x3FAF]  }
0x2d: {  	s3 =	simm.s32 $0x108;
	s8 =	sld [smem:$0x3FB0]  }
0x2e: {  	s3 =	simm.s32 @!p0 $0x1082;
	s9 =	sld [smem:$0x3FB1]  }
0x2f: {  	lr =	sadd.s32 s0, s3;
	s0 =	sld [smem:$0x3FA8]  }
0x30: {  	s3 =	sld [smem:$0x3FAB]  }
0x31: {  	[smem:$0x3FB4] =	sst s10  }
0x32: {  	s10 =	sld [smem:$0x3FB2];
	_ =	sdelay $0x3  }
0x33: {  	p0 =	seq.s32 s10, $0x1;
	s10 =	sld [smem:$0x3FB4];
	_ =	sdelay $0x3  }
0x34: {  	[smem:$0x3FB4] =	sst s10  }
0x35: {  	s10 =	sld [smem:$0x3FB3];
	_ =	sdelay $0x3  }
0x36: {  	p1 =	seq.s32 s10, $0x1;
	s10 =	sld [smem:$0x3FB4];
	_ =	sdelay $0x3  }
0x37: {  	[smem:$0x3FB4] =	sst s10  }
0x38: {  	s10 =	sld [smem:$0x3FB5]  }
0x39: {  	_ = 	snop;
	(pc) =	sbr.ind lr, $3  }
0x3a: {  	_ = 	snop  }
0x3b: {  	_ = 	snop  }
0x3c: {  	p2 =	seq.s32 s10, $0x1;
	s10 =	sld [smem:$0x3FB4]  }
0x3d: {  	_ =	shalt  }
0x3e: {  	_ =	shalt  }
0x3f: {  	_ =	shalt  }
0x40: {  	_ =	shalt  }
0x41: {  	_ =	shalt  }
0x42: {  	_ =	shalt  }
0x43: {  	_ =	shalt  }
0x44: {  	_ =	shalt  }
0x45: {  	_ =	shalt  }
0x46: {  	_ =	shalt  }
0x47: {  	_ =	shalt  }
0x48: {  	_ =	shalt  }
0x49: {  	_ =	shalt  }
0x4a: {  	_ =	shalt  }
0x4b: {  	_ =	shalt  }
0x4c: {  	_ =	shalt  }
0x4d: {  	_ =	shalt  }
0x4e: {  	_ =	shalt  }
0x4f: {  	_ =	shalt  }
0x50: {  	_ =	shalt  }
0x51: {  	_ =	shalt  }
0x52: {  	_ =	shalt  }
0x53: {  	_ =	shalt  }
0x54: {  	_ =	shalt  }
0x55: {  	_ =	shalt  }
0x56: {  	_ =	shalt  }
0x57: {  	_ =	shalt  }
0x58: {  	_ =	shalt  }
0x59: {  	_ =	shalt  }
0x5a: {  	_ =	shalt  }
0x5b: {  	_ =	shalt  }
0x5c: {  	_ =	shalt  }
0x5d: {  	_ =	shalt  }
0x5e: {  	_ =	shalt  }
0x5f: {  	_ =	shalt  }
0x60: {  	_ =	shalt  }
0x61: {  	_ =	shalt  }
0x62: {  	_ =	shalt  }
0x63: {  	_ =	shalt  }
0x64: {  	_ =	shalt  }
0x65: {  	_ =	shalt  }
0x66: {  	_ =	shalt  }
0x67: {  	_ =	shalt  }
0x68: {  	_ =	shalt  }
0x69: {  	_ =	shalt  }
0x6a: {  	_ =	shalt  }
0x6b: {  	_ =	shalt  }
0x6c: {  	_ =	shalt  }
0x6d: {  	_ =	shalt  }
0x6e: {  	_ =	shalt  }
0x6f: {  	_ =	shalt  }
0x70: {  	_ =	shalt  }
0x71: {  	_ =	shalt  }
0x72: {  	_ =	shalt  }
0x73: {  	_ =	shalt  }
0x74: {  	_ =	shalt  }
0x75: {  	_ =	shalt  }
0x76: {  	_ =	shalt  }
0x77: {  	_ =	shalt  }
0x78: {  	_ =	shalt  }
0x79: {  	_ =	shalt  }
0x7a: {  	_ =	shalt  }
0x7b: {  	_ =	shalt  }
0x7c: {  	_ =	shalt  }
0x7d: {  	_ =	shalt  }
0x7e: {  	_ =	shalt  }
0x7f: {  	_ =	shalt  }
0x80: {  	_ =	shalt  }
0x81: {  	_ =	shalt  }
0x82: {  	_ =	shalt  }
0x83: {  	_ =	shalt  }
0x84: {  	_ =	shalt  }
0x85: {  	_ =	shalt  }
0x86: {  	_ =	shalt  }
0x87: {  	_ =	shalt  }
.Lfunc_end0:
.L_simem_size_0:
called_computation_lowered:
.L_overlay_start_0:
0x88: {  	s2 =	sld [smem:$0x3FD9]  }
0x89: {  	s3 =	sld [smem:$0x3FFE];
	_ =	sdelay $0x1  }
0x8a: {  	s1 =	srdreg.scid  }
0x8b: {  	s0 =	sand.u32 $0x1, s1  }
0x8c: {  	s17 =	sshll.u32 s0, $0xA;
	s2 =	sadd.s32 s3, s2  }
0x8d: {  	s2 =	sadd.s32 s2, s17  }
0x8e: {  	[smem:$0x3FC0] =	sst s2  }
0x8f: {  	_ = 	snop  }
0x90: {  	s2 =	sld [smem:$0x3FC7]  }
0x91: {  	s18 =	sld [smem:$0x3FD0];
	(tm) =	ssettm $0x1  }
0x92: {  	s4 =	sld [smem:$0x3FFB];
	_ =	sdelay $0x3  }
0x93: {  	_ =	strace s4  }
0x94: {  	s4 =	sld [smem:$0x3FFC];
	_ =	sdelay $0x3  }
0x95: {  	_ =	strace s4  }
0x96: {  	s4 =	sld [smem:$0x3FFD];
	_ =	sdelay $0x3  }
0x97: {  	_ =	strace s4  }
0x98: {  	_ =	strace $0x8FFFFFFF  }
0x99: {  	s19 =	sld [smem:$0x3FDB];
	_ =	sdelay $0x1  }
0x9a: {  	s5 =	simm.s32 $_scs_section_size  }
0x9b: {  	s6 =	simm.s32 $_size__tile_overlayer_lowered;
	s7 =	simm.s32 $_tile_overlayer_lowered  }
0x9c: {  	s22 =	simm.s32 $0x1BFF;
	s21 =	sshll.u32 s7, $0x1;
	s4 =	sadd.s32 s5, s19  }
0x9d: {  	s8 =	simm.s32 $0x0;
	s20 =	sshll.u32 s6, $0x1;
	s6 =	sadd.s32 s21, s4  }
0x9e: {  	[timem:s8], [sflag:s22] =	dma.local [hbm:s6], s20  }
0x9f: {  	_ =	swait.ge [sflag:s22], s20  }
0xa0: {  	s5 =	ssub.s32 $0x0, s20;
	[sflag:s22] =	ssyncset.done $0x0  }
0xa1: {  	[sflag:s22] =	ssyncadd.s32 s5;
	_ =	sdelay $0x1  }
0xa2: {  	s23 =	simm.s32 $0x1B8B  }
0xa3: {  	_ =	swait.ge [sflag:s23], $0x1  }
0xa4: {  	[sflag:s23] =	ssyncset.done $0x0  }
0xa5: {  	s25 =	simm.s32 $0x1B8E;
	s24 =	sld [smem:$0x3FFE];
	[sflag:s23] =	ssyncadd.s32 $0xFFFFFFFF  }
0xa6: {  	s26 =	simm.s32 $execute0_lowered;
	[smem:$0x3FD2] =	sst s25  }
0xa7: {  	s6 =	sshll.u32 s26, $0x1;
	_ =	strace $0x80000046;
	[dreg:$0x1] =	wrdreg $0xFFFFFFFF  }
0xa8: {  	s28 =	simm.s32 $_size_execute0_lowered;
	s4 =	sadd.s32 s4, s6;
	[dreg:$0x0] =	wrdreg $0x0  }
0xa9: {  	s6 =	sshll.u32 s28, $0x1;
	[dreg:$0x2] =	wrdreg s4  }
0xaa: {  	[dreg:$0x3] =	wrdreg s6  }
0xab: {  	[dreg:$0x4] =	wrdreg $0xC0  }
0xac: {  	_ =	task [dreg:s8], $0x5FFFF  }
0xad: {  	[dreg:$0x1] =	wrdreg $0xFFFFFFFF  }
0xae: {  	[dreg:$0x0] =	wrdreg $0x60  }
0xaf: {  	[dreg:$0x2] =	wrdreg s2  }
0xb0: {  	[dreg:$0x3] =	wrdreg s24  }
0xb1: {  	[dreg:$0x4] =	wrdreg s18  }
0xb2: {  	[dreg:$0x5] =	wrdreg $0x9  }
0xb3: {  	_ =	task.clear_ibuf [dreg:s8], $0x6FFFF;
	_ =	strace $0x90000046  }
0xb4: {  	s29 =	simm.s32 $0x9;
	_ =	strace $0x8000004F  }
0xb5: {  	_ =	swait.ge [sflag:s29], $0x1  }
0xb6: {  	[sflag:s29] =	ssyncadd.s32 $0xFFFFFFFF  }
0xb7: {  	_ =	strace $0x9000004F  }
0xb8: {  	_ =	sfence  }
0xb9: {  	s30 =	sld [smem:$0x0];
	_ =	sdelay $0x2  }
0xba: {  	s31 =	sshll.u32 s1, $0xD;
	s1 =	sshrl.u32 s1, $0x2  }
0xbb: {  	s3 =	sand.u32 $0x4000, s31;
	s1 =	sadd.s32 s1, s30  }
0xbc: {  	s0 =	sor.u32 s3, s0;
	s1 =	sshll.u32 s1, $0x11  }
0xbd: {  	s0 =	sor.u32 s1, s0  }
0xbe: {  	s0 =	sadd.s32 $0x8F2B, s0  }
0xbf: {  	[sflag:s0] =	ssyncadd.remote.s32 $0x1  }
0xc0: {  	_ =	sfence.sel $0xFFFF  }
0xc1: {  	[dreg:$0x0] =	wrdreg $0xFFFFFFFF;
	(pc) =	sbr.abs _section_cstart, $3  }
0xc2: {  	[dreg:$0x1] =	wrdreg $0xFFFFFFFF  }
0xc3: {  	_ =	task.clear_ibuf [dreg:s8], $0x2FFFF;
	_ =	strace $0x9FFFFFFF  }
0xc4: {  	(tm) =	ssettm $0x7FFFFFFF  }
0xc5: {  	_ =	shalt  }
tec
execute0_lowered:
.L_overlay_start_1:
0x0: {  	(tag) =	ssettag $0x1  }
0x1: {  	s0 =	rddreg [dreg:$0x0]  }
0x2: {  	s29 =	srdreg.scid;
	s3 =	rddreg [dreg:$0x1]  }
0x3: {  	s1 =	rddreg [dreg:$0x2];
	s31 =	simm.s32 $0x80;
	s9 =	simm.s32 $0x3  }
0x4: {  	s10 =	simm.s32 $0x0;
	[dreg:$0x4] =	wrdreg s0;
	s4 =	sand.u32 $0x1, s29  }
0x5: {  	s0 =	stileid.u32;
	[dreg:$0x6] =	wrdreg s1;
	s2 =	sshll.u32 s4, $0x4  }
0x6: {  	s1 =	rddreg [dreg:$0x3];
	s3 =	sadd.s32 $0x1800, s3;
	s5 =	sor.u32 s0, s2  }
0x7: {  	s7 =	sshll.u32 s0, $0x7;
	s4 =	ssub.s32 $0x2, s4;
	s6 =	smul.u32 $0xC80, s5  }
0x8: {  	s2 =	simm.s32 $0x0;
	s7 =	sand.u32 $0x380, s7;
	s8 =	sshrl.u32 s4, $0x1  }
0x9: {  	[smem:$0x7FF] =	sst s2;
	s30 =	ssub.s32 s4, s8;
	s6 =	sand.u32 $0x1FC00, s6  }
0xa: {  	s4 =	smul.u32 $0x19, s5;
	s8 =	simm.s32 $0x5;
	s6 =	sor.u32 s7, s6  }
0xb: {  	_ =	strace $0x80000047;
	[dreg:$0x5] =	wrdreg s31;
	s6 =	sshrl.u32 s6, $0x3  }
0xc: {  	s7 =	simm.s32 $0x1;
	s5 =	sadd.s32 s3, s6;
	s6 =	smax.u32 s30, $0x1  }
.LBB2_1:
0xd: {  	_ =	strace $0x80000048;
	s11 =	simm.s32 $0x1;
	p0 =	por $0x0, $0x0  }
0xe: {  	[tilespmem:s2], [sflag:$0x1] =	stream.linear.gather [hbm4b:s5+s2], $0x80, $0x200038;
	[tilespmem:$0x8100] =	vst v63  }
0xf: {  	s11 =	simm.s32 @p0 $0x0  }
0x10: {  	p4 =	por $0x1, $0x1;
	s20 =	sand.u32 $0x1, s2;
	p1 =	sne.s32 s11, $0x0  }
0x11: {  	p2 =	por $0x1, $0x1;
	s17 =	simm.s32 $0x17;
	p0 =	por !p4, !p1  }
0x12: {  	s16 =	simm.s32 $0x0;
	p5 =	por $0x0, $0x0;
	p0 =	por !p0, !p0  }
0x13: {  	s23 =	sadd.s32 $0x0, s4;
	s30 =	sadd.s32 $0x1, s20;
	s12 =	sadd.s32 @p0 s4, s11  }
0x14: {  	_ =	strace $0x90000048;
	s13 =	sand.u32 @p0 $0x1, s7;
	s12 =	sshll.u32 @p0 s12, $0x4  }
0x15: {  	_ =	strace @p0 $0x80000049;
	s15 =	simm.s32 @p0 $0x0;
	s12 =	sand.u32 @p0 $0x1FFFFFF0, s12  }
0x16: {  	s14 =	sshll.u32 @p0 s13, $0x7;
	s13 =	sadd.s32 @p0 $0x1, s13;
	s12 =	sadd.s32 @p0 s3, s12  }
0x17: {  	[tilespmem:s14], [sflag:s13] =	stream.linear.gather @p0 [hbm4b:s12+s15], $0x80, $0x200038;
	[tilespmem:$0x8100] =	vst v63  }
0x18: {  	p3 =	por p2, p2;
	s21 =	sshll.u32 s20, $0xE;
	_ =	strace @p0 $0x90000049  }
0x19: {  	s16 =	sand.u32 $0x80, s16;
	p2 =	por p5, p5;
	_ =	strace $0x8000004A  }
0x1a: {  	s18 =	sadd.s32 $0x1, s11;
	s22 =	sor.u32 $0x100, s21;
	_ =	swait.ge [sflag:s30], $0x80  }
0x1b: {  	s21 =	simm.s32 $0x1;
	p6 =	por p1, p1;
	[sflag:s30] =	ssyncset.done $0x0  }
0x1c: {  	p1 =	por p3, p3;
	p4 =	por $0x1, $0x1;
	[sflag:s30] =	ssyncadd.s32 $0xFFFFFF80  }
0x1d: {  	s12 =	simm.s32 $0x18;
	s15 =	sand.u32 @!p3 $0x1, s2;
	_ =	strace $0x9000004A  }
0x1e: {  	s13 =	simm.s32 $0x1;
	p3 =	seq.s32 s18, $0x19;
	_ =	strace $0x8000004B  }
0x1f: {  	s13 =	simm.s32 @!p0 $0x0;
	s18 =	simm.s32 @p3 $0x0;
	s19 =	rddreg [dreg:$0x5]  }
0x20: {  	p0 =	por $0x0, $0x0;
	s14 =	sadd.s32 $0x1, s13;
	s31 =	rddreg [dreg:$0x4]  }
0x21: {  	[tilespmem:s22], [sflag:$0x5] =	stream.indirect.gather [hbm4b:s31+s19], $0x80, s16, s19, $0x2000b8;
	[tilespmem:$0x8100] =	vst v63  }
0x22: {  	p3 =	sne.s32 s11, s18;
	s21 =	simm.s32 @!p0 $0x0;
	_ =	swait.ge [sflag:s8], $0x4000  }
0x23: {  	p5 =	por !p4, !p3;
	p4 =	por $0x0, $0x0;
	[sflag:s8] =	ssyncset.done $0x0  }
0x24: {  	s13 =	simm.s32 $0x0;
	p6 =	por p4, p6;
	[sflag:s8] =	ssyncadd.s32 $0xFFFFC000  }
0x25: {  	s16 =	simm.s32 $0x0;
	s19 =	simm.s32 $0x0;
	_ =	strace $0x9000004B  }
.LBB2_2:
0x26: {  	_ =	strace @p6 $0x8000004C;
	s13 =	sadd.s32 s21, s13;
	s21 =	smov.u32 s12  }
0x27: {  	s12 =	smov.u32 s17;
	s17 =	sadd.s32 $0xFFFFFFFF, s17;
	p0 =	por p3, p3  }
0x28: {  	s28 =	sshll.u32 @p6 s23, $0xB;
	s20 =	sadd.s32 @p6 $0x3, s20;
	s24 =	simm.s32 @!p0 $0x0  }
0x29: {  	s25 =	rddreg [dreg:$0x6];
	s28 =	sand.u32 @p6 $0x1FFFF800, s28;
	s24 =	simm.s32 @p0 $0x1  }
0x2a: {  	s25 =	sadd.s32 @p6 s25, s28;
	s28 =	simm.s32 @p6 $0x0;
	p0 =	sne.s32 s17, $0x0  }
0x2b: {  	[hbm4b:s25+s28] =	stream.linear.scatter @p6 [tilespmem:s22], [sflag:s20], $0x4000, $0x200038;
	[tilespmem:$0x8100] =	vst v63  }
0x2c: {  	s20 =	sadd.s32 @!p1 $0x3, s15;
	s15 =	simm.s32 @!p0 $0x0  }
0x2d: {  	s26 =	simm.s32 $0x1;
	[smem:$0x7FC] =	sst s24;
	s15 =	simm.s32 @p0 $0x1  }
0x2e: {  	s26 =	simm.s32 @!p6 $0x0;
	_ =	strace @p6 $0x9000004C;
	[smem:$0x7FD] =	sst s15  }
0x2f: {  	p5 =	por !p5, !p5;
	s19 =	sadd.s32 s26, s19;
	_ =	strace @!p1 $0x8000004D  }
0x30: {  	s24 =	sand.u32 @!p2 $0x1, s13;
	s22 =	sadd.s32 @p5 s4, s18;
	_ =	swait.ge @!p1 [sflag:s20], $0x4000  }
0x31: {  	s22 =	sshll.u32 @p5 s22, $0x4;
	s15 =	smov.u32 s24;
	[sflag:s20] =	ssyncset.done @!p1 $0x0  }
0x32: {  	s24 =	sand.u32 @p5 $0x1, s14;
	s22 =	sand.u32 @p5 $0x1FFFFFF0, s22;
	[sflag:s20] =	ssyncadd.s32 @!p1 $0xFFFFC000  }
0x33: {  	s25 =	sshll.u32 @p5 s24, $0x7;
	s22 =	sadd.s32 @p5 s3, s22;
	_ =	strace @!p1 $0x9000004D  }
0x34: {  	s20 =	sadd.s32 @p5 $0x1, s24;
	s24 =	simm.s32 @p5 $0x0;
	_ =	strace @p5 $0x80000049  }
0x35: {  	[tilespmem:s25], [sflag:s20] =	stream.linear.gather @p5 [hbm4b:s22+s24], $0x80, $0x200038;
	[tilespmem:$0x8100] =	vst v63  }
0x36: {  	s16 =	sadd.s32 s26, s16;
	s26 =	sand.u32 $0x1, s19;
	_ =	strace @p5 $0x90000049  }
0x37: {  	s24 =	sadd.s32 $0x1, s26;
	_ =	strace $0x8000004A  }
0x38: {  	_ =	swait.ge [sflag:s24], $0x80  }
0x39: {  	[sflag:s24] =	ssyncset.done $0x0  }
0x3a: {  	s20 =	simm.s32 $0x1;
	[sflag:s24] =	ssyncadd.s32 $0xFFFFFF80  }
0x3b: {  	s20 =	simm.s32 @!p5 $0x0;
	_ =	strace $0x9000004A  }
0x3c: {  	s14 =	sadd.s32 s20, s14;
	s20 =	sand.u32 $0x1, s16;
	_ =	strace $0x8000004B  }
0x3d: {  	s29 =	sshll.u32 s19, $0x7;
	s25 =	sshll.u32 s20, $0xE;
	s26 =	rddreg [dreg:$0x5]  }
0x3e: {  	s29 =	sand.u32 $0x80, s29;
	s22 =	sor.u32 $0x100, s25;
	s30 =	rddreg [dreg:$0x4]  }
0x3f: {  	[tilespmem:s22], [sflag:$0x5] =	stream.indirect.gather [hbm4b:s30+s26], $0x80, s29, s26, $0x2000b8;
	[tilespmem:$0x8100] =	vst v63  }
0x40: {  	_ =	swait.ge [sflag:s8], $0x4000  }
0x41: {  	s31 =	sadd.s32 $0x1, s18;
	[sflag:s8] =	ssyncset.done $0x0  }
0x42: {  	s23 =	sadd.s32 s4, s11;
	s11 =	smov.u32 s18;
	[sflag:s8] =	ssyncadd.s32 $0xFFFFC000  }
0x43: {  	p3 =	seq.s32 s31, $0x19;
	s18 =	smov.u32 s31;
	_ =	strace $0x9000004B  }
0x44: {  	s18 =	simm.s32 @p3 $0x0;
	s31 =	sld [smem:$0x7FD]  }
0x45: {  	p6 =	sne.s32 s12, $0x1;
	p0 =	sne.s32 s21, $0x19;
	p3 =	sne.s32 s11, s18  }
0x46: {  	p5 =	por !p6, !p3;
	p6 =	seq.s32 s21, $0x1;
	s21 =	simm.s32 $0x1  }
0x47: {  	s21 =	simm.s32 @!p0 $0x0;
	p0 =	seq.s32 s31, $0x1  }
.Ltmp0:
0x48: {  	s30 =	sld [smem:$0x7FC];
	(pc) =	sbr.rel @p0 .LBB2_2-.Ltmp0, $4  }
0x49: {  	_ = 	snop  }
0x4a: {  	p4 =	seq.s32 s12, $0x19  }
0x4b: {  	p1 =	por p2, p2;
	p2 =	por p4, p4;
	p4 =	seq.s32 s30, $0x1  }
0x4c: {  	p6 =	por p6, p4  }
0x4d: {  	_ =	strace @p6 $0x8000004C;
	s23 =	sshll.u32 @p6 s23, $0xB  }
0x4e: {  	s17 =	rddreg [dreg:$0x6];
	s23 =	sand.u32 @p6 $0x1FFFF800, s23  }
0x4f: {  	s20 =	sadd.s32 @p6 $0x3, s20;
	s17 =	sadd.s32 @p6 s17, s23;
	s23 =	simm.s32 @p6 $0x0  }
0x50: {  	[hbm4b:s17+s23] =	stream.linear.scatter @p6 [tilespmem:s22], [sflag:s20], $0x4000, $0x200038;
	[tilespmem:$0x8100] =	vst v63  }
0x51: {  	p0 =	por !p5, !p5;
	_ =	strace @p6 $0x9000004C  }
0x52: {  	s15 =	sadd.s32 @!p1 $0x3, s15;
	s18 =	sadd.s32 @p0 s4, s18;
	_ =	strace @!p1 $0x8000004D  }
0x53: {  	s14 =	sand.u32 @p0 $0x1, s14;
	s18 =	sshll.u32 @p0 s18, $0x4;
	_ =	swait.ge @!p1 [sflag:s15], $0x4000  }
0x54: {  	s17 =	simm.s32 $0x1;
	s20 =	sshll.u32 @p0 s14, $0x7;
	[sflag:s15] =	ssyncset.done @!p1 $0x0  }
0x55: {  	s14 =	sadd.s32 @p0 $0x1, s14;
	s17 =	simm.s32 @!p6 $0x0;
	[sflag:s15] =	ssyncadd.s32 @!p1 $0xFFFFC000  }
0x56: {  	s19 =	sadd.s32 s17, s19;
	s15 =	sand.u32 @p0 $0x1FFFFFF0, s18;
	_ =	strace @!p1 $0x9000004D  }
0x57: {  	s18 =	simm.s32 @p0 $0x0;
	s15 =	sadd.s32 @p0 s3, s15;
	_ =	strace @p0 $0x80000049  }
0x58: {  	[tilespmem:s20], [sflag:s14] =	stream.linear.gather @p0 [hbm4b:s15+s18], $0x80, $0x200038;
	[tilespmem:$0x8100] =	vst v63  }
0x59: {  	s25 =	sand.u32 $0x1, s19;
	_ =	strace @p0 $0x90000049  }
0x5a: {  	s14 =	sadd.s32 $0x1, s25;
	_ =	strace $0x8000004A  }
0x5b: {  	_ =	swait.ge [sflag:s14], $0x80  }
0x5c: {  	[sflag:s14] =	ssyncset.done $0x0  }
0x5d: {  	[sflag:s14] =	ssyncadd.s32 $0xFFFFFF80  }
0x5e: {  	s26 =	sadd.s32 s17, s16;
	_ =	strace $0x9000004A  }
0x5f: {  	s14 =	sand.u32 $0x1, s26;
	_ =	strace $0x8000004B  }
0x60: {  	s30 =	sshll.u32 s19, $0x7;
	s31 =	sshll.u32 s14, $0xE;
	s28 =	rddreg [dreg:$0x5]  }
0x61: {  	s17 =	sand.u32 $0x80, s30;
	s18 =	sor.u32 $0x100, s31;
	s29 =	rddreg [dreg:$0x4]  }
0x62: {  	[tilespmem:s18], [sflag:$0x5] =	stream.indirect.gather [hbm4b:s29+s28], $0x80, s17, s28, $0x2000b8;
	[tilespmem:$0x8100] =	vst v63  }
0x63: {  	_ =	swait.ge [sflag:s8], $0x4000  }
0x64: {  	[sflag:s8] =	ssyncset.done $0x0  }
0x65: {  	p5 =	por p3, p3;
	p6 =	seq.s32 s12, $0x1;
	[sflag:s8] =	ssyncadd.s32 $0xFFFFC000  }
0x66: {  	s11 =	sadd.s32 s4, s11;
	p0 =	por p6, p5;
	_ =	strace $0x9000004B  }
0x67: {  	s11 =	sshll.u32 @p0 s11, $0xB;
	_ =	strace @p0 $0x8000004C  }
0x68: {  	s13 =	sadd.s32 s21, s13;
	s11 =	sand.u32 @p0 $0x1FFFF800, s11;
	s12 =	rddreg [dreg:$0x6]  }
0x69: {  	s14 =	sadd.s32 @p0 $0x3, s14;
	s11 =	sadd.s32 @p0 s12, s11;
	s12 =	simm.s32 @p0 $0x0  }
0x6a: {  	[hbm4b:s11+s12] =	stream.linear.scatter @p0 [tilespmem:s18], [sflag:s14], $0x4000, $0x200038;
	[tilespmem:$0x8100] =	vst v63  }
0x6b: {  	p1 =	por p2, p2;
	s11 =	sand.u32 @!p2 $0x1, s13;
	_ =	strace @p0 $0x9000004C  }
0x6c: {  	s11 =	sadd.s32 @!p1 $0x3, s11;
	_ =	strace @!p1 $0x8000004D  }
0x6d: {  	_ =	swait.ge @!p1 [sflag:s11], $0x4000  }
0x6e: {  	[sflag:s11] =	ssyncset.done @!p1 $0x0  }
0x6f: {  	s10 =	sadd.s32 $0x1, s10;
	[sflag:s11] =	ssyncadd.s32 @!p1 $0xFFFFC000  }
0x70: {  	p0 =	sne.s32 s10, s6;
	_ =	strace @!p1 $0x9000004D  }
.Ltmp1:
0x71: {  	_ =	strace $0x8000004E;
	(pc) =	sbr.rel @p0 .LBB2_1-.Ltmp1, $4  }
0x72: {  	_ =	swait.ge [sflag:s9], $0x4000  }
0x73: {  	[sflag:s9] =	ssyncset.done $0x0  }
0x74: {  	[sflag:s9] =	ssyncadd.s32 $0xFFFFC000  }
0x75: {  	_ =	strace $0x9000004E  }
0x76: {  	_ =	sfence.sel $0x180000  }
0x77: {  	[bflag:$0x0] =	sbarrier.arrive $0xFFFF  }
0x78: {  	p0 =	sne.s32 s0, $0x0;
	_ =	strace $0x90000047  }
0x79: {  	s0 =	sadd.s32 @!p0 $0x100000, s1;
	[bflag:$0x2] =	sbarrier.arrive $0xFFFF  }
0x7a: {  	[sflag:s0] =	ssyncadd.tile.s32 @!p0 $0x1;
	_ =	shalt  }
.Lfunc_end2:
_tile_overlayer_lowered:
.L_overlay_start_2:
0x7b: {  	(tag) =	ssettag $0x2  }
0x7c: {  	s0 =	rddreg [dreg:$0x0];
	s2 =	stileid.u32  }
0x7d: {  	s1 =	rddreg [dreg:$0x1];
	p0 =	sne.s32 s2, $0x0  }
0x7e: {  	s3 =	rddreg [dreg:$0x2];
	[bflag:$0x3] =	sbarrier.arrive $0xFFFF;
	s2 =	simm.s32 @!p0 $0x1C01  }
0x7f: {  	[timem:s3], [sflag:s2] =	dma.local @!p0 [hbm:s0], s1  }
0x80: {  	s0 =	simm.s32 @!p0 $0x1  }
0x81: {  	_ =	swait.ge @!p0 [sflag:s0], s1  }
0x82: {  	s1 =	ssub.s32 @!p0 $0x0, s1;
	[sflag:s0] =	ssyncset.done @!p0 $0x0  }
0x83: {  	[sflag:s0] =	ssyncadd.s32 @!p0 s1  }
0x84: {  	[bflag:$0x3] =	sbarrier.arrive $0xFFFF  }
0x85: {  	_ =	shalt  }

</sc_bundles>
